<compile_context>
chip_gen: v7x
topology: tpu7x:2x2x1
jax: 0.10.2.dev20260603
libtpu: 0.0.44.dev20260713+nightly
codegen_flags: <defaults>
</compile_context>

<pallas_src>
import functools

import jax
import jax.numpy as jnp
from jax import lax
from jax.experimental import pallas as pl
from jax.experimental.pallas import tpu as pltpu
from jax.experimental.pallas import tpu_sc as plsc

B = 4
S = 2048
D = 1024
NC = 2
NS = 16
NW = NC * NS
S_PER_W = S // NW
CH = 16
NSUB = S_PER_W // CH
NCHUNK = NSUB * B
NBUF = 5
DEPTH = 3
VECS = CH * D // 16
COLS = D // 16


def _sc_body(ids_hbm, pos_hbm, table_hbm, out_hbm,
             idx_v, pos0, pos1, *rest):
    rows = rest[:NBUF]
    idx_sem, psem0, psem1 = rest[NBUF:NBUF + 3]
    gsem = rest[NBUF + 3:2 * NBUF + 3]
    ssem = rest[2 * NBUF + 3:3 * NBUF + 3]
    pos = (pos0, pos1)
    psem = (psem0, psem1)

    c = lax.axis_index("c")
    s = lax.axis_index("s")
    w = s * NC + c
    s_base = w * S_PER_W

    idx_hs = [pltpu.async_copy(ids_hbm.at[b, pl.ds(s_base, S_PER_W)],
                               idx_v.at[b], idx_sem)
              for b in range(B)]
    for h in idx_hs:
        h.wait()

    gather_h = [None] * NBUF
    store_h = [None] * NBUF
    pos_h = [None, None]

    def start_gather(j):
        sub, b = j // B, j % B
        r = j % NBUF
        idx_ref = idx_v.at[b, pl.ds(sub * CH, CH)]
        gather_h[r] = pltpu.async_copy(
            table_hbm.at[idx_ref], rows[r], gsem[r])

    def start_pos_load(sub):
        pos_h[sub % 2] = pltpu.async_copy(
            pos_hbm.at[pl.ds(s_base + sub * CH, CH)],
            pos[sub % 2], psem[sub % 2])

    start_pos_load(0)
    for j in range(DEPTH):
        start_gather(j)

    for j in range(NCHUNK):
        sub, b = j // B, j % B
        if j + DEPTH < NCHUNK:
            r_next = (j + DEPTH) % NBUF
            if store_h[r_next] is not None:
                store_h[r_next].wait()
                store_h[r_next] = None
            start_gather(j + DEPTH)
        if j % B == 0:
            pos_h[sub % 2].wait()
            if sub + 1 < NSUB:
                start_pos_load(sub + 1)
        gather_h[j % NBUF].wait()
        rbuf = rows[j % NBUF]
        pbuf = pos[sub % 2]

        @plsc.parallel_loop(0, VECS, unroll=8)
        def add_body(i):
            r = i // COLS
            col = (i % COLS) * 16
            v = pbuf[r, pl.ds(col, 16)]
            plsc.addupdate(rbuf.at[r, pl.ds(col, 16)], v)

        store_h[j % NBUF] = pltpu.async_copy(
            rbuf, out_hbm.at[b, pl.ds(s_base + sub * CH, CH)],
            ssem[j % NBUF])

    for r in range(NBUF):
        if store_h[r] is not None:
            store_h[r].wait()


@functools.partial(
    pl.kernel,
    out_type=jax.ShapeDtypeStruct((B, S, D), jnp.float32),
    mesh=plsc.VectorSubcoreMesh(core_axis_name="c", subcore_axis_name="s"),
    scratch_types=(
        [pltpu.VMEM((B, S_PER_W), jnp.int32)]
        + [pltpu.VMEM((CH, D), jnp.float32)] * 2
        + [pltpu.VMEM((CH, D), jnp.float32)] * NBUF
        + [pltpu.SemaphoreType.DMA] * (3 + 2 * NBUF)
    ),
)
def _embed_kernel(ids_hbm, pos_hbm, table_hbm, out_hbm, *scratch):
    _sc_body(ids_hbm, pos_hbm, table_hbm, out_hbm, *scratch)


def kernel(input_ids, src_table, pos_table):
    return _embed_kernel(input_ids.astype(jnp.int32), pos_table, src_table)

# --- scband reference (transcript-rebuilt; emitter-appended) ---
"""Pipeline reference for scband-embeddings-57870389346565 (READ-ONLY COPY).

The authoritative reference and input builder live on the scoring server;
editing this copy changes nothing except your own understanding.
"""

import jax, jax.numpy as jnp
import numpy as np

SRC_VOCAB = 100000
EMBED_DIM = 1024
MAX_SRC_LEN = 2048
BATCH = 4
SEQ_LEN = 2048


def setup_inputs(seed: int = 0) -> dict:
    key = jax.random.key(seed)
    k1, k2, k3 = jax.random.split(key, 3)
    input_ids = jax.random.randint(k1, (BATCH, SEQ_LEN), 0, SRC_VOCAB, dtype=jnp.int64 if jax.config.jax_enable_x64 else jnp.int32)
    src_table = jax.random.normal(k2, (SRC_VOCAB, EMBED_DIM), dtype=jnp.float32) * 0.02
    pos_table = jax.random.normal(k3, (MAX_SRC_LEN, EMBED_DIM), dtype=jnp.float32) * 0.02
    return {"input_ids": input_ids, "src_table": src_table, "pos_table": pos_table}


def reference(input_ids, src_table, pos_table):
    # Embeddings.forward_src: token embedding lookup + learned positional encoding
    emb = jnp.take(src_table, input_ids, axis=0)          # [B, S, D] gather
    seq_len = input_ids.shape[1]
    pos = pos_table[:seq_len, :][None, :, :]              # [1, S, D]
    return emb + pos

if __name__ == "__main__":
    import jax
    _d = setup_inputs()
    print(jax.jit(kernel)(*tuple(_d.values())))

</pallas_src>

<mosaic_0001>
#map = affine_map<(d0, d1) -> (0, 0)>
#map1 = affine_map<(d0, d1) -> (0, 0, 0)>
module attributes {stable_mosaic.version = 14 : i64} {
  func.func @_embed_kernel(%arg0: i32, %arg1: i32, %arg2: memref<4x2048xi32, #tpu.memory_space<hbm>>, %arg3: memref<2048x1024xf32, #tpu.memory_space<hbm>>, %arg4: memref<100000x1024xf32, #tpu.memory_space<hbm>>, %arg5: memref<4x2048x1024xf32, #tpu.memory_space<hbm>>, %arg6: memref<4x64xi32, #tpu.memory_space<vmem>>, %arg7: memref<16x1024xf32, #tpu.memory_space<vmem>>, %arg8: memref<16x1024xf32, #tpu.memory_space<vmem>>, %arg9: memref<16x1024xf32, #tpu.memory_space<vmem>>, %arg10: memref<16x1024xf32, #tpu.memory_space<vmem>>, %arg11: memref<16x1024xf32, #tpu.memory_space<vmem>>, %arg12: memref<16x1024xf32, #tpu.memory_space<vmem>>, %arg13: memref<16x1024xf32, #tpu.memory_space<vmem>>, %arg14: memref<!tpu.dma_semaphore, #tpu.memory_space<semaphore_mem>>, %arg15: memref<!tpu.dma_semaphore, #tpu.memory_space<semaphore_mem>>, %arg16: memref<!tpu.dma_semaphore, #tpu.memory_space<semaphore_mem>>, %arg17: memref<!tpu.dma_semaphore, #tpu.memory_space<semaphore_mem>>, %arg18: memref<!tpu.dma_semaphore, #tpu.memory_space<semaphore_mem>>, %arg19: memref<!tpu.dma_semaphore, #tpu.memory_space<semaphore_mem>>, %arg20: memref<!tpu.dma_semaphore, #tpu.memory_space<semaphore_mem>>, %arg21: memref<!tpu.dma_semaphore, #tpu.memory_space<semaphore_mem>>, %arg22: memref<!tpu.dma_semaphore, #tpu.memory_space<semaphore_mem>>, %arg23: memref<!tpu.dma_semaphore, #tpu.memory_space<semaphore_mem>>, %arg24: memref<!tpu.dma_semaphore, #tpu.memory_space<semaphore_mem>>, %arg25: memref<!tpu.dma_semaphore, #tpu.memory_space<semaphore_mem>>, %arg26: memref<!tpu.dma_semaphore, #tpu.memory_space<semaphore_mem>>) attributes {dimension_semantics = [#tpu.dimension_semantics<core_parallel>, #tpu.dimension_semantics<subcore_parallel>], iteration_bounds = array<i64: 2, 16>, scalar_prefetch = 0 : i64, scratch_operands = 21 : i64, tpu.core_type = #tpu.core_type<sc_vector_subcore>, window_params = [{transform_indices = #map}, {transform_indices = #map}, {transform_indices = #map}, {transform_indices = #map1}]} {
    %mul3A = arith.constant 2 : i32
    %mul3A_0 = arith.muli %arg1, %mul3A : i32
    %add3A = arith.addi %mul3A_0, %arg0 : i32
    %mul3A_1 = arith.constant 64 : i32
    %mul3A_2 = arith.muli %add3A, %mul3A_1 : i32
    %dma_start3A = arith.constant 0 : i32
    %dma_start3A_3 = arith.constant 0 : i32
    %dma_start3A_4 = arith.constant 0 : i32
    %dma_start3A_5 = tpu.memref_slice %arg6[%dma_start3A_3, %dma_start3A_4] : memref<4x64xi32, #tpu.memory_space<vmem>> -> memref<1x64xi32, #tpu.memory_space<vmem>>
    %dma_start3A_6 = tpu.memref_squeeze %dma_start3A_5 : memref<1x64xi32, #tpu.memory_space<vmem>> -> memref<64xi32, #tpu.memory_space<vmem>>
    %dma_start3A_7 = tpu.memref_slice %arg2[%dma_start3A, %mul3A_2] : memref<4x2048xi32, #tpu.memory_space<hbm>> -> memref<1x64xi32, #tpu.memory_space<hbm>>
    %dma_start3A_8 = tpu.memref_squeeze %dma_start3A_7 : memref<1x64xi32, #tpu.memory_space<hbm>> -> memref<64xi32, #tpu.memory_space<hbm>>
    %dma_start3A_9 = arith.constant 0 : i32
    %dma_start3A_10 = tpu.memref_slice %arg6[%dma_start3A_3, %dma_start3A_9] : memref<4x64xi32, #tpu.memory_space<vmem>> -> memref<1x64xi32, #tpu.memory_space<vmem>>
    %dma_start3A_11 = tpu.memref_squeeze %dma_start3A_10 : memref<1x64xi32, #tpu.memory_space<vmem>> -> memref<64xi32, #tpu.memory_space<vmem>>
    %dma_start3A_12 = tpu.memref_slice %arg2[%dma_start3A, %mul3A_2] : memref<4x2048xi32, #tpu.memory_space<hbm>> -> memref<1x64xi32, #tpu.memory_space<hbm>>
    %dma_start3A_13 = tpu.memref_squeeze %dma_start3A_12 : memref<1x64xi32, #tpu.memory_space<hbm>> -> memref<64xi32, #tpu.memory_space<hbm>>
    tpu.enqueue_dma source(%dma_start3A_13 : memref<64xi32, #tpu.memory_space<hbm>>) target(%dma_start3A_11 : memref<64xi32, #tpu.memory_space<vmem>>) target_semaphore(%arg14 : memref<!tpu.dma_semaphore, #tpu.memory_space<semaphore_mem>>)
    %dma_start3A_14 = arith.constant 1 : i32
    %dma_start3A_15 = arith.constant 1 : i32
    %dma_start3A_16 = arith.constant 0 : i32
    %dma_start3A_17 = tpu.memref_slice %arg6[%dma_start3A_15, %dma_start3A_16] : memref<4x64xi32, #tpu.memory_space<vmem>> -> memref<1x64xi32, #tpu.memory_space<vmem>>
    %dma_start3A_18 = tpu.memref_squeeze %dma_start3A_17 : memref<1x64xi32, #tpu.memory_space<vmem>> -> memref<64xi32, #tpu.memory_space<vmem>>
    %dma_start3A_19 = tpu.memref_slice %arg2[%dma_start3A_14, %mul3A_2] : memref<4x2048xi32, #tpu.memory_space<hbm>> -> memref<1x64xi32, #tpu.memory_space<hbm>>
    %dma_start3A_20 = tpu.memref_squeeze %dma_start3A_19 : memref<1x64xi32, #tpu.memory_space<hbm>> -> memref<64xi32, #tpu.memory_space<hbm>>
    %dma_start3A_21 = arith.constant 0 : i32
    %dma_start3A_22 = tpu.memref_slice %arg6[%dma_start3A_15, %dma_start3A_21] : memref<4x64xi32, #tpu.memory_space<vmem>> -> memref<1x64xi32, #tpu.memory_space<vmem>>
    %dma_start3A_23 = tpu.memref_squeeze %dma_start3A_22 : memref<1x64xi32, #tpu.memory_space<vmem>> -> memref<64xi32, #tpu.memory_space<vmem>>
    %dma_start3A_24 = tpu.memref_slice %arg2[%dma_start3A_14, %mul3A_2] : memref<4x2048xi32, #tpu.memory_space<hbm>> -> memref<1x64xi32, #tpu.memory_space<hbm>>
    %dma_start3A_25 = tpu.memref_squeeze %dma_start3A_24 : memref<1x64xi32, #tpu.memory_space<hbm>> -> memref<64xi32, #tpu.memory_space<hbm>>
    tpu.enqueue_dma source(%dma_start3A_25 : memref<64xi32, #tpu.memory_space<hbm>>) target(%dma_start3A_23 : memref<64xi32, #tpu.memory_space<vmem>>) target_semaphore(%arg14 : memref<!tpu.dma_semaphore, #tpu.memory_space<semaphore_mem>>)
    %dma_start3A_26 = arith.constant 2 : i32
    %dma_start3A_27 = arith.constant 2 : i32
    %dma_start3A_28 = arith.constant 0 : i32
    %dma_start3A_29 = tpu.memref_slice %arg6[%dma_start3A_27, %dma_start3A_28] : memref<4x64xi32, #tpu.memory_space<vmem>> -> memref<1x64xi32, #tpu.memory_space<vmem>>
    %dma_start3A_30 = tpu.memref_squeeze %dma_start3A_29 : memref<1x64xi32, #tpu.memory_space<vmem>> -> memref<64xi32, #tpu.memory_space<vmem>>
    %dma_start3A_31 = tpu.memref_slice %arg2[%dma_start3A_26, %mul3A_2] : memref<4x2048xi32, #tpu.memory_space<hbm>> -> memref<1x64xi32, #tpu.memory_space<hbm>>
    %dma_start3A_32 = tpu.memref_squeeze %dma_start3A_31 : memref<1x64xi32, #tpu.memory_space<hbm>> -> memref<64xi32, #tpu.memory_space<hbm>>
    %dma_start3A_33 = arith.constant 0 : i32
    %dma_start3A_34 = tpu.memref_slice %arg6[%dma_start3A_27, %dma_start3A_33] : memref<4x64xi32, #tpu.memory_space<vmem>> -> memref<1x64xi32, #tpu.memory_space<vmem>>
    %dma_start3A_35 = tpu.memref_squeeze %dma_start3A_34 : memref<1x64xi32, #tpu.memory_space<vmem>> -> memref<64xi32, #tpu.memory_space<vmem>>
    %dma_start3A_36 = tpu.memref_slice %arg2[%dma_start3A_26, %mul3A_2] : memref<4x2048xi32, #tpu.memory_space<hbm>> -> memref<1x64xi32, #tpu.memory_space<hbm>>
    %dma_start3A_37 = tpu.memref_squeeze %dma_start3A_36 : memref<1x64xi32, #tpu.memory_space<hbm>> -> memref<64xi32, #tpu.memory_space<hbm>>
    tpu.enqueue_dma source(%dma_start3A_37 : memref<64xi32, #tpu.memory_space<hbm>>) target(%dma_start3A_35 : memref<64xi32, #tpu.memory_space<vmem>>) target_semaphore(%arg14 : memref<!tpu.dma_semaphore, #tpu.memory_space<semaphore_mem>>)
    %dma_start3A_38 = arith.constant 3 : i32
    %dma_start3A_39 = arith.constant 3 : i32
    %dma_start3A_40 = arith.constant 0 : i32
    %dma_start3A_41 = tpu.memref_slice %arg6[%dma_start3A_39, %dma_start3A_40] : memref<4x64xi32, #tpu.memory_space<vmem>> -> memref<1x64xi32, #tpu.memory_space<vmem>>
    %dma_start3A_42 = tpu.memref_squeeze %dma_start3A_41 : memref<1x64xi32, #tpu.memory_space<vmem>> -> memref<64xi32, #tpu.memory_space<vmem>>
    %dma_start3A_43 = tpu.memref_slice %arg2[%dma_start3A_38, %mul3A_2] : memref<4x2048xi32, #tpu.memory_space<hbm>> -> memref<1x64xi32, #tpu.memory_space<hbm>>
    %dma_start3A_44 = tpu.memref_squeeze %dma_start3A_43 : memref<1x64xi32, #tpu.memory_space<hbm>> -> memref<64xi32, #tpu.memory_space<hbm>>
    %dma_start3A_45 = arith.constant 0 : i32
    %dma_start3A_46 = tpu.memref_slice %arg6[%dma_start3A_39, %dma_start3A_45] : memref<4x64xi32, #tpu.memory_space<vmem>> -> memref<1x64xi32, #tpu.memory_space<vmem>>
    %dma_start3A_47 = tpu.memref_squeeze %dma_start3A_46 : memref<1x64xi32, #tpu.memory_space<vmem>> -> memref<64xi32, #tpu.memory_space<vmem>>
    %dma_start3A_48 = tpu.memref_slice %arg2[%dma_start3A_38, %mul3A_2] : memref<4x2048xi32, #tpu.memory_space<hbm>> -> memref<1x64xi32, #tpu.memory_space<hbm>>
    %dma_start3A_49 = tpu.memref_squeeze %dma_start3A_48 : memref<1x64xi32, #tpu.memory_space<hbm>> -> memref<64xi32, #tpu.memory_space<hbm>>
    tpu.enqueue_dma source(%dma_start3A_49 : memref<64xi32, #tpu.memory_space<hbm>>) target(%dma_start3A_47 : memref<64xi32, #tpu.memory_space<vmem>>) target_semaphore(%arg14 : memref<!tpu.dma_semaphore, #tpu.memory_space<semaphore_mem>>)
    %dma_wait3A = arith.constant 0 : i32
    %dma_wait3A_50 = arith.constant 0 : i32
    %dma_wait3A_51 = arith.constant 0 : i32
    %dma_wait3A_52 = tpu.memref_slice %arg6[%dma_wait3A_50, %dma_wait3A_51] : memref<4x64xi32, #tpu.memory_space<vmem>> -> memref<1x64xi32, #tpu.memory_space<vmem>>
    %dma_wait3A_53 = tpu.memref_squeeze %dma_wait3A_52 : memref<1x64xi32, #tpu.memory_space<vmem>> -> memref<64xi32, #tpu.memory_space<vmem>>
    %dma_wait3A_54 = tpu.memref_slice %arg2[%dma_wait3A, %mul3A_2] : memref<4x2048xi32, #tpu.memory_space<hbm>> -> memref<1x64xi32, #tpu.memory_space<hbm>>
    %dma_wait3A_55 = tpu.memref_squeeze %dma_wait3A_54 : memref<1x64xi32, #tpu.memory_space<hbm>> -> memref<64xi32, #tpu.memory_space<hbm>>
    %dma_wait3A_56 = arith.constant 0 : i32
    %dma_wait3A_57 = tpu.memref_slice %arg6[%dma_wait3A_50, %dma_wait3A_56] : memref<4x64xi32, #tpu.memory_space<vmem>> -> memref<1x64xi32, #tpu.memory_space<vmem>>
    %dma_wait3A_58 = tpu.memref_squeeze %dma_wait3A_57 : memref<1x64xi32, #tpu.memory_space<vmem>> -> memref<64xi32, #tpu.memory_space<vmem>>
    %dma_wait3A_59 = tpu.memref_slice %arg2[%dma_wait3A, %mul3A_2] : memref<4x2048xi32, #tpu.memory_space<hbm>> -> memref<1x64xi32, #tpu.memory_space<hbm>>
    %dma_wait3A_60 = tpu.memref_squeeze %dma_wait3A_59 : memref<1x64xi32, #tpu.memory_space<hbm>> -> memref<64xi32, #tpu.memory_space<hbm>>
    tpu.wait_dma2 semaphore(%arg14 : memref<!tpu.dma_semaphore, #tpu.memory_space<semaphore_mem>>) src(%dma_wait3A_60 : memref<64xi32, #tpu.memory_space<hbm>>) dst(%dma_wait3A_58 : memref<64xi32, #tpu.memory_space<vmem>>)
    %dma_wait3A_61 = arith.constant 1 : i32
    %dma_wait3A_62 = arith.constant 1 : i32
    %dma_wait3A_63 = arith.constant 0 : i32
    %dma_wait3A_64 = tpu.memref_slice %arg6[%dma_wait3A_62, %dma_wait3A_63] : memref<4x64xi32, #tpu.memory_space<vmem>> -> memref<1x64xi32, #tpu.memory_space<vmem>>
    %dma_wait3A_65 = tpu.memref_squeeze %dma_wait3A_64 : memref<1x64xi32, #tpu.memory_space<vmem>> -> memref<64xi32, #tpu.memory_space<vmem>>
    %dma_wait3A_66 = tpu.memref_slice %arg2[%dma_wait3A_61, %mul3A_2] : memref<4x2048xi32, #tpu.memory_space<hbm>> -> memref<1x64xi32, #tpu.memory_space<hbm>>
    %dma_wait3A_67 = tpu.memref_squeeze %dma_wait3A_66 : memref<1x64xi32, #tpu.memory_space<hbm>> -> memref<64xi32, #tpu.memory_space<hbm>>
    %dma_wait3A_68 = arith.constant 0 : i32
    %dma_wait3A_69 = tpu.memref_slice %arg6[%dma_wait3A_62, %dma_wait3A_68] : memref<4x64xi32, #tpu.memory_space<vmem>> -> memref<1x64xi32, #tpu.memory_space<vmem>>
    %dma_wait3A_70 = tpu.memref_squeeze %dma_wait3A_69 : memref<1x64xi32, #tpu.memory_space<vmem>> -> memref<64xi32, #tpu.memory_space<vmem>>
    %dma_wait3A_71 = tpu.memref_slice %arg2[%dma_wait3A_61, %mul3A_2] : memref<4x2048xi32, #tpu.memory_space<hbm>> -> memref<1x64xi32, #tpu.memory_space<hbm>>
    %dma_wait3A_72 = tpu.memref_squeeze %dma_wait3A_71 : memref<1x64xi32, #tpu.memory_space<hbm>> -> memref<64xi32, #tpu.memory_space<hbm>>
    tpu.wait_dma2 semaphore(%arg14 : memref<!tpu.dma_semaphore, #tpu.memory_space<semaphore_mem>>) src(%dma_wait3A_72 : memref<64xi32, #tpu.memory_space<hbm>>) dst(%dma_wait3A_70 : memref<64xi32, #tpu.memory_space<vmem>>)
    %dma_wait3A_73 = arith.constant 2 : i32
    %dma_wait3A_74 = arith.constant 2 : i32
    %dma_wait3A_75 = arith.constant 0 : i32
    %dma_wait3A_76 = tpu.memref_slice %arg6[%dma_wait3A_74, %dma_wait3A_75] : memref<4x64xi32, #tpu.memory_space<vmem>> -> memref<1x64xi32, #tpu.memory_space<vmem>>
    %dma_wait3A_77 = tpu.memref_squeeze %dma_wait3A_76 : memref<1x64xi32, #tpu.memory_space<vmem>> -> memref<64xi32, #tpu.memory_space<vmem>>
    %dma_wait3A_78 = tpu.memref_slice %arg2[%dma_wait3A_73, %mul3A_2] : memref<4x2048xi32, #tpu.memory_space<hbm>> -> memref<1x64xi32, #tpu.memory_space<hbm>>
    %dma_wait3A_79 = tpu.memref_squeeze %dma_wait3A_78 : memref<1x64xi32, #tpu.memory_space<hbm>> -> memref<64xi32, #tpu.memory_space<hbm>>
    %dma_wait3A_80 = arith.constant 0 : i32
    %dma_wait3A_81 = tpu.memref_slice %arg6[%dma_wait3A_74, %dma_wait3A_80] : memref<4x64xi32, #tpu.memory_space<vmem>> -> memref<1x64xi32, #tpu.memory_space<vmem>>
    %dma_wait3A_82 = tpu.memref_squeeze %dma_wait3A_81 : memref<1x64xi32, #tpu.memory_space<vmem>> -> memref<64xi32, #tpu.memory_space<vmem>>
    %dma_wait3A_83 = tpu.memref_slice %arg2[%dma_wait3A_73, %mul3A_2] : memref<4x2048xi32, #tpu.memory_space<hbm>> -> memref<1x64xi32, #tpu.memory_space<hbm>>
    %dma_wait3A_84 = tpu.memref_squeeze %dma_wait3A_83 : memref<1x64xi32, #tpu.memory_space<hbm>> -> memref<64xi32, #tpu.memory_space<hbm>>
    tpu.wait_dma2 semaphore(%arg14 : memref<!tpu.dma_semaphore, #tpu.memory_space<semaphore_mem>>) src(%dma_wait3A_84 : memref<64xi32, #tpu.memory_space<hbm>>) dst(%dma_wait3A_82 : memref<64xi32, #tpu.memory_space<vmem>>)
    %dma_wait3A_85 = arith.constant 3 : i32
    %dma_wait3A_86 = arith.constant 3 : i32
    %dma_wait3A_87 = arith.constant 0 : i32
    %dma_wait3A_88 = tpu.memref_slice %arg6[%dma_wait3A_86, %dma_wait3A_87] : memref<4x64xi32, #tpu.memory_space<vmem>> -> memref<1x64xi32, #tpu.memory_space<vmem>>
    %dma_wait3A_89 = tpu.memref_squeeze %dma_wait3A_88 : memref<1x64xi32, #tpu.memory_space<vmem>> -> memref<64xi32, #tpu.memory_space<vmem>>
    %dma_wait3A_90 = tpu.memref_slice %arg2[%dma_wait3A_85, %mul3A_2] : memref<4x2048xi32, #tpu.memory_space<hbm>> -> memref<1x64xi32, #tpu.memory_space<hbm>>
    %dma_wait3A_91 = tpu.memref_squeeze %dma_wait3A_90 : memref<1x64xi32, #tpu.memory_space<hbm>> -> memref<64xi32, #tpu.memory_space<hbm>>
    %dma_wait3A_92 = arith.constant 0 : i32
    %dma_wait3A_93 = tpu.memref_slice %arg6[%dma_wait3A_86, %dma_wait3A_92] : memref<4x64xi32, #tpu.memory_space<vmem>> -> memref<1x64xi32, #tpu.memory_space<vmem>>
    %dma_wait3A_94 = tpu.memref_squeeze %dma_wait3A_93 : memref<1x64xi32, #tpu.memory_space<vmem>> -> memref<64xi32, #tpu.memory_space<vmem>>
    %dma_wait3A_95 = tpu.memref_slice %arg2[%dma_wait3A_85, %mul3A_2] : memref<4x2048xi32, #tpu.memory_space<hbm>> -> memref<1x64xi32, #tpu.memory_space<hbm>>
    %dma_wait3A_96 = tpu.memref_squeeze %dma_wait3A_95 : memref<1x64xi32, #tpu.memory_space<hbm>> -> memref<64xi32, #tpu.memory_space<hbm>>
    tpu.wait_dma2 semaphore(%arg14 : memref<!tpu.dma_semaphore, #tpu.memory_space<semaphore_mem>>) src(%dma_wait3A_96 : memref<64xi32, #tpu.memory_space<hbm>>) dst(%dma_wait3A_94 : memref<64xi32, #tpu.memory_space<vmem>>)
    %add3A_97 = arith.constant 0 : i32
    %add3A_98 = arith.addi %mul3A_2, %add3A_97 : i32
    %dma_start3A_99 = arith.constant 0 : i32
    %dma_start3A_100 = tpu.memref_slice %arg3[%add3A_98, %dma_start3A_99] : memref<2048x1024xf32, #tpu.memory_space<hbm>> -> memref<16x1024xf32, #tpu.memory_space<hbm>>
    %dma_start3A_101 = arith.constant 0 : i32
    %dma_start3A_102 = tpu.memref_slice %arg3[%add3A_98, %dma_start3A_101] : memref<2048x1024xf32, #tpu.memory_space<hbm>> -> memref<16x1024xf32, #tpu.memory_space<hbm>>
    tpu.enqueue_dma source(%dma_start3A_102 : memref<16x1024xf32, #tpu.memory_space<hbm>>) target(%arg7 : memref<16x1024xf32, #tpu.memory_space<vmem>>) target_semaphore(%arg15 : memref<!tpu.dma_semaphore, #tpu.memory_space<semaphore_mem>>)
    %dma_start3A_103 = arith.constant 0 : i32
    %dma_start3A_104 = arith.constant 0 : i32
    %dma_start3A_105 = tpu.memref_slice %arg6[%dma_start3A_103, %dma_start3A_104] : memref<4x64xi32, #tpu.memory_space<vmem>> -> memref<1x16xi32, #tpu.memory_space<vmem>>
    %dma_start3A_106 = tpu.memref_squeeze %dma_start3A_105 : memref<1x16xi32, #tpu.memory_space<vmem>> -> memref<16xi32, #tpu.memory_space<vmem>>
    %dma_start3A_107 = arith.constant 0 : i32
    %dma_start3A_108 = arith.constant 0 : i32
    %dma_start3A_109 = tpu.memref_slice %arg4[%dma_start3A_107, %dma_start3A_108] : memref<100000x1024xf32, #tpu.memory_space<hbm>> -> memref<100000x1024xf32, #tpu.memory_space<hbm>>
    tpu.enqueue_indirect_dma source(%dma_start3A_109 : memref<100000x1024xf32, #tpu.memory_space<hbm>>) target(%arg9 : memref<16x1024xf32, #tpu.memory_space<vmem>>) offsets(%dma_start3A_106 : memref<16xi32, #tpu.memory_space<vmem>>) semaphore(%arg17 : memref<!tpu.dma_semaphore, #tpu.memory_space<semaphore_mem>>)
    %dma_start3A_110 = arith.constant 1 : i32
    %dma_start3A_111 = arith.constant 0 : i32
    %dma_start3A_112 = tpu.memref_slice %arg6[%dma_start3A_110, %dma_start3A_111] : memref<4x64xi32, #tpu.memory_space<vmem>> -> memref<1x16xi32, #tpu.memory_space<vmem>>
    %dma_start3A_113 = tpu.memref_squeeze %dma_start3A_112 : memref<1x16xi32, #tpu.memory_space<vmem>> -> memref<16xi32, #tpu.memory_space<vmem>>
    %dma_start3A_114 = arith.constant 0 : i32
    %dma_start3A_115 = arith.constant 0 : i32
    %dma_start3A_116 = tpu.memref_slice %arg4[%dma_start3A_114, %dma_start3A_115] : memref<100000x1024xf32, #tpu.memory_space<hbm>> -> memref<100000x1024xf32, #tpu.memory_space<hbm>>
    tpu.enqueue_indirect_dma source(%dma_start3A_116 : memref<100000x1024xf32, #tpu.memory_space<hbm>>) target(%arg10 : memref<16x1024xf32, #tpu.memory_space<vmem>>) offsets(%dma_start3A_113 : memref<16xi32, #tpu.memory_space<vmem>>) semaphore(%arg18 : memref<!tpu.dma_semaphore, #tpu.memory_space<semaphore_mem>>)
    %dma_start3A_117 = arith.constant 2 : i32
    %dma_start3A_118 = arith.constant 0 : i32
    %dma_start3A_119 = tpu.memref_slice %arg6[%dma_start3A_117, %dma_start3A_118] : memref<4x64xi32, #tpu.memory_space<vmem>> -> memref<1x16xi32, #tpu.memory_space<vmem>>
    %dma_start3A_120 = tpu.memref_squeeze %dma_start3A_119 : memref<1x16xi32, #tpu.memory_space<vmem>> -> memref<16xi32, #tpu.memory_space<vmem>>
    %dma_start3A_121 = arith.constant 0 : i32
    %dma_start3A_122 = arith.constant 0 : i32
    %dma_start3A_123 = tpu.memref_slice %arg4[%dma_start3A_121, %dma_start3A_122] : memref<100000x1024xf32, #tpu.memory_space<hbm>> -> memref<100000x1024xf32, #tpu.memory_space<hbm>>
    tpu.enqueue_indirect_dma source(%dma_start3A_123 : memref<100000x1024xf32, #tpu.memory_space<hbm>>) target(%arg11 : memref<16x1024xf32, #tpu.memory_space<vmem>>) offsets(%dma_start3A_120 : memref<16xi32, #tpu.memory_space<vmem>>) semaphore(%arg19 : memref<!tpu.dma_semaphore, #tpu.memory_space<semaphore_mem>>)
    %dma_start3A_124 = arith.constant 3 : i32
    %dma_start3A_125 = arith.constant 0 : i32
    %dma_start3A_126 = tpu.memref_slice %arg6[%dma_start3A_124, %dma_start3A_125] : memref<4x64xi32, #tpu.memory_space<vmem>> -> memref<1x16xi32, #tpu.memory_space<vmem>>
    %dma_start3A_127 = tpu.memref_squeeze %dma_start3A_126 : memref<1x16xi32, #tpu.memory_space<vmem>> -> memref<16xi32, #tpu.memory_space<vmem>>
    %dma_start3A_128 = arith.constant 0 : i32
    %dma_start3A_129 = arith.constant 0 : i32
    %dma_start3A_130 = tpu.memref_slice %arg4[%dma_start3A_128, %dma_start3A_129] : memref<100000x1024xf32, #tpu.memory_space<hbm>> -> memref<100000x1024xf32, #tpu.memory_space<hbm>>
    tpu.enqueue_indirect_dma source(%dma_start3A_130 : memref<100000x1024xf32, #tpu.memory_space<hbm>>) target(%arg12 : memref<16x1024xf32, #tpu.memory_space<vmem>>) offsets(%dma_start3A_127 : memref<16xi32, #tpu.memory_space<vmem>>) semaphore(%arg20 : memref<!tpu.dma_semaphore, #tpu.memory_space<semaphore_mem>>)
    %dma_wait3A_131 = arith.constant 0 : i32
    %dma_wait3A_132 = tpu.memref_slice %arg3[%add3A_98, %dma_wait3A_131] : memref<2048x1024xf32, #tpu.memory_space<hbm>> -> memref<16x1024xf32, #tpu.memory_space<hbm>>
    %dma_wait3A_133 = arith.constant 0 : i32
    %dma_wait3A_134 = tpu.memref_slice %arg3[%add3A_98, %dma_wait3A_133] : memref<2048x1024xf32, #tpu.memory_space<hbm>> -> memref<16x1024xf32, #tpu.memory_space<hbm>>
    tpu.wait_dma2 semaphore(%arg15 : memref<!tpu.dma_semaphore, #tpu.memory_space<semaphore_mem>>) src(%dma_wait3A_134 : memref<16x1024xf32, #tpu.memory_space<hbm>>) dst(%arg7 : memref<16x1024xf32, #tpu.memory_space<vmem>>)
    %add3A_135 = arith.constant 16 : i32
    %add3A_136 = arith.addi %mul3A_2, %add3A_135 : i32
    %dma_start3A_137 = arith.constant 0 : i32
    %dma_start3A_138 = tpu.memref_slice %arg3[%add3A_136, %dma_start3A_137] : memref<2048x1024xf32, #tpu.memory_space<hbm>> -> memref<16x1024xf32, #tpu.memory_space<hbm>>
    %dma_start3A_139 = arith.constant 0 : i32
    %dma_start3A_140 = tpu.memref_slice %arg3[%add3A_136, %dma_start3A_139] : memref<2048x1024xf32, #tpu.memory_space<hbm>> -> memref<16x1024xf32, #tpu.memory_space<hbm>>
    tpu.enqueue_dma source(%dma_start3A_140 : memref<16x1024xf32, #tpu.memory_space<hbm>>) target(%arg8 : memref<16x1024xf32, #tpu.memory_space<vmem>>) target_semaphore(%arg16 : memref<!tpu.dma_semaphore, #tpu.memory_space<semaphore_mem>>)
    %dma_wait3A_141 = arith.constant 0 : i32
    %dma_wait3A_142 = arith.constant 0 : i32
    %dma_wait3A_143 = tpu.memref_slice %arg6[%dma_wait3A_141, %dma_wait3A_142] : memref<4x64xi32, #tpu.memory_space<vmem>> -> memref<1x16xi32, #tpu.memory_space<vmem>>
    %dma_wait3A_144 = tpu.memref_squeeze %dma_wait3A_143 : memref<1x16xi32, #tpu.memory_space<vmem>> -> memref<16xi32, #tpu.memory_space<vmem>>
    %dma_wait3A_145 = arith.constant 0 : i32
    %dma_wait3A_146 = arith.constant 0 : i32
    %dma_wait3A_147 = tpu.memref_slice %arg4[%dma_wait3A_145, %dma_wait3A_146] : memref<100000x1024xf32, #tpu.memory_space<hbm>> -> memref<100000x1024xf32, #tpu.memory_space<hbm>>
    tpu.wait_indirect_dma semaphore(%arg17 : memref<!tpu.dma_semaphore, #tpu.memory_space<semaphore_mem>>) src(%dma_wait3A_147 : memref<100000x1024xf32, #tpu.memory_space<hbm>>) dst(%arg9 : memref<16x1024xf32, #tpu.memory_space<vmem>>)
    %parallel_loop3A = arith.constant 0 : i32
    %parallel_loop3A_148 = arith.constant 1024 : i32
    %parallel_loop3A_149 = arith.constant 1 : i32
    scf.for %parallel_loop3A_664 = %parallel_loop3A to %parallel_loop3A_148 step %parallel_loop3A_149  : i32 {
      %parallel_loop3A_665 = arith.constant 64 : i32
      %parallel_loop3A_666 = arith.divsi %parallel_loop3A_664, %parallel_loop3A_665 : i32
      %parallel_loop3A_667 = arith.constant 0 : i32
      %parallel_loop3A_668 = arith.cmpi sgt, %parallel_loop3A_664, %parallel_loop3A_667 : i32
      %parallel_loop3A_669 = arith.extui %parallel_loop3A_668 : i1 to i32
      %parallel_loop3A_670 = arith.constant 0 : i32
      %parallel_loop3A_671 = arith.cmpi slt, %parallel_loop3A_664, %parallel_loop3A_670 : i32
      %parallel_loop3A_672 = arith.extui %parallel_loop3A_671 : i1 to i32
      %parallel_loop3A_673 = arith.subi %parallel_loop3A_669, %parallel_loop3A_672 : i32
      %parallel_loop3A_674 = arith.constant 0 : i32
      %parallel_loop3A_675 = arith.cmpi sgt, %parallel_loop3A_665, %parallel_loop3A_674 : i32
      %parallel_loop3A_676 = arith.extui %parallel_loop3A_675 : i1 to i32
      %parallel_loop3A_677 = arith.constant 0 : i32
      %parallel_loop3A_678 = arith.cmpi slt, %parallel_loop3A_665, %parallel_loop3A_677 : i32
      %parallel_loop3A_679 = arith.extui %parallel_loop3A_678 : i1 to i32
      %parallel_loop3A_680 = arith.subi %parallel_loop3A_676, %parallel_loop3A_679 : i32
      %parallel_loop3A_681 = arith.cmpi ne, %parallel_loop3A_673, %parallel_loop3A_680 : i32
      %parallel_loop3A_682 = arith.remsi %parallel_loop3A_664, %parallel_loop3A_665 : i32
      %parallel_loop3A_683 = arith.constant 0 : i32
      %parallel_loop3A_684 = arith.cmpi ne, %parallel_loop3A_682, %parallel_loop3A_683 : i32
      %parallel_loop3A_685 = arith.andi %parallel_loop3A_681, %parallel_loop3A_684 : i1
      %parallel_loop3A_686 = arith.constant 1 : i32
      %parallel_loop3A_687 = arith.subi %parallel_loop3A_666, %parallel_loop3A_686 : i32
      %parallel_loop3A_688 = arith.select %parallel_loop3A_685, %parallel_loop3A_687, %parallel_loop3A_666 : i32
      %parallel_loop3A_689 = arith.constant 64 : i32
      %parallel_loop3A_690 = arith.constant 0 : i32
      %parallel_loop3A_691 = arith.cmpi eq, %parallel_loop3A_689, %parallel_loop3A_690 : i32
      %parallel_loop3A_692 = arith.constant 1 : i32
      %parallel_loop3A_693 = arith.select %parallel_loop3A_691, %parallel_loop3A_692, %parallel_loop3A_689 : i32
      %parallel_loop3A_694 = arith.remsi %parallel_loop3A_664, %parallel_loop3A_693 : i32
      %parallel_loop3A_695 = arith.constant 0 : i32
      %parallel_loop3A_696 = arith.cmpi ne, %parallel_loop3A_694, %parallel_loop3A_695 : i32
      %parallel_loop3A_697 = arith.constant 0 : i32
      %parallel_loop3A_698 = arith.cmpi slt, %parallel_loop3A_694, %parallel_loop3A_697 : i32
      %parallel_loop3A_699 = arith.constant 0 : i32
      %parallel_loop3A_700 = arith.cmpi slt, %parallel_loop3A_693, %parallel_loop3A_699 : i32
      %parallel_loop3A_701 = arith.xori %parallel_loop3A_698, %parallel_loop3A_700 : i1
      %parallel_loop3A_702 = arith.andi %parallel_loop3A_701, %parallel_loop3A_696 : i1
      %parallel_loop3A_703 = arith.addi %parallel_loop3A_694, %parallel_loop3A_693 : i32
      %parallel_loop3A_704 = arith.select %parallel_loop3A_702, %parallel_loop3A_703, %parallel_loop3A_694 : i32
      %parallel_loop3A_705 = arith.constant 16 : i32
      %parallel_loop3A_706 = arith.muli %parallel_loop3A_704, %parallel_loop3A_705 : i32
      %parallel_loop3A_707 = arith.index_cast %parallel_loop3A_688 : i32 to index
      %parallel_loop3A_708 = arith.index_cast %parallel_loop3A_706 : i32 to index
      %parallel_loop3A_709 = tpu.vector_load %arg7[%parallel_loop3A_707, %parallel_loop3A_708] {strides = array<i32>} : memref<16x1024xf32, #tpu.memory_space<vmem>>, vector<1x16xf32>,
      %parallel_loop3A_710 = vector.shape_cast %parallel_loop3A_709 : vector<1x16xf32> to vector<16xf32>
      %parallel_loop3A_711 = arith.index_cast %parallel_loop3A_688 : i32 to index
      %parallel_loop3A_712 = arith.index_cast %parallel_loop3A_706 : i32 to index
      %parallel_loop3A_713 = tpu.vector_load %arg9[%parallel_loop3A_711, %parallel_loop3A_712] {strides = array<i32>} : memref<16x1024xf32, #tpu.memory_space<vmem>>, vector<1x16xf32>,
      %parallel_loop3A_714 = vector.shape_cast %parallel_loop3A_713 : vector<1x16xf32> to vector<16xf32>
      %parallel_loop3A_715 = vector.shape_cast %parallel_loop3A_710 : vector<16xf32> to vector<1x16xf32>
      tpu.vector_store %arg9[%parallel_loop3A_711, %parallel_loop3A_712], %parallel_loop3A_715 {add = true, strides = array<i32>} : memref<16x1024xf32, #tpu.memory_space<vmem>>, vector<1x16xf32>,
    } {sc.loop_unroll_factor = 8 : i64, sc.parallel_access}
    %add3A_150 = arith.constant 0 : i32
    %add3A_151 = arith.addi %mul3A_2, %add3A_150 : i32
    %dma_start3A_152 = arith.constant 0 : i32
    %dma_start3A_153 = arith.constant 0 : i32
    %dma_start3A_154 = tpu.memref_slice %arg5[%dma_start3A_152, %add3A_151, %dma_start3A_153] : memref<4x2048x1024xf32, #tpu.memory_space<hbm>> -> memref<1x16x1024xf32, #tpu.memory_space<hbm>>
    %dma_start3A_155 = tpu.memref_squeeze %dma_start3A_154 : memref<1x16x1024xf32, #tpu.memory_space<hbm>> -> memref<16x1024xf32, #tpu.memory_space<hbm>>
    %dma_start3A_156 = arith.constant 0 : i32
    %dma_start3A_157 = tpu.memref_slice %arg5[%dma_start3A_152, %add3A_151, %dma_start3A_156] : memref<4x2048x1024xf32, #tpu.memory_space<hbm>> -> memref<1x16x1024xf32, #tpu.memory_space<hbm>>
    %dma_start3A_158 = tpu.memref_squeeze %dma_start3A_157 : memref<1x16x1024xf32, #tpu.memory_space<hbm>> -> memref<16x1024xf32, #tpu.memory_space<hbm>>
    tpu.enqueue_dma source(%arg9 : memref<16x1024xf32, #tpu.memory_space<vmem>>) target(%dma_start3A_158 : memref<16x1024xf32, #tpu.memory_space<hbm>>) target_semaphore(%arg22 : memref<!tpu.dma_semaphore, #tpu.memory_space<semaphore_mem>>)
    %dma_start3A_159 = arith.constant 0 : i32
    %dma_start3A_160 = arith.constant 16 : i32
    %dma_start3A_161 = tpu.memref_slice %arg6[%dma_start3A_159, %dma_start3A_160] : memref<4x64xi32, #tpu.memory_space<vmem>> -> memref<1x16xi32, #tpu.memory_space<vmem>>
    %dma_start3A_162 = tpu.memref_squeeze %dma_start3A_161 : memref<1x16xi32, #tpu.memory_space<vmem>> -> memref<16xi32, #tpu.memory_space<vmem>>
    %dma_start3A_163 = arith.constant 0 : i32
    %dma_start3A_164 = arith.constant 0 : i32
    %dma_start3A_165 = tpu.memref_slice %arg4[%dma_start3A_163, %dma_start3A_164] : memref<100000x1024xf32, #tpu.memory_space<hbm>> -> memref<100000x1024xf32, #tpu.memory_space<hbm>>
    tpu.enqueue_indirect_dma source(%dma_start3A_165 : memref<100000x1024xf32, #tpu.memory_space<hbm>>) target(%arg13 : memref<16x1024xf32, #tpu.memory_space<vmem>>) offsets(%dma_start3A_162 : memref<16xi32, #tpu.memory_space<vmem>>) semaphore(%arg21 : memref<!tpu.dma_semaphore, #tpu.memory_space<semaphore_mem>>)
    %dma_wait3A_166 = arith.constant 1 : i32
    %dma_wait3A_167 = arith.constant 0 : i32
    %dma_wait3A_168 = tpu.memref_slice %arg6[%dma_wait3A_166, %dma_wait3A_167] : memref<4x64xi32, #tpu.memory_space<vmem>> -> memref<1x16xi32, #tpu.memory_space<vmem>>
    %dma_wait3A_169 = tpu.memref_squeeze %dma_wait3A_168 : memref<1x16xi32, #tpu.memory_space<vmem>> -> memref<16xi32, #tpu.memory_space<vmem>>
    %dma_wait3A_170 = arith.constant 0 : i32
    %dma_wait3A_171 = arith.constant 0 : i32
    %dma_wait3A_172 = tpu.memref_slice %arg4[%dma_wait3A_170, %dma_wait3A_171] : memref<100000x1024xf32, #tpu.memory_space<hbm>> -> memref<100000x1024xf32, #tpu.memory_space<hbm>>
    tpu.wait_indirect_dma semaphore(%arg18 : memref<!tpu.dma_semaphore, #tpu.memory_space<semaphore_mem>>) src(%dma_wait3A_172 : memref<100000x1024xf32, #tpu.memory_space<hbm>>) dst(%arg10 : memref<16x1024xf32, #tpu.memory_space<vmem>>)
    %parallel_loop3A_173 = arith.constant 0 : i32
    %parallel_loop3A_174 = arith.constant 1024 : i32
    %parallel_loop3A_175 = arith.constant 1 : i32
    scf.for %parallel_loop3A_664 = %parallel_loop3A_173 to %parallel_loop3A_174 step %parallel_loop3A_175  : i32 {
      %parallel_loop3A_665 = arith.constant 64 : i32
      %parallel_loop3A_666 = arith.divsi %parallel_loop3A_664, %parallel_loop3A_665 : i32
      %parallel_loop3A_667 = arith.constant 0 : i32
      %parallel_loop3A_668 = arith.cmpi sgt, %parallel_loop3A_664, %parallel_loop3A_667 : i32
      %parallel_loop3A_669 = arith.extui %parallel_loop3A_668 : i1 to i32
      %parallel_loop3A_670 = arith.constant 0 : i32
      %parallel_loop3A_671 = arith.cmpi slt, %parallel_loop3A_664, %parallel_loop3A_670 : i32
      %parallel_loop3A_672 = arith.extui %parallel_loop3A_671 : i1 to i32
      %parallel_loop3A_673 = arith.subi %parallel_loop3A_669, %parallel_loop3A_672 : i32
      %parallel_loop3A_674 = arith.constant 0 : i32
      %parallel_loop3A_675 = arith.cmpi sgt, %parallel_loop3A_665, %parallel_loop3A_674 : i32
      %parallel_loop3A_676 = arith.extui %parallel_loop3A_675 : i1 to i32
      %parallel_loop3A_677 = arith.constant 0 : i32
      %parallel_loop3A_678 = arith.cmpi slt, %parallel_loop3A_665, %parallel_loop3A_677 : i32
      %parallel_loop3A_679 = arith.extui %parallel_loop3A_678 : i1 to i32
      %parallel_loop3A_680 = arith.subi %parallel_loop3A_676, %parallel_loop3A_679 : i32
      %parallel_loop3A_681 = arith.cmpi ne, %parallel_loop3A_673, %parallel_loop3A_680 : i32
      %parallel_loop3A_682 = arith.remsi %parallel_loop3A_664, %parallel_loop3A_665 : i32
      %parallel_loop3A_683 = arith.constant 0 : i32
      %parallel_loop3A_684 = arith.cmpi ne, %parallel_loop3A_682, %parallel_loop3A_683 : i32
      %parallel_loop3A_685 = arith.andi %parallel_loop3A_681, %parallel_loop3A_684 : i1
      %parallel_loop3A_686 = arith.constant 1 : i32
      %parallel_loop3A_687 = arith.subi %parallel_loop3A_666, %parallel_loop3A_686 : i32
      %parallel_loop3A_688 = arith.select %parallel_loop3A_685, %parallel_loop3A_687, %parallel_loop3A_666 : i32
      %parallel_loop3A_689 = arith.constant 64 : i32
      %parallel_loop3A_690 = arith.constant 0 : i32
      %parallel_loop3A_691 = arith.cmpi eq, %parallel_loop3A_689, %parallel_loop3A_690 : i32
      %parallel_loop3A_692 = arith.constant 1 : i32
      %parallel_loop3A_693 = arith.select %parallel_loop3A_691, %parallel_loop3A_692, %parallel_loop3A_689 : i32
      %parallel_loop3A_694 = arith.remsi %parallel_loop3A_664, %parallel_loop3A_693 : i32
      %parallel_loop3A_695 = arith.constant 0 : i32
      %parallel_loop3A_696 = arith.cmpi ne, %parallel_loop3A_694, %parallel_loop3A_695 : i32
      %parallel_loop3A_697 = arith.constant 0 : i32
      %parallel_loop3A_698 = arith.cmpi slt, %parallel_loop3A_694, %parallel_loop3A_697 : i32
      %parallel_loop3A_699 = arith.constant 0 : i32
      %parallel_loop3A_700 = arith.cmpi slt, %parallel_loop3A_693, %parallel_loop3A_699 : i32
      %parallel_loop3A_701 = arith.xori %parallel_loop3A_698, %parallel_loop3A_700 : i1
      %parallel_loop3A_702 = arith.andi %parallel_loop3A_701, %parallel_loop3A_696 : i1
      %parallel_loop3A_703 = arith.addi %parallel_loop3A_694, %parallel_loop3A_693 : i32
      %parallel_loop3A_704 = arith.select %parallel_loop3A_702, %parallel_loop3A_703, %parallel_loop3A_694 : i32
      %parallel_loop3A_705 = arith.constant 16 : i32
      %parallel_loop3A_706 = arith.muli %parallel_loop3A_704, %parallel_loop3A_705 : i32
      %parallel_loop3A_707 = arith.index_cast %parallel_loop3A_688 : i32 to index
      %parallel_loop3A_708 = arith.index_cast %parallel_loop3A_706 : i32 to index
      %parallel_loop3A_709 = tpu.vector_load %arg7[%parallel_loop3A_707, %parallel_loop3A_708] {strides = array<i32>} : memref<16x1024xf32, #tpu.memory_space<vmem>>, vector<1x16xf32>,
      %parallel_loop3A_710 = vector.shape_cast %parallel_loop3A_709 : vector<1x16xf32> to vector<16xf32>
      %parallel_loop3A_711 = arith.index_cast %parallel_loop3A_688 : i32 to index
      %parallel_loop3A_712 = arith.index_cast %parallel_loop3A_706 : i32 to index
      %parallel_loop3A_713 = tpu.vector_load %arg10[%parallel_loop3A_711, %parallel_loop3A_712] {strides = array<i32>} : memref<16x1024xf32, #tpu.memory_space<vmem>>, vector<1x16xf32>,
      %parallel_loop3A_714 = vector.shape_cast %parallel_loop3A_713 : vector<1x16xf32> to vector<16xf32>
      %parallel_loop3A_715 = vector.shape_cast %parallel_loop3A_710 : vector<16xf32> to vector<1x16xf32>
      tpu.vector_store %arg10[%parallel_loop3A_711, %parallel_loop3A_712], %parallel_loop3A_715 {add = true, strides = array<i32>} : memref<16x1024xf32, #tpu.memory_space<vmem>>, vector<1x16xf32>,
    } {sc.loop_unroll_factor = 8 : i64, sc.parallel_access}
    %add3A_176 = arith.constant 0 : i32
    %add3A_177 = arith.addi %mul3A_2, %add3A_176 : i32
    %dma_start3A_178 = arith.constant 1 : i32
    %dma_start3A_179 = arith.constant 0 : i32
    %dma_start3A_180 = tpu.memref_slice %arg5[%dma_start3A_178, %add3A_177, %dma_start3A_179] : memref<4x2048x1024xf32, #tpu.memory_space<hbm>> -> memref<1x16x1024xf32, #tpu.memory_space<hbm>>
    %dma_start3A_181 = tpu.memref_squeeze %dma_start3A_180 : memref<1x16x1024xf32, #tpu.memory_space<hbm>> -> memref<16x1024xf32, #tpu.memory_space<hbm>>
    %dma_start3A_182 = arith.constant 0 : i32
    %dma_start3A_183 = tpu.memref_slice %arg5[%dma_start3A_178, %add3A_177, %dma_start3A_182] : memref<4x2048x1024xf32, #tpu.memory_space<hbm>> -> memref<1x16x1024xf32, #tpu.memory_space<hbm>>
    %dma_start3A_184 = tpu.memref_squeeze %dma_start3A_183 : memref<1x16x1024xf32, #tpu.memory_space<hbm>> -> memref<16x1024xf32, #tpu.memory_space<hbm>>
    tpu.enqueue_dma source(%arg10 : memref<16x1024xf32, #tpu.memory_space<vmem>>) target(%dma_start3A_184 : memref<16x1024xf32, #tpu.memory_space<hbm>>) target_semaphore(%arg23 : memref<!tpu.dma_semaphore, #tpu.memory_space<semaphore_mem>>)
    %dma_wait3A_185 = arith.constant 0 : i32
    %dma_wait3A_186 = arith.constant 0 : i32
    %dma_wait3A_187 = tpu.memref_slice %arg5[%dma_wait3A_185, %add3A_151, %dma_wait3A_186] : memref<4x2048x1024xf32, #tpu.memory_space<hbm>> -> memref<1x16x1024xf32, #tpu.memory_space<hbm>>
    %dma_wait3A_188 = tpu.memref_squeeze %dma_wait3A_187 : memref<1x16x1024xf32, #tpu.memory_space<hbm>> -> memref<16x1024xf32, #tpu.memory_space<hbm>>
    %dma_wait3A_189 = arith.constant 0 : i32
    %dma_wait3A_190 = tpu.memref_slice %arg5[%dma_wait3A_185, %add3A_151, %dma_wait3A_189] : memref<4x2048x1024xf32, #tpu.memory_space<hbm>> -> memref<1x16x1024xf32, #tpu.memory_space<hbm>>
    %dma_wait3A_191 = tpu.memref_squeeze %dma_wait3A_190 : memref<1x16x1024xf32, #tpu.memory_space<hbm>> -> memref<16x1024xf32, #tpu.memory_space<hbm>>
    tpu.wait_dma2 semaphore(%arg22 : memref<!tpu.dma_semaphore, #tpu.memory_space<semaphore_mem>>) src(%arg9 : memref<16x1024xf32, #tpu.memory_space<vmem>>) dst(%dma_wait3A_191 : memref<16x1024xf32, #tpu.memory_space<hbm>>)
    %dma_start3A_192 = arith.constant 1 : i32
    %dma_start3A_193 = arith.constant 16 : i32
    %dma_start3A_194 = tpu.memref_slice %arg6[%dma_start3A_192, %dma_start3A_193] : memref<4x64xi32, #tpu.memory_space<vmem>> -> memref<1x16xi32, #tpu.memory_space<vmem>>
    %dma_start3A_195 = tpu.memref_squeeze %dma_start3A_194 : memref<1x16xi32, #tpu.memory_space<vmem>> -> memref<16xi32, #tpu.memory_space<vmem>>
    %dma_start3A_196 = arith.constant 0 : i32
    %dma_start3A_197 = arith.constant 0 : i32
    %dma_start3A_198 = tpu.memref_slice %arg4[%dma_start3A_196, %dma_start3A_197] : memref<100000x1024xf32, #tpu.memory_space<hbm>> -> memref<100000x1024xf32, #tpu.memory_space<hbm>>
    tpu.enqueue_indirect_dma source(%dma_start3A_198 : memref<100000x1024xf32, #tpu.memory_space<hbm>>) target(%arg9 : memref<16x1024xf32, #tpu.memory_space<vmem>>) offsets(%dma_start3A_195 : memref<16xi32, #tpu.memory_space<vmem>>) semaphore(%arg17 : memref<!tpu.dma_semaphore, #tpu.memory_space<semaphore_mem>>)
    %dma_wait3A_199 = arith.constant 2 : i32
    %dma_wait3A_200 = arith.constant 0 : i32
    %dma_wait3A_201 = tpu.memref_slice %arg6[%dma_wait3A_199, %dma_wait3A_200] : memref<4x64xi32, #tpu.memory_space<vmem>> -> memref<1x16xi32, #tpu.memory_space<vmem>>
    %dma_wait3A_202 = tpu.memref_squeeze %dma_wait3A_201 : memref<1x16xi32, #tpu.memory_space<vmem>> -> memref<16xi32, #tpu.memory_space<vmem>>
    %dma_wait3A_203 = arith.constant 0 : i32
    %dma_wait3A_204 = arith.constant 0 : i32
    %dma_wait3A_205 = tpu.memref_slice %arg4[%dma_wait3A_203, %dma_wait3A_204] : memref<100000x1024xf32, #tpu.memory_space<hbm>> -> memref<100000x1024xf32, #tpu.memory_space<hbm>>
    tpu.wait_indirect_dma semaphore(%arg19 : memref<!tpu.dma_semaphore, #tpu.memory_space<semaphore_mem>>) src(%dma_wait3A_205 : memref<100000x1024xf32, #tpu.memory_space<hbm>>) dst(%arg11 : memref<16x1024xf32, #tpu.memory_space<vmem>>)
    %parallel_loop3A_206 = arith.constant 0 : i32
    %parallel_loop3A_207 = arith.constant 1024 : i32
    %parallel_loop3A_208 = arith.constant 1 : i32
    scf.for %parallel_loop3A_664 = %parallel_loop3A_206 to %parallel_loop3A_207 step %parallel_loop3A_208  : i32 {
      %parallel_loop3A_665 = arith.constant 64 : i32
      %parallel_loop3A_666 = arith.divsi %parallel_loop3A_664, %parallel_loop3A_665 : i32
      %parallel_loop3A_667 = arith.constant 0 : i32
      %parallel_loop3A_668 = arith.cmpi sgt, %parallel_loop3A_664, %parallel_loop3A_667 : i32
      %parallel_loop3A_669 = arith.extui %parallel_loop3A_668 : i1 to i32
      %parallel_loop3A_670 = arith.constant 0 : i32
      %parallel_loop3A_671 = arith.cmpi slt, %parallel_loop3A_664, %parallel_loop3A_670 : i32
      %parallel_loop3A_672 = arith.extui %parallel_loop3A_671 : i1 to i32
      %parallel_loop3A_673 = arith.subi %parallel_loop3A_669, %parallel_loop3A_672 : i32
      %parallel_loop3A_674 = arith.constant 0 : i32
      %parallel_loop3A_675 = arith.cmpi sgt, %parallel_loop3A_665, %parallel_loop3A_674 : i32
      %parallel_loop3A_676 = arith.extui %parallel_loop3A_675 : i1 to i32
      %parallel_loop3A_677 = arith.constant 0 : i32
      %parallel_loop3A_678 = arith.cmpi slt, %parallel_loop3A_665, %parallel_loop3A_677 : i32
      %parallel_loop3A_679 = arith.extui %parallel_loop3A_678 : i1 to i32
      %parallel_loop3A_680 = arith.subi %parallel_loop3A_676, %parallel_loop3A_679 : i32
      %parallel_loop3A_681 = arith.cmpi ne, %parallel_loop3A_673, %parallel_loop3A_680 : i32
      %parallel_loop3A_682 = arith.remsi %parallel_loop3A_664, %parallel_loop3A_665 : i32
      %parallel_loop3A_683 = arith.constant 0 : i32
      %parallel_loop3A_684 = arith.cmpi ne, %parallel_loop3A_682, %parallel_loop3A_683 : i32
      %parallel_loop3A_685 = arith.andi %parallel_loop3A_681, %parallel_loop3A_684 : i1
      %parallel_loop3A_686 = arith.constant 1 : i32
      %parallel_loop3A_687 = arith.subi %parallel_loop3A_666, %parallel_loop3A_686 : i32
      %parallel_loop3A_688 = arith.select %parallel_loop3A_685, %parallel_loop3A_687, %parallel_loop3A_666 : i32
      %parallel_loop3A_689 = arith.constant 64 : i32
      %parallel_loop3A_690 = arith.constant 0 : i32
      %parallel_loop3A_691 = arith.cmpi eq, %parallel_loop3A_689, %parallel_loop3A_690 : i32
      %parallel_loop3A_692 = arith.constant 1 : i32
      %parallel_loop3A_693 = arith.select %parallel_loop3A_691, %parallel_loop3A_692, %parallel_loop3A_689 : i32
      %parallel_loop3A_694 = arith.remsi %parallel_loop3A_664, %parallel_loop3A_693 : i32
      %parallel_loop3A_695 = arith.constant 0 : i32
      %parallel_loop3A_696 = arith.cmpi ne, %parallel_loop3A_694, %parallel_loop3A_695 : i32
      %parallel_loop3A_697 = arith.constant 0 : i32
      %parallel_loop3A_698 = arith.cmpi slt, %parallel_loop3A_694, %parallel_loop3A_697 : i32
      %parallel_loop3A_699 = arith.constant 0 : i32
      %parallel_loop3A_700 = arith.cmpi slt, %parallel_loop3A_693, %parallel_loop3A_699 : i32
      %parallel_loop3A_701 = arith.xori %parallel_loop3A_698, %parallel_loop3A_700 : i1
      %parallel_loop3A_702 = arith.andi %parallel_loop3A_701, %parallel_loop3A_696 : i1
      %parallel_loop3A_703 = arith.addi %parallel_loop3A_694, %parallel_loop3A_693 : i32
      %parallel_loop3A_704 = arith.select %parallel_loop3A_702, %parallel_loop3A_703, %parallel_loop3A_694 : i32
      %parallel_loop3A_705 = arith.constant 16 : i32
      %parallel_loop3A_706 = arith.muli %parallel_loop3A_704, %parallel_loop3A_705 : i32
      %parallel_loop3A_707 = arith.index_cast %parallel_loop3A_688 : i32 to index
      %parallel_loop3A_708 = arith.index_cast %parallel_loop3A_706 : i32 to index
      %parallel_loop3A_709 = tpu.vector_load %arg7[%parallel_loop3A_707, %parallel_loop3A_708] {strides = array<i32>} : memref<16x1024xf32, #tpu.memory_space<vmem>>, vector<1x16xf32>,
      %parallel_loop3A_710 = vector.shape_cast %parallel_loop3A_709 : vector<1x16xf32> to vector<16xf32>
      %parallel_loop3A_711 = arith.index_cast %parallel_loop3A_688 : i32 to index
      %parallel_loop3A_712 = arith.index_cast %parallel_loop3A_706 : i32 to index
      %parallel_loop3A_713 = tpu.vector_load %arg11[%parallel_loop3A_711, %parallel_loop3A_712] {strides = array<i32>} : memref<16x1024xf32, #tpu.memory_space<vmem>>, vector<1x16xf32>,
      %parallel_loop3A_714 = vector.shape_cast %parallel_loop3A_713 : vector<1x16xf32> to vector<16xf32>
      %parallel_loop3A_715 = vector.shape_cast %parallel_loop3A_710 : vector<16xf32> to vector<1x16xf32>
      tpu.vector_store %arg11[%parallel_loop3A_711, %parallel_loop3A_712], %parallel_loop3A_715 {add = true, strides = array<i32>} : memref<16x1024xf32, #tpu.memory_space<vmem>>, vector<1x16xf32>,
    } {sc.loop_unroll_factor = 8 : i64, sc.parallel_access}
    %add3A_209 = arith.constant 0 : i32
    %add3A_210 = arith.addi %mul3A_2, %add3A_209 : i32
    %dma_start3A_211 = arith.constant 2 : i32
    %dma_start3A_212 = arith.constant 0 : i32
    %dma_start3A_213 = tpu.memref_slice %arg5[%dma_start3A_211, %add3A_210, %dma_start3A_212] : memref<4x2048x1024xf32, #tpu.memory_space<hbm>> -> memref<1x16x1024xf32, #tpu.memory_space<hbm>>
    %dma_start3A_214 = tpu.memref_squeeze %dma_start3A_213 : memref<1x16x1024xf32, #tpu.memory_space<hbm>> -> memref<16x1024xf32, #tpu.memory_space<hbm>>
    %dma_start3A_215 = arith.constant 0 : i32
    %dma_start3A_216 = tpu.memref_slice %arg5[%dma_start3A_211, %add3A_210, %dma_start3A_215] : memref<4x2048x1024xf32, #tpu.memory_space<hbm>> -> memref<1x16x1024xf32, #tpu.memory_space<hbm>>
    %dma_start3A_217 = tpu.memref_squeeze %dma_start3A_216 : memref<1x16x1024xf32, #tpu.memory_space<hbm>> -> memref<16x1024xf32, #tpu.memory_space<hbm>>
    tpu.enqueue_dma source(%arg11 : memref<16x1024xf32, #tpu.memory_space<vmem>>) target(%dma_start3A_217 : memref<16x1024xf32, #tpu.memory_space<hbm>>) target_semaphore(%arg24 : memref<!tpu.dma_semaphore, #tpu.memory_space<semaphore_mem>>)
    %dma_wait3A_218 = arith.constant 1 : i32
    %dma_wait3A_219 = arith.constant 0 : i32
    %dma_wait3A_220 = tpu.memref_slice %arg5[%dma_wait3A_218, %add3A_177, %dma_wait3A_219] : memref<4x2048x1024xf32, #tpu.memory_space<hbm>> -> memref<1x16x1024xf32, #tpu.memory_space<hbm>>
    %dma_wait3A_221 = tpu.memref_squeeze %dma_wait3A_220 : memref<1x16x1024xf32, #tpu.memory_space<hbm>> -> memref<16x1024xf32, #tpu.memory_space<hbm>>
    %dma_wait3A_222 = arith.constant 0 : i32
    %dma_wait3A_223 = tpu.memref_slice %arg5[%dma_wait3A_218, %add3A_177, %dma_wait3A_222] : memref<4x2048x1024xf32, #tpu.memory_space<hbm>> -> memref<1x16x1024xf32, #tpu.memory_space<hbm>>
    %dma_wait3A_224 = tpu.memref_squeeze %dma_wait3A_223 : memref<1x16x1024xf32, #tpu.memory_space<hbm>> -> memref<16x1024xf32, #tpu.memory_space<hbm>>
    tpu.wait_dma2 semaphore(%arg23 : memref<!tpu.dma_semaphore, #tpu.memory_space<semaphore_mem>>) src(%arg10 : memref<16x1024xf32, #tpu.memory_space<vmem>>) dst(%dma_wait3A_224 : memref<16x1024xf32, #tpu.memory_space<hbm>>)
    %dma_start3A_225 = arith.constant 2 : i32
    %dma_start3A_226 = arith.constant 16 : i32
    %dma_start3A_227 = tpu.memref_slice %arg6[%dma_start3A_225, %dma_start3A_226] : memref<4x64xi32, #tpu.memory_space<vmem>> -> memref<1x16xi32, #tpu.memory_space<vmem>>
    %dma_start3A_228 = tpu.memref_squeeze %dma_start3A_227 : memref<1x16xi32, #tpu.memory_space<vmem>> -> memref<16xi32, #tpu.memory_space<vmem>>
    %dma_start3A_229 = arith.constant 0 : i32
    %dma_start3A_230 = arith.constant 0 : i32
    %dma_start3A_231 = tpu.memref_slice %arg4[%dma_start3A_229, %dma_start3A_230] : memref<100000x1024xf32, #tpu.memory_space<hbm>> -> memref<100000x1024xf32, #tpu.memory_space<hbm>>
    tpu.enqueue_indirect_dma source(%dma_start3A_231 : memref<100000x1024xf32, #tpu.memory_space<hbm>>) target(%arg10 : memref<16x1024xf32, #tpu.memory_space<vmem>>) offsets(%dma_start3A_228 : memref<16xi32, #tpu.memory_space<vmem>>) semaphore(%arg18 : memref<!tpu.dma_semaphore, #tpu.memory_space<semaphore_mem>>)
    %dma_wait3A_232 = arith.constant 3 : i32
    %dma_wait3A_233 = arith.constant 0 : i32
    %dma_wait3A_234 = tpu.memref_slice %arg6[%dma_wait3A_232, %dma_wait3A_233] : memref<4x64xi32, #tpu.memory_space<vmem>> -> memref<1x16xi32, #tpu.memory_space<vmem>>
    %dma_wait3A_235 = tpu.memref_squeeze %dma_wait3A_234 : memref<1x16xi32, #tpu.memory_space<vmem>> -> memref<16xi32, #tpu.memory_space<vmem>>
    %dma_wait3A_236 = arith.constant 0 : i32
    %dma_wait3A_237 = arith.constant 0 : i32
    %dma_wait3A_238 = tpu.memref_slice %arg4[%dma_wait3A_236, %dma_wait3A_237] : memref<100000x1024xf32, #tpu.memory_space<hbm>> -> memref<100000x1024xf32, #tpu.memory_space<hbm>>
    tpu.wait_indirect_dma semaphore(%arg20 : memref<!tpu.dma_semaphore, #tpu.memory_space<semaphore_mem>>) src(%dma_wait3A_238 : memref<100000x1024xf32, #tpu.memory_space<hbm>>) dst(%arg12 : memref<16x1024xf32, #tpu.memory_space<vmem>>)
    %parallel_loop3A_239 = arith.constant 0 : i32
    %parallel_loop3A_240 = arith.constant 1024 : i32
    %parallel_loop3A_241 = arith.constant 1 : i32
    scf.for %parallel_loop3A_664 = %parallel_loop3A_239 to %parallel_loop3A_240 step %parallel_loop3A_241  : i32 {
      %parallel_loop3A_665 = arith.constant 64 : i32
      %parallel_loop3A_666 = arith.divsi %parallel_loop3A_664, %parallel_loop3A_665 : i32
      %parallel_loop3A_667 = arith.constant 0 : i32
      %parallel_loop3A_668 = arith.cmpi sgt, %parallel_loop3A_664, %parallel_loop3A_667 : i32
      %parallel_loop3A_669 = arith.extui %parallel_loop3A_668 : i1 to i32
      %parallel_loop3A_670 = arith.constant 0 : i32
      %parallel_loop3A_671 = arith.cmpi slt, %parallel_loop3A_664, %parallel_loop3A_670 : i32
      %parallel_loop3A_672 = arith.extui %parallel_loop3A_671 : i1 to i32
      %parallel_loop3A_673 = arith.subi %parallel_loop3A_669, %parallel_loop3A_672 : i32
      %parallel_loop3A_674 = arith.constant 0 : i32
      %parallel_loop3A_675 = arith.cmpi sgt, %parallel_loop3A_665, %parallel_loop3A_674 : i32
      %parallel_loop3A_676 = arith.extui %parallel_loop3A_675 : i1 to i32
      %parallel_loop3A_677 = arith.constant 0 : i32
      %parallel_loop3A_678 = arith.cmpi slt, %parallel_loop3A_665, %parallel_loop3A_677 : i32
      %parallel_loop3A_679 = arith.extui %parallel_loop3A_678 : i1 to i32
      %parallel_loop3A_680 = arith.subi %parallel_loop3A_676, %parallel_loop3A_679 : i32
      %parallel_loop3A_681 = arith.cmpi ne, %parallel_loop3A_673, %parallel_loop3A_680 : i32
      %parallel_loop3A_682 = arith.remsi %parallel_loop3A_664, %parallel_loop3A_665 : i32
      %parallel_loop3A_683 = arith.constant 0 : i32
      %parallel_loop3A_684 = arith.cmpi ne, %parallel_loop3A_682, %parallel_loop3A_683 : i32
      %parallel_loop3A_685 = arith.andi %parallel_loop3A_681, %parallel_loop3A_684 : i1
      %parallel_loop3A_686 = arith.constant 1 : i32
      %parallel_loop3A_687 = arith.subi %parallel_loop3A_666, %parallel_loop3A_686 : i32
      %parallel_loop3A_688 = arith.select %parallel_loop3A_685, %parallel_loop3A_687, %parallel_loop3A_666 : i32
      %parallel_loop3A_689 = arith.constant 64 : i32
      %parallel_loop3A_690 = arith.constant 0 : i32
      %parallel_loop3A_691 = arith.cmpi eq, %parallel_loop3A_689, %parallel_loop3A_690 : i32
      %parallel_loop3A_692 = arith.constant 1 : i32
      %parallel_loop3A_693 = arith.select %parallel_loop3A_691, %parallel_loop3A_692, %parallel_loop3A_689 : i32
      %parallel_loop3A_694 = arith.remsi %parallel_loop3A_664, %parallel_loop3A_693 : i32
      %parallel_loop3A_695 = arith.constant 0 : i32
      %parallel_loop3A_696 = arith.cmpi ne, %parallel_loop3A_694, %parallel_loop3A_695 : i32
      %parallel_loop3A_697 = arith.constant 0 : i32
      %parallel_loop3A_698 = arith.cmpi slt, %parallel_loop3A_694, %parallel_loop3A_697 : i32
      %parallel_loop3A_699 = arith.constant 0 : i32
      %parallel_loop3A_700 = arith.cmpi slt, %parallel_loop3A_693, %parallel_loop3A_699 : i32
      %parallel_loop3A_701 = arith.xori %parallel_loop3A_698, %parallel_loop3A_700 : i1
      %parallel_loop3A_702 = arith.andi %parallel_loop3A_701, %parallel_loop3A_696 : i1
      %parallel_loop3A_703 = arith.addi %parallel_loop3A_694, %parallel_loop3A_693 : i32
      %parallel_loop3A_704 = arith.select %parallel_loop3A_702, %parallel_loop3A_703, %parallel_loop3A_694 : i32
      %parallel_loop3A_705 = arith.constant 16 : i32
      %parallel_loop3A_706 = arith.muli %parallel_loop3A_704, %parallel_loop3A_705 : i32
      %parallel_loop3A_707 = arith.index_cast %parallel_loop3A_688 : i32 to index
      %parallel_loop3A_708 = arith.index_cast %parallel_loop3A_706 : i32 to index
      %parallel_loop3A_709 = tpu.vector_load %arg7[%parallel_loop3A_707, %parallel_loop3A_708] {strides = array<i32>} : memref<16x1024xf32, #tpu.memory_space<vmem>>, vector<1x16xf32>,
      %parallel_loop3A_710 = vector.shape_cast %parallel_loop3A_709 : vector<1x16xf32> to vector<16xf32>
      %parallel_loop3A_711 = arith.index_cast %parallel_loop3A_688 : i32 to index
      %parallel_loop3A_712 = arith.index_cast %parallel_loop3A_706 : i32 to index
      %parallel_loop3A_713 = tpu.vector_load %arg12[%parallel_loop3A_711, %parallel_loop3A_712] {strides = array<i32>} : memref<16x1024xf32, #tpu.memory_space<vmem>>, vector<1x16xf32>,
      %parallel_loop3A_714 = vector.shape_cast %parallel_loop3A_713 : vector<1x16xf32> to vector<16xf32>
      %parallel_loop3A_715 = vector.shape_cast %parallel_loop3A_710 : vector<16xf32> to vector<1x16xf32>
      tpu.vector_store %arg12[%parallel_loop3A_711, %parallel_loop3A_712], %parallel_loop3A_715 {add = true, strides = array<i32>} : memref<16x1024xf32, #tpu.memory_space<vmem>>, vector<1x16xf32>,
    } {sc.loop_unroll_factor = 8 : i64, sc.parallel_access}
    %add3A_242 = arith.constant 0 : i32
    %add3A_243 = arith.addi %mul3A_2, %add3A_242 : i32
    %dma_start3A_244 = arith.constant 3 : i32
    %dma_start3A_245 = arith.constant 0 : i32
    %dma_start3A_246 = tpu.memref_slice %arg5[%dma_start3A_244, %add3A_243, %dma_start3A_245] : memref<4x2048x1024xf32, #tpu.memory_space<hbm>> -> memref<1x16x1024xf32, #tpu.memory_space<hbm>>
    %dma_start3A_247 = tpu.memref_squeeze %dma_start3A_246 : memref<1x16x1024xf32, #tpu.memory_space<hbm>> -> memref<16x1024xf32, #tpu.memory_space<hbm>>
    %dma_start3A_248 = arith.constant 0 : i32
    %dma_start3A_249 = tpu.memref_slice %arg5[%dma_start3A_244, %add3A_243, %dma_start3A_248] : memref<4x2048x1024xf32, #tpu.memory_space<hbm>> -> memref<1x16x1024xf32, #tpu.memory_space<hbm>>
    %dma_start3A_250 = tpu.memref_squeeze %dma_start3A_249 : memref<1x16x1024xf32, #tpu.memory_space<hbm>> -> memref<16x1024xf32, #tpu.memory_space<hbm>>
    tpu.enqueue_dma source(%arg12 : memref<16x1024xf32, #tpu.memory_space<vmem>>) target(%dma_start3A_250 : memref<16x1024xf32, #tpu.memory_space<hbm>>) target_semaphore(%arg25 : memref<!tpu.dma_semaphore, #tpu.memory_space<semaphore_mem>>)
    %dma_wait3A_251 = arith.constant 2 : i32
    %dma_wait3A_252 = arith.constant 0 : i32
    %dma_wait3A_253 = tpu.memref_slice %arg5[%dma_wait3A_251, %add3A_210, %dma_wait3A_252] : memref<4x2048x1024xf32, #tpu.memory_space<hbm>> -> memref<1x16x1024xf32, #tpu.memory_space<hbm>>
    %dma_wait3A_254 = tpu.memref_squeeze %dma_wait3A_253 : memref<1x16x1024xf32, #tpu.memory_space<hbm>> -> memref<16x1024xf32, #tpu.memory_space<hbm>>
    %dma_wait3A_255 = arith.constant 0 : i32
    %dma_wait3A_256 = tpu.memref_slice %arg5[%dma_wait3A_251, %add3A_210, %dma_wait3A_255] : memref<4x2048x1024xf32, #tpu.memory_space<hbm>> -> memref<1x16x1024xf32, #tpu.memory_space<hbm>>
    %dma_wait3A_257 = tpu.memref_squeeze %dma_wait3A_256 : memref<1x16x1024xf32, #tpu.memory_space<hbm>> -> memref<16x1024xf32, #tpu.memory_space<hbm>>
    tpu.wait_dma2 semaphore(%arg24 : memref<!tpu.dma_semaphore, #tpu.memory_space<semaphore_mem>>) src(%arg11 : memref<16x1024xf32, #tpu.memory_space<vmem>>) dst(%dma_wait3A_257 : memref<16x1024xf32, #tpu.memory_space<hbm>>)
    %dma_start3A_258 = arith.constant 3 : i32
    %dma_start3A_259 = arith.constant 16 : i32
    %dma_start3A_260 = tpu.memref_slice %arg6[%dma_start3A_258, %dma_start3A_259] : memref<4x64xi32, #tpu.memory_space<vmem>> -> memref<1x16xi32, #tpu.memory_space<vmem>>
    %dma_start3A_261 = tpu.memref_squeeze %dma_start3A_260 : memref<1x16xi32, #tpu.memory_space<vmem>> -> memref<16xi32, #tpu.memory_space<vmem>>
    %dma_start3A_262 = arith.constant 0 : i32
    %dma_start3A_263 = arith.constant 0 : i32
    %dma_start3A_264 = tpu.memref_slice %arg4[%dma_start3A_262, %dma_start3A_263] : memref<100000x1024xf32, #tpu.memory_space<hbm>> -> memref<100000x1024xf32, #tpu.memory_space<hbm>>
    tpu.enqueue_indirect_dma source(%dma_start3A_264 : memref<100000x1024xf32, #tpu.memory_space<hbm>>) target(%arg11 : memref<16x1024xf32, #tpu.memory_space<vmem>>) offsets(%dma_start3A_261 : memref<16xi32, #tpu.memory_space<vmem>>) semaphore(%arg19 : memref<!tpu.dma_semaphore, #tpu.memory_space<semaphore_mem>>)
    %dma_wait3A_265 = arith.constant 0 : i32
    %dma_wait3A_266 = tpu.memref_slice %arg3[%add3A_136, %dma_wait3A_265] : memref<2048x1024xf32, #tpu.memory_space<hbm>> -> memref<16x1024xf32, #tpu.memory_space<hbm>>
    %dma_wait3A_267 = arith.constant 0 : i32
    %dma_wait3A_268 = tpu.memref_slice %arg3[%add3A_136, %dma_wait3A_267] : memref<2048x1024xf32, #tpu.memory_space<hbm>> -> memref<16x1024xf32, #tpu.memory_space<hbm>>
    tpu.wait_dma2 semaphore(%arg16 : memref<!tpu.dma_semaphore, #tpu.memory_space<semaphore_mem>>) src(%dma_wait3A_268 : memref<16x1024xf32, #tpu.memory_space<hbm>>) dst(%arg8 : memref<16x1024xf32, #tpu.memory_space<vmem>>)
    %add3A_269 = arith.constant 32 : i32
    %add3A_270 = arith.addi %mul3A_2, %add3A_269 : i32
    %dma_start3A_271 = arith.constant 0 : i32
    %dma_start3A_272 = tpu.memref_slice %arg3[%add3A_270, %dma_start3A_271] : memref<2048x1024xf32, #tpu.memory_space<hbm>> -> memref<16x1024xf32, #tpu.memory_space<hbm>>
    %dma_start3A_273 = arith.constant 0 : i32
    %dma_start3A_274 = tpu.memref_slice %arg3[%add3A_270, %dma_start3A_273] : memref<2048x1024xf32, #tpu.memory_space<hbm>> -> memref<16x1024xf32, #tpu.memory_space<hbm>>
    tpu.enqueue_dma source(%dma_start3A_274 : memref<16x1024xf32, #tpu.memory_space<hbm>>) target(%arg7 : memref<16x1024xf32, #tpu.memory_space<vmem>>) target_semaphore(%arg15 : memref<!tpu.dma_semaphore, #tpu.memory_space<semaphore_mem>>)
    %dma_wait3A_275 = arith.constant 0 : i32
    %dma_wait3A_276 = arith.constant 16 : i32
    %dma_wait3A_277 = tpu.memref_slice %arg6[%dma_wait3A_275, %dma_wait3A_276] : memref<4x64xi32, #tpu.memory_space<vmem>> -> memref<1x16xi32, #tpu.memory_space<vmem>>
    %dma_wait3A_278 = tpu.memref_squeeze %dma_wait3A_277 : memref<1x16xi32, #tpu.memory_space<vmem>> -> memref<16xi32, #tpu.memory_space<vmem>>
    %dma_wait3A_279 = arith.constant 0 : i32
    %dma_wait3A_280 = arith.constant 0 : i32
    %dma_wait3A_281 = tpu.memref_slice %arg4[%dma_wait3A_279, %dma_wait3A_280] : memref<100000x1024xf32, #tpu.memory_space<hbm>> -> memref<100000x1024xf32, #tpu.memory_space<hbm>>
    tpu.wait_indirect_dma semaphore(%arg21 : memref<!tpu.dma_semaphore, #tpu.memory_space<semaphore_mem>>) src(%dma_wait3A_281 : memref<100000x1024xf32, #tpu.memory_space<hbm>>) dst(%arg13 : memref<16x1024xf32, #tpu.memory_space<vmem>>)
    %parallel_loop3A_282 = arith.constant 0 : i32
    %parallel_loop3A_283 = arith.constant 1024 : i32
    %parallel_loop3A_284 = arith.constant 1 : i32
    scf.for %parallel_loop3A_664 = %parallel_loop3A_282 to %parallel_loop3A_283 step %parallel_loop3A_284  : i32 {
      %parallel_loop3A_665 = arith.constant 64 : i32
      %parallel_loop3A_666 = arith.divsi %parallel_loop3A_664, %parallel_loop3A_665 : i32
      %parallel_loop3A_667 = arith.constant 0 : i32
      %parallel_loop3A_668 = arith.cmpi sgt, %parallel_loop3A_664, %parallel_loop3A_667 : i32
      %parallel_loop3A_669 = arith.extui %parallel_loop3A_668 : i1 to i32
      %parallel_loop3A_670 = arith.constant 0 : i32
      %parallel_loop3A_671 = arith.cmpi slt, %parallel_loop3A_664, %parallel_loop3A_670 : i32
      %parallel_loop3A_672 = arith.extui %parallel_loop3A_671 : i1 to i32
      %parallel_loop3A_673 = arith.subi %parallel_loop3A_669, %parallel_loop3A_672 : i32
      %parallel_loop3A_674 = arith.constant 0 : i32
      %parallel_loop3A_675 = arith.cmpi sgt, %parallel_loop3A_665, %parallel_loop3A_674 : i32
      %parallel_loop3A_676 = arith.extui %parallel_loop3A_675 : i1 to i32
      %parallel_loop3A_677 = arith.constant 0 : i32
      %parallel_loop3A_678 = arith.cmpi slt, %parallel_loop3A_665, %parallel_loop3A_677 : i32
      %parallel_loop3A_679 = arith.extui %parallel_loop3A_678 : i1 to i32
      %parallel_loop3A_680 = arith.subi %parallel_loop3A_676, %parallel_loop3A_679 : i32
      %parallel_loop3A_681 = arith.cmpi ne, %parallel_loop3A_673, %parallel_loop3A_680 : i32
      %parallel_loop3A_682 = arith.remsi %parallel_loop3A_664, %parallel_loop3A_665 : i32
      %parallel_loop3A_683 = arith.constant 0 : i32
      %parallel_loop3A_684 = arith.cmpi ne, %parallel_loop3A_682, %parallel_loop3A_683 : i32
      %parallel_loop3A_685 = arith.andi %parallel_loop3A_681, %parallel_loop3A_684 : i1
      %parallel_loop3A_686 = arith.constant 1 : i32
      %parallel_loop3A_687 = arith.subi %parallel_loop3A_666, %parallel_loop3A_686 : i32
      %parallel_loop3A_688 = arith.select %parallel_loop3A_685, %parallel_loop3A_687, %parallel_loop3A_666 : i32
      %parallel_loop3A_689 = arith.constant 64 : i32
      %parallel_loop3A_690 = arith.constant 0 : i32
      %parallel_loop3A_691 = arith.cmpi eq, %parallel_loop3A_689, %parallel_loop3A_690 : i32
      %parallel_loop3A_692 = arith.constant 1 : i32
      %parallel_loop3A_693 = arith.select %parallel_loop3A_691, %parallel_loop3A_692, %parallel_loop3A_689 : i32
      %parallel_loop3A_694 = arith.remsi %parallel_loop3A_664, %parallel_loop3A_693 : i32
      %parallel_loop3A_695 = arith.constant 0 : i32
      %parallel_loop3A_696 = arith.cmpi ne, %parallel_loop3A_694, %parallel_loop3A_695 : i32
      %parallel_loop3A_697 = arith.constant 0 : i32
      %parallel_loop3A_698 = arith.cmpi slt, %parallel_loop3A_694, %parallel_loop3A_697 : i32
      %parallel_loop3A_699 = arith.constant 0 : i32
      %parallel_loop3A_700 = arith.cmpi slt, %parallel_loop3A_693, %parallel_loop3A_699 : i32
      %parallel_loop3A_701 = arith.xori %parallel_loop3A_698, %parallel_loop3A_700 : i1
      %parallel_loop3A_702 = arith.andi %parallel_loop3A_701, %parallel_loop3A_696 : i1
      %parallel_loop3A_703 = arith.addi %parallel_loop3A_694, %parallel_loop3A_693 : i32
      %parallel_loop3A_704 = arith.select %parallel_loop3A_702, %parallel_loop3A_703, %parallel_loop3A_694 : i32
      %parallel_loop3A_705 = arith.constant 16 : i32
      %parallel_loop3A_706 = arith.muli %parallel_loop3A_704, %parallel_loop3A_705 : i32
      %parallel_loop3A_707 = arith.index_cast %parallel_loop3A_688 : i32 to index
      %parallel_loop3A_708 = arith.index_cast %parallel_loop3A_706 : i32 to index
      %parallel_loop3A_709 = tpu.vector_load %arg8[%parallel_loop3A_707, %parallel_loop3A_708] {strides = array<i32>} : memref<16x1024xf32, #tpu.memory_space<vmem>>, vector<1x16xf32>,
      %parallel_loop3A_710 = vector.shape_cast %parallel_loop3A_709 : vector<1x16xf32> to vector<16xf32>
      %parallel_loop3A_711 = arith.index_cast %parallel_loop3A_688 : i32 to index
      %parallel_loop3A_712 = arith.index_cast %parallel_loop3A_706 : i32 to index
      %parallel_loop3A_713 = tpu.vector_load %arg13[%parallel_loop3A_711, %parallel_loop3A_712] {strides = array<i32>} : memref<16x1024xf32, #tpu.memory_space<vmem>>, vector<1x16xf32>,
      %parallel_loop3A_714 = vector.shape_cast %parallel_loop3A_713 : vector<1x16xf32> to vector<16xf32>
      %parallel_loop3A_715 = vector.shape_cast %parallel_loop3A_710 : vector<16xf32> to vector<1x16xf32>
      tpu.vector_store %arg13[%parallel_loop3A_711, %parallel_loop3A_712], %parallel_loop3A_715 {add = true, strides = array<i32>} : memref<16x1024xf32, #tpu.memory_space<vmem>>, vector<1x16xf32>,
    } {sc.loop_unroll_factor = 8 : i64, sc.parallel_access}
    %add3A_285 = arith.constant 16 : i32
    %add3A_286 = arith.addi %mul3A_2, %add3A_285 : i32
    %dma_start3A_287 = arith.constant 0 : i32
    %dma_start3A_288 = arith.constant 0 : i32
    %dma_start3A_289 = tpu.memref_slice %arg5[%dma_start3A_287, %add3A_286, %dma_start3A_288] : memref<4x2048x1024xf32, #tpu.memory_space<hbm>> -> memref<1x16x1024xf32, #tpu.memory_space<hbm>>
    %dma_start3A_290 = tpu.memref_squeeze %dma_start3A_289 : memref<1x16x1024xf32, #tpu.memory_space<hbm>> -> memref<16x1024xf32, #tpu.memory_space<hbm>>
    %dma_start3A_291 = arith.constant 0 : i32
    %dma_start3A_292 = tpu.memref_slice %arg5[%dma_start3A_287, %add3A_286, %dma_start3A_291] : memref<4x2048x1024xf32, #tpu.memory_space<hbm>> -> memref<1x16x1024xf32, #tpu.memory_space<hbm>>
    %dma_start3A_293 = tpu.memref_squeeze %dma_start3A_292 : memref<1x16x1024xf32, #tpu.memory_space<hbm>> -> memref<16x1024xf32, #tpu.memory_space<hbm>>
    tpu.enqueue_dma source(%arg13 : memref<16x1024xf32, #tpu.memory_space<vmem>>) target(%dma_start3A_293 : memref<16x1024xf32, #tpu.memory_space<hbm>>) target_semaphore(%arg26 : memref<!tpu.dma_semaphore, #tpu.memory_space<semaphore_mem>>)
    %dma_wait3A_294 = arith.constant 3 : i32
    %dma_wait3A_295 = arith.constant 0 : i32
    %dma_wait3A_296 = tpu.memref_slice %arg5[%dma_wait3A_294, %add3A_243, %dma_wait3A_295] : memref<4x2048x1024xf32, #tpu.memory_space<hbm>> -> memref<1x16x1024xf32, #tpu.memory_space<hbm>>
    %dma_wait3A_297 = tpu.memref_squeeze %dma_wait3A_296 : memref<1x16x1024xf32, #tpu.memory_space<hbm>> -> memref<16x1024xf32, #tpu.memory_space<hbm>>
    %dma_wait3A_298 = arith.constant 0 : i32
    %dma_wait3A_299 = tpu.memref_slice %arg5[%dma_wait3A_294, %add3A_243, %dma_wait3A_298] : memref<4x2048x1024xf32, #tpu.memory_space<hbm>> -> memref<1x16x1024xf32, #tpu.memory_space<hbm>>
    %dma_wait3A_300 = tpu.memref_squeeze %dma_wait3A_299 : memref<1x16x1024xf32, #tpu.memory_space<hbm>> -> memref<16x1024xf32, #tpu.memory_space<hbm>>
    tpu.wait_dma2 semaphore(%arg25 : memref<!tpu.dma_semaphore, #tpu.memory_space<semaphore_mem>>) src(%arg12 : memref<16x1024xf32, #tpu.memory_space<vmem>>) dst(%dma_wait3A_300 : memref<16x1024xf32, #tpu.memory_space<hbm>>)
    %dma_start3A_301 = arith.constant 0 : i32
    %dma_start3A_302 = arith.constant 32 : i32
    %dma_start3A_303 = tpu.memref_slice %arg6[%dma_start3A_301, %dma_start3A_302] : memref<4x64xi32, #tpu.memory_space<vmem>> -> memref<1x16xi32, #tpu.memory_space<vmem>>
    %dma_start3A_304 = tpu.memref_squeeze %dma_start3A_303 : memref<1x16xi32, #tpu.memory_space<vmem>> -> memref<16xi32, #tpu.memory_space<vmem>>
    %dma_start3A_305 = arith.constant 0 : i32
    %dma_start3A_306 = arith.constant 0 : i32
    %dma_start3A_307 = tpu.memref_slice %arg4[%dma_start3A_305, %dma_start3A_306] : memref<100000x1024xf32, #tpu.memory_space<hbm>> -> memref<100000x1024xf32, #tpu.memory_space<hbm>>
    tpu.enqueue_indirect_dma source(%dma_start3A_307 : memref<100000x1024xf32, #tpu.memory_space<hbm>>) target(%arg12 : memref<16x1024xf32, #tpu.memory_space<vmem>>) offsets(%dma_start3A_304 : memref<16xi32, #tpu.memory_space<vmem>>) semaphore(%arg20 : memref<!tpu.dma_semaphore, #tpu.memory_space<semaphore_mem>>)
    %dma_wait3A_308 = arith.constant 1 : i32
    %dma_wait3A_309 = arith.constant 16 : i32
    %dma_wait3A_310 = tpu.memref_slice %arg6[%dma_wait3A_308, %dma_wait3A_309] : memref<4x64xi32, #tpu.memory_space<vmem>> -> memref<1x16xi32, #tpu.memory_space<vmem>>
    %dma_wait3A_311 = tpu.memref_squeeze %dma_wait3A_310 : memref<1x16xi32, #tpu.memory_space<vmem>> -> memref<16xi32, #tpu.memory_space<vmem>>
    %dma_wait3A_312 = arith.constant 0 : i32
    %dma_wait3A_313 = arith.constant 0 : i32
    %dma_wait3A_314 = tpu.memref_slice %arg4[%dma_wait3A_312, %dma_wait3A_313] : memref<100000x1024xf32, #tpu.memory_space<hbm>> -> memref<100000x1024xf32, #tpu.memory_space<hbm>>
    tpu.wait_indirect_dma semaphore(%arg17 : memref<!tpu.dma_semaphore, #tpu.memory_space<semaphore_mem>>) src(%dma_wait3A_314 : memref<100000x1024xf32, #tpu.memory_space<hbm>>) dst(%arg9 : memref<16x1024xf32, #tpu.memory_space<vmem>>)
    %parallel_loop3A_315 = arith.constant 0 : i32
    %parallel_loop3A_316 = arith.constant 1024 : i32
    %parallel_loop3A_317 = arith.constant 1 : i32
    scf.for %parallel_loop3A_664 = %parallel_loop3A_315 to %parallel_loop3A_316 step %parallel_loop3A_317  : i32 {
      %parallel_loop3A_665 = arith.constant 64 : i32
      %parallel_loop3A_666 = arith.divsi %parallel_loop3A_664, %parallel_loop3A_665 : i32
      %parallel_loop3A_667 = arith.constant 0 : i32
      %parallel_loop3A_668 = arith.cmpi sgt, %parallel_loop3A_664, %parallel_loop3A_667 : i32
      %parallel_loop3A_669 = arith.extui %parallel_loop3A_668 : i1 to i32
      %parallel_loop3A_670 = arith.constant 0 : i32
      %parallel_loop3A_671 = arith.cmpi slt, %parallel_loop3A_664, %parallel_loop3A_670 : i32
      %parallel_loop3A_672 = arith.extui %parallel_loop3A_671 : i1 to i32
      %parallel_loop3A_673 = arith.subi %parallel_loop3A_669, %parallel_loop3A_672 : i32
      %parallel_loop3A_674 = arith.constant 0 : i32
      %parallel_loop3A_675 = arith.cmpi sgt, %parallel_loop3A_665, %parallel_loop3A_674 : i32
      %parallel_loop3A_676 = arith.extui %parallel_loop3A_675 : i1 to i32
      %parallel_loop3A_677 = arith.constant 0 : i32
      %parallel_loop3A_678 = arith.cmpi slt, %parallel_loop3A_665, %parallel_loop3A_677 : i32
      %parallel_loop3A_679 = arith.extui %parallel_loop3A_678 : i1 to i32
      %parallel_loop3A_680 = arith.subi %parallel_loop3A_676, %parallel_loop3A_679 : i32
      %parallel_loop3A_681 = arith.cmpi ne, %parallel_loop3A_673, %parallel_loop3A_680 : i32
      %parallel_loop3A_682 = arith.remsi %parallel_loop3A_664, %parallel_loop3A_665 : i32
      %parallel_loop3A_683 = arith.constant 0 : i32
      %parallel_loop3A_684 = arith.cmpi ne, %parallel_loop3A_682, %parallel_loop3A_683 : i32
      %parallel_loop3A_685 = arith.andi %parallel_loop3A_681, %parallel_loop3A_684 : i1
      %parallel_loop3A_686 = arith.constant 1 : i32
      %parallel_loop3A_687 = arith.subi %parallel_loop3A_666, %parallel_loop3A_686 : i32
      %parallel_loop3A_688 = arith.select %parallel_loop3A_685, %parallel_loop3A_687, %parallel_loop3A_666 : i32
      %parallel_loop3A_689 = arith.constant 64 : i32
      %parallel_loop3A_690 = arith.constant 0 : i32
      %parallel_loop3A_691 = arith.cmpi eq, %parallel_loop3A_689, %parallel_loop3A_690 : i32
      %parallel_loop3A_692 = arith.constant 1 : i32
      %parallel_loop3A_693 = arith.select %parallel_loop3A_691, %parallel_loop3A_692, %parallel_loop3A_689 : i32
      %parallel_loop3A_694 = arith.remsi %parallel_loop3A_664, %parallel_loop3A_693 : i32
      %parallel_loop3A_695 = arith.constant 0 : i32
      %parallel_loop3A_696 = arith.cmpi ne, %parallel_loop3A_694, %parallel_loop3A_695 : i32
      %parallel_loop3A_697 = arith.constant 0 : i32
      %parallel_loop3A_698 = arith.cmpi slt, %parallel_loop3A_694, %parallel_loop3A_697 : i32
      %parallel_loop3A_699 = arith.constant 0 : i32
      %parallel_loop3A_700 = arith.cmpi slt, %parallel_loop3A_693, %parallel_loop3A_699 : i32
      %parallel_loop3A_701 = arith.xori %parallel_loop3A_698, %parallel_loop3A_700 : i1
      %parallel_loop3A_702 = arith.andi %parallel_loop3A_701, %parallel_loop3A_696 : i1
      %parallel_loop3A_703 = arith.addi %parallel_loop3A_694, %parallel_loop3A_693 : i32
      %parallel_loop3A_704 = arith.select %parallel_loop3A_702, %parallel_loop3A_703, %parallel_loop3A_694 : i32
      %parallel_loop3A_705 = arith.constant 16 : i32
      %parallel_loop3A_706 = arith.muli %parallel_loop3A_704, %parallel_loop3A_705 : i32
      %parallel_loop3A_707 = arith.index_cast %parallel_loop3A_688 : i32 to index
      %parallel_loop3A_708 = arith.index_cast %parallel_loop3A_706 : i32 to index
      %parallel_loop3A_709 = tpu.vector_load %arg8[%parallel_loop3A_707, %parallel_loop3A_708] {strides = array<i32>} : memref<16x1024xf32, #tpu.memory_space<vmem>>, vector<1x16xf32>,
      %parallel_loop3A_710 = vector.shape_cast %parallel_loop3A_709 : vector<1x16xf32> to vector<16xf32>
      %parallel_loop3A_711 = arith.index_cast %parallel_loop3A_688 : i32 to index
      %parallel_loop3A_712 = arith.index_cast %parallel_loop3A_706 : i32 to index
      %parallel_loop3A_713 = tpu.vector_load %arg9[%parallel_loop3A_711, %parallel_loop3A_712] {strides = array<i32>} : memref<16x1024xf32, #tpu.memory_space<vmem>>, vector<1x16xf32>,
      %parallel_loop3A_714 = vector.shape_cast %parallel_loop3A_713 : vector<1x16xf32> to vector<16xf32>
      %parallel_loop3A_715 = vector.shape_cast %parallel_loop3A_710 : vector<16xf32> to vector<1x16xf32>
      tpu.vector_store %arg9[%parallel_loop3A_711, %parallel_loop3A_712], %parallel_loop3A_715 {add = true, strides = array<i32>} : memref<16x1024xf32, #tpu.memory_space<vmem>>, vector<1x16xf32>,
    } {sc.loop_unroll_factor = 8 : i64, sc.parallel_access}
    %add3A_318 = arith.constant 16 : i32
    %add3A_319 = arith.addi %mul3A_2, %add3A_318 : i32
    %dma_start3A_320 = arith.constant 1 : i32
    %dma_start3A_321 = arith.constant 0 : i32
    %dma_start3A_322 = tpu.memref_slice %arg5[%dma_start3A_320, %add3A_319, %dma_start3A_321] : memref<4x2048x1024xf32, #tpu.memory_space<hbm>> -> memref<1x16x1024xf32, #tpu.memory_space<hbm>>
    %dma_start3A_323 = tpu.memref_squeeze %dma_start3A_322 : memref<1x16x1024xf32, #tpu.memory_space<hbm>> -> memref<16x1024xf32, #tpu.memory_space<hbm>>
    %dma_start3A_324 = arith.constant 0 : i32
    %dma_start3A_325 = tpu.memref_slice %arg5[%dma_start3A_320, %add3A_319, %dma_start3A_324] : memref<4x2048x1024xf32, #tpu.memory_space<hbm>> -> memref<1x16x1024xf32, #tpu.memory_space<hbm>>
    %dma_start3A_326 = tpu.memref_squeeze %dma_start3A_325 : memref<1x16x1024xf32, #tpu.memory_space<hbm>> -> memref<16x1024xf32, #tpu.memory_space<hbm>>
    tpu.enqueue_dma source(%arg9 : memref<16x1024xf32, #tpu.memory_space<vmem>>) target(%dma_start3A_326 : memref<16x1024xf32, #tpu.memory_space<hbm>>) target_semaphore(%arg22 : memref<!tpu.dma_semaphore, #tpu.memory_space<semaphore_mem>>)
    %dma_wait3A_327 = arith.constant 0 : i32
    %dma_wait3A_328 = arith.constant 0 : i32
    %dma_wait3A_329 = tpu.memref_slice %arg5[%dma_wait3A_327, %add3A_286, %dma_wait3A_328] : memref<4x2048x1024xf32, #tpu.memory_space<hbm>> -> memref<1x16x1024xf32, #tpu.memory_space<hbm>>
    %dma_wait3A_330 = tpu.memref_squeeze %dma_wait3A_329 : memref<1x16x1024xf32, #tpu.memory_space<hbm>> -> memref<16x1024xf32, #tpu.memory_space<hbm>>
    %dma_wait3A_331 = arith.constant 0 : i32
    %dma_wait3A_332 = tpu.memref_slice %arg5[%dma_wait3A_327, %add3A_286, %dma_wait3A_331] : memref<4x2048x1024xf32, #tpu.memory_space<hbm>> -> memref<1x16x1024xf32, #tpu.memory_space<hbm>>
    %dma_wait3A_333 = tpu.memref_squeeze %dma_wait3A_332 : memref<1x16x1024xf32, #tpu.memory_space<hbm>> -> memref<16x1024xf32, #tpu.memory_space<hbm>>
    tpu.wait_dma2 semaphore(%arg26 : memref<!tpu.dma_semaphore, #tpu.memory_space<semaphore_mem>>) src(%arg13 : memref<16x1024xf32, #tpu.memory_space<vmem>>) dst(%dma_wait3A_333 : memref<16x1024xf32, #tpu.memory_space<hbm>>)
    %dma_start3A_334 = arith.constant 1 : i32
    %dma_start3A_335 = arith.constant 32 : i32
    %dma_start3A_336 = tpu.memref_slice %arg6[%dma_start3A_334, %dma_start3A_335] : memref<4x64xi32, #tpu.memory_space<vmem>> -> memref<1x16xi32, #tpu.memory_space<vmem>>
    %dma_start3A_337 = tpu.memref_squeeze %dma_start3A_336 : memref<1x16xi32, #tpu.memory_space<vmem>> -> memref<16xi32, #tpu.memory_space<vmem>>
    %dma_start3A_338 = arith.constant 0 : i32
    %dma_start3A_339 = arith.constant 0 : i32
    %dma_start3A_340 = tpu.memref_slice %arg4[%dma_start3A_338, %dma_start3A_339] : memref<100000x1024xf32, #tpu.memory_space<hbm>> -> memref<100000x1024xf32, #tpu.memory_space<hbm>>
    tpu.enqueue_indirect_dma source(%dma_start3A_340 : memref<100000x1024xf32, #tpu.memory_space<hbm>>) target(%arg13 : memref<16x1024xf32, #tpu.memory_space<vmem>>) offsets(%dma_start3A_337 : memref<16xi32, #tpu.memory_space<vmem>>) semaphore(%arg21 : memref<!tpu.dma_semaphore, #tpu.memory_space<semaphore_mem>>)
    %dma_wait3A_341 = arith.constant 2 : i32
    %dma_wait3A_342 = arith.constant 16 : i32
    %dma_wait3A_343 = tpu.memref_slice %arg6[%dma_wait3A_341, %dma_wait3A_342] : memref<4x64xi32, #tpu.memory_space<vmem>> -> memref<1x16xi32, #tpu.memory_space<vmem>>
    %dma_wait3A_344 = tpu.memref_squeeze %dma_wait3A_343 : memref<1x16xi32, #tpu.memory_space<vmem>> -> memref<16xi32, #tpu.memory_space<vmem>>
    %dma_wait3A_345 = arith.constant 0 : i32
    %dma_wait3A_346 = arith.constant 0 : i32
    %dma_wait3A_347 = tpu.memref_slice %arg4[%dma_wait3A_345, %dma_wait3A_346] : memref<100000x1024xf32, #tpu.memory_space<hbm>> -> memref<100000x1024xf32, #tpu.memory_space<hbm>>
    tpu.wait_indirect_dma semaphore(%arg18 : memref<!tpu.dma_semaphore, #tpu.memory_space<semaphore_mem>>) src(%dma_wait3A_347 : memref<100000x1024xf32, #tpu.memory_space<hbm>>) dst(%arg10 : memref<16x1024xf32, #tpu.memory_space<vmem>>)
    %parallel_loop3A_348 = arith.constant 0 : i32
    %parallel_loop3A_349 = arith.constant 1024 : i32
    %parallel_loop3A_350 = arith.constant 1 : i32
    scf.for %parallel_loop3A_664 = %parallel_loop3A_348 to %parallel_loop3A_349 step %parallel_loop3A_350  : i32 {
      %parallel_loop3A_665 = arith.constant 64 : i32
      %parallel_loop3A_666 = arith.divsi %parallel_loop3A_664, %parallel_loop3A_665 : i32
      %parallel_loop3A_667 = arith.constant 0 : i32
      %parallel_loop3A_668 = arith.cmpi sgt, %parallel_loop3A_664, %parallel_loop3A_667 : i32
      %parallel_loop3A_669 = arith.extui %parallel_loop3A_668 : i1 to i32
      %parallel_loop3A_670 = arith.constant 0 : i32
      %parallel_loop3A_671 = arith.cmpi slt, %parallel_loop3A_664, %parallel_loop3A_670 : i32
      %parallel_loop3A_672 = arith.extui %parallel_loop3A_671 : i1 to i32
      %parallel_loop3A_673 = arith.subi %parallel_loop3A_669, %parallel_loop3A_672 : i32
      %parallel_loop3A_674 = arith.constant 0 : i32
      %parallel_loop3A_675 = arith.cmpi sgt, %parallel_loop3A_665, %parallel_loop3A_674 : i32
      %parallel_loop3A_676 = arith.extui %parallel_loop3A_675 : i1 to i32
      %parallel_loop3A_677 = arith.constant 0 : i32
      %parallel_loop3A_678 = arith.cmpi slt, %parallel_loop3A_665, %parallel_loop3A_677 : i32
      %parallel_loop3A_679 = arith.extui %parallel_loop3A_678 : i1 to i32
      %parallel_loop3A_680 = arith.subi %parallel_loop3A_676, %parallel_loop3A_679 : i32
      %parallel_loop3A_681 = arith.cmpi ne, %parallel_loop3A_673, %parallel_loop3A_680 : i32
      %parallel_loop3A_682 = arith.remsi %parallel_loop3A_664, %parallel_loop3A_665 : i32
      %parallel_loop3A_683 = arith.constant 0 : i32
      %parallel_loop3A_684 = arith.cmpi ne, %parallel_loop3A_682, %parallel_loop3A_683 : i32
      %parallel_loop3A_685 = arith.andi %parallel_loop3A_681, %parallel_loop3A_684 : i1
      %parallel_loop3A_686 = arith.constant 1 : i32
      %parallel_loop3A_687 = arith.subi %parallel_loop3A_666, %parallel_loop3A_686 : i32
      %parallel_loop3A_688 = arith.select %parallel_loop3A_685, %parallel_loop3A_687, %parallel_loop3A_666 : i32
      %parallel_loop3A_689 = arith.constant 64 : i32
      %parallel_loop3A_690 = arith.constant 0 : i32
      %parallel_loop3A_691 = arith.cmpi eq, %parallel_loop3A_689, %parallel_loop3A_690 : i32
      %parallel_loop3A_692 = arith.constant 1 : i32
      %parallel_loop3A_693 = arith.select %parallel_loop3A_691, %parallel_loop3A_692, %parallel_loop3A_689 : i32
      %parallel_loop3A_694 = arith.remsi %parallel_loop3A_664, %parallel_loop3A_693 : i32
      %parallel_loop3A_695 = arith.constant 0 : i32
      %parallel_loop3A_696 = arith.cmpi ne, %parallel_loop3A_694, %parallel_loop3A_695 : i32
      %parallel_loop3A_697 = arith.constant 0 : i32
      %parallel_loop3A_698 = arith.cmpi slt, %parallel_loop3A_694, %parallel_loop3A_697 : i32
      %parallel_loop3A_699 = arith.constant 0 : i32
      %parallel_loop3A_700 = arith.cmpi slt, %parallel_loop3A_693, %parallel_loop3A_699 : i32
      %parallel_loop3A_701 = arith.xori %parallel_loop3A_698, %parallel_loop3A_700 : i1
      %parallel_loop3A_702 = arith.andi %parallel_loop3A_701, %parallel_loop3A_696 : i1
      %parallel_loop3A_703 = arith.addi %parallel_loop3A_694, %parallel_loop3A_693 : i32
      %parallel_loop3A_704 = arith.select %parallel_loop3A_702, %parallel_loop3A_703, %parallel_loop3A_694 : i32
      %parallel_loop3A_705 = arith.constant 16 : i32
      %parallel_loop3A_706 = arith.muli %parallel_loop3A_704, %parallel_loop3A_705 : i32
      %parallel_loop3A_707 = arith.index_cast %parallel_loop3A_688 : i32 to index
      %parallel_loop3A_708 = arith.index_cast %parallel_loop3A_706 : i32 to index
      %parallel_loop3A_709 = tpu.vector_load %arg8[%parallel_loop3A_707, %parallel_loop3A_708] {strides = array<i32>} : memref<16x1024xf32, #tpu.memory_space<vmem>>, vector<1x16xf32>,
      %parallel_loop3A_710 = vector.shape_cast %parallel_loop3A_709 : vector<1x16xf32> to vector<16xf32>
      %parallel_loop3A_711 = arith.index_cast %parallel_loop3A_688 : i32 to index
      %parallel_loop3A_712 = arith.index_cast %parallel_loop3A_706 : i32 to index
      %parallel_loop3A_713 = tpu.vector_load %arg10[%parallel_loop3A_711, %parallel_loop3A_712] {strides = array<i32>} : memref<16x1024xf32, #tpu.memory_space<vmem>>, vector<1x16xf32>,
      %parallel_loop3A_714 = vector.shape_cast %parallel_loop3A_713 : vector<1x16xf32> to vector<16xf32>
      %parallel_loop3A_715 = vector.shape_cast %parallel_loop3A_710 : vector<16xf32> to vector<1x16xf32>
      tpu.vector_store %arg10[%parallel_loop3A_711, %parallel_loop3A_712], %parallel_loop3A_715 {add = true, strides = array<i32>} : memref<16x1024xf32, #tpu.memory_space<vmem>>, vector<1x16xf32>,
    } {sc.loop_unroll_factor = 8 : i64, sc.parallel_access}
    %add3A_351 = arith.constant 16 : i32
    %add3A_352 = arith.addi %mul3A_2, %add3A_351 : i32
    %dma_start3A_353 = arith.constant 2 : i32
    %dma_start3A_354 = arith.constant 0 : i32
    %dma_start3A_355 = tpu.memref_slice %arg5[%dma_start3A_353, %add3A_352, %dma_start3A_354] : memref<4x2048x1024xf32, #tpu.memory_space<hbm>> -> memref<1x16x1024xf32, #tpu.memory_space<hbm>>
    %dma_start3A_356 = tpu.memref_squeeze %dma_start3A_355 : memref<1x16x1024xf32, #tpu.memory_space<hbm>> -> memref<16x1024xf32, #tpu.memory_space<hbm>>
    %dma_start3A_357 = arith.constant 0 : i32
    %dma_start3A_358 = tpu.memref_slice %arg5[%dma_start3A_353, %add3A_352, %dma_start3A_357] : memref<4x2048x1024xf32, #tpu.memory_space<hbm>> -> memref<1x16x1024xf32, #tpu.memory_space<hbm>>
    %dma_start3A_359 = tpu.memref_squeeze %dma_start3A_358 : memref<1x16x1024xf32, #tpu.memory_space<hbm>> -> memref<16x1024xf32, #tpu.memory_space<hbm>>
    tpu.enqueue_dma source(%arg10 : memref<16x1024xf32, #tpu.memory_space<vmem>>) target(%dma_start3A_359 : memref<16x1024xf32, #tpu.memory_space<hbm>>) target_semaphore(%arg23 : memref<!tpu.dma_semaphore, #tpu.memory_space<semaphore_mem>>)
    %dma_wait3A_360 = arith.constant 1 : i32
    %dma_wait3A_361 = arith.constant 0 : i32
    %dma_wait3A_362 = tpu.memref_slice %arg5[%dma_wait3A_360, %add3A_319, %dma_wait3A_361] : memref<4x2048x1024xf32, #tpu.memory_space<hbm>> -> memref<1x16x1024xf32, #tpu.memory_space<hbm>>
    %dma_wait3A_363 = tpu.memref_squeeze %dma_wait3A_362 : memref<1x16x1024xf32, #tpu.memory_space<hbm>> -> memref<16x1024xf32, #tpu.memory_space<hbm>>
    %dma_wait3A_364 = arith.constant 0 : i32
    %dma_wait3A_365 = tpu.memref_slice %arg5[%dma_wait3A_360, %add3A_319, %dma_wait3A_364] : memref<4x2048x1024xf32, #tpu.memory_space<hbm>> -> memref<1x16x1024xf32, #tpu.memory_space<hbm>>
    %dma_wait3A_366 = tpu.memref_squeeze %dma_wait3A_365 : memref<1x16x1024xf32, #tpu.memory_space<hbm>> -> memref<16x1024xf32, #tpu.memory_space<hbm>>
    tpu.wait_dma2 semaphore(%arg22 : memref<!tpu.dma_semaphore, #tpu.memory_space<semaphore_mem>>) src(%arg9 : memref<16x1024xf32, #tpu.memory_space<vmem>>) dst(%dma_wait3A_366 : memref<16x1024xf32, #tpu.memory_space<hbm>>)
    %dma_start3A_367 = arith.constant 2 : i32
    %dma_start3A_368 = arith.constant 32 : i32
    %dma_start3A_369 = tpu.memref_slice %arg6[%dma_start3A_367, %dma_start3A_368] : memref<4x64xi32, #tpu.memory_space<vmem>> -> memref<1x16xi32, #tpu.memory_space<vmem>>
    %dma_start3A_370 = tpu.memref_squeeze %dma_start3A_369 : memref<1x16xi32, #tpu.memory_space<vmem>> -> memref<16xi32, #tpu.memory_space<vmem>>
    %dma_start3A_371 = arith.constant 0 : i32
    %dma_start3A_372 = arith.constant 0 : i32
    %dma_start3A_373 = tpu.memref_slice %arg4[%dma_start3A_371, %dma_start3A_372] : memref<100000x1024xf32, #tpu.memory_space<hbm>> -> memref<100000x1024xf32, #tpu.memory_space<hbm>>
    tpu.enqueue_indirect_dma source(%dma_start3A_373 : memref<100000x1024xf32, #tpu.memory_space<hbm>>) target(%arg9 : memref<16x1024xf32, #tpu.memory_space<vmem>>) offsets(%dma_start3A_370 : memref<16xi32, #tpu.memory_space<vmem>>) semaphore(%arg17 : memref<!tpu.dma_semaphore, #tpu.memory_space<semaphore_mem>>)
    %dma_wait3A_374 = arith.constant 3 : i32
    %dma_wait3A_375 = arith.constant 16 : i32
    %dma_wait3A_376 = tpu.memref_slice %arg6[%dma_wait3A_374, %dma_wait3A_375] : memref<4x64xi32, #tpu.memory_space<vmem>> -> memref<1x16xi32, #tpu.memory_space<vmem>>
    %dma_wait3A_377 = tpu.memref_squeeze %dma_wait3A_376 : memref<1x16xi32, #tpu.memory_space<vmem>> -> memref<16xi32, #tpu.memory_space<vmem>>
    %dma_wait3A_378 = arith.constant 0 : i32
    %dma_wait3A_379 = arith.constant 0 : i32
    %dma_wait3A_380 = tpu.memref_slice %arg4[%dma_wait3A_378, %dma_wait3A_379] : memref<100000x1024xf32, #tpu.memory_space<hbm>> -> memref<100000x1024xf32, #tpu.memory_space<hbm>>
    tpu.wait_indirect_dma semaphore(%arg19 : memref<!tpu.dma_semaphore, #tpu.memory_space<semaphore_mem>>) src(%dma_wait3A_380 : memref<100000x1024xf32, #tpu.memory_space<hbm>>) dst(%arg11 : memref<16x1024xf32, #tpu.memory_space<vmem>>)
    %parallel_loop3A_381 = arith.constant 0 : i32
    %parallel_loop3A_382 = arith.constant 1024 : i32
    %parallel_loop3A_383 = arith.constant 1 : i32
    scf.for %parallel_loop3A_664 = %parallel_loop3A_381 to %parallel_loop3A_382 step %parallel_loop3A_383  : i32 {
      %parallel_loop3A_665 = arith.constant 64 : i32
      %parallel_loop3A_666 = arith.divsi %parallel_loop3A_664, %parallel_loop3A_665 : i32
      %parallel_loop3A_667 = arith.constant 0 : i32
      %parallel_loop3A_668 = arith.cmpi sgt, %parallel_loop3A_664, %parallel_loop3A_667 : i32
      %parallel_loop3A_669 = arith.extui %parallel_loop3A_668 : i1 to i32
      %parallel_loop3A_670 = arith.constant 0 : i32
      %parallel_loop3A_671 = arith.cmpi slt, %parallel_loop3A_664, %parallel_loop3A_670 : i32
      %parallel_loop3A_672 = arith.extui %parallel_loop3A_671 : i1 to i32
      %parallel_loop3A_673 = arith.subi %parallel_loop3A_669, %parallel_loop3A_672 : i32
      %parallel_loop3A_674 = arith.constant 0 : i32
      %parallel_loop3A_675 = arith.cmpi sgt, %parallel_loop3A_665, %parallel_loop3A_674 : i32
      %parallel_loop3A_676 = arith.extui %parallel_loop3A_675 : i1 to i32
      %parallel_loop3A_677 = arith.constant 0 : i32
      %parallel_loop3A_678 = arith.cmpi slt, %parallel_loop3A_665, %parallel_loop3A_677 : i32
      %parallel_loop3A_679 = arith.extui %parallel_loop3A_678 : i1 to i32
      %parallel_loop3A_680 = arith.subi %parallel_loop3A_676, %parallel_loop3A_679 : i32
      %parallel_loop3A_681 = arith.cmpi ne, %parallel_loop3A_673, %parallel_loop3A_680 : i32
      %parallel_loop3A_682 = arith.remsi %parallel_loop3A_664, %parallel_loop3A_665 : i32
      %parallel_loop3A_683 = arith.constant 0 : i32
      %parallel_loop3A_684 = arith.cmpi ne, %parallel_loop3A_682, %parallel_loop3A_683 : i32
      %parallel_loop3A_685 = arith.andi %parallel_loop3A_681, %parallel_loop3A_684 : i1
      %parallel_loop3A_686 = arith.constant 1 : i32
      %parallel_loop3A_687 = arith.subi %parallel_loop3A_666, %parallel_loop3A_686 : i32
      %parallel_loop3A_688 = arith.select %parallel_loop3A_685, %parallel_loop3A_687, %parallel_loop3A_666 : i32
      %parallel_loop3A_689 = arith.constant 64 : i32
      %parallel_loop3A_690 = arith.constant 0 : i32
      %parallel_loop3A_691 = arith.cmpi eq, %parallel_loop3A_689, %parallel_loop3A_690 : i32
      %parallel_loop3A_692 = arith.constant 1 : i32
      %parallel_loop3A_693 = arith.select %parallel_loop3A_691, %parallel_loop3A_692, %parallel_loop3A_689 : i32
      %parallel_loop3A_694 = arith.remsi %parallel_loop3A_664, %parallel_loop3A_693 : i32
      %parallel_loop3A_695 = arith.constant 0 : i32
      %parallel_loop3A_696 = arith.cmpi ne, %parallel_loop3A_694, %parallel_loop3A_695 : i32
      %parallel_loop3A_697 = arith.constant 0 : i32
      %parallel_loop3A_698 = arith.cmpi slt, %parallel_loop3A_694, %parallel_loop3A_697 : i32
      %parallel_loop3A_699 = arith.constant 0 : i32
      %parallel_loop3A_700 = arith.cmpi slt, %parallel_loop3A_693, %parallel_loop3A_699 : i32
      %parallel_loop3A_701 = arith.xori %parallel_loop3A_698, %parallel_loop3A_700 : i1
      %parallel_loop3A_702 = arith.andi %parallel_loop3A_701, %parallel_loop3A_696 : i1
      %parallel_loop3A_703 = arith.addi %parallel_loop3A_694, %parallel_loop3A_693 : i32
      %parallel_loop3A_704 = arith.select %parallel_loop3A_702, %parallel_loop3A_703, %parallel_loop3A_694 : i32
      %parallel_loop3A_705 = arith.constant 16 : i32
      %parallel_loop3A_706 = arith.muli %parallel_loop3A_704, %parallel_loop3A_705 : i32
      %parallel_loop3A_707 = arith.index_cast %parallel_loop3A_688 : i32 to index
      %parallel_loop3A_708 = arith.index_cast %parallel_loop3A_706 : i32 to index
      %parallel_loop3A_709 = tpu.vector_load %arg8[%parallel_loop3A_707, %parallel_loop3A_708] {strides = array<i32>} : memref<16x1024xf32, #tpu.memory_space<vmem>>, vector<1x16xf32>,
      %parallel_loop3A_710 = vector.shape_cast %parallel_loop3A_709 : vector<1x16xf32> to vector<16xf32>
      %parallel_loop3A_711 = arith.index_cast %parallel_loop3A_688 : i32 to index
      %parallel_loop3A_712 = arith.index_cast %parallel_loop3A_706 : i32 to index
      %parallel_loop3A_713 = tpu.vector_load %arg11[%parallel_loop3A_711, %parallel_loop3A_712] {strides = array<i32>} : memref<16x1024xf32, #tpu.memory_space<vmem>>, vector<1x16xf32>,
      %parallel_loop3A_714 = vector.shape_cast %parallel_loop3A_713 : vector<1x16xf32> to vector<16xf32>
      %parallel_loop3A_715 = vector.shape_cast %parallel_loop3A_710 : vector<16xf32> to vector<1x16xf32>
      tpu.vector_store %arg11[%parallel_loop3A_711, %parallel_loop3A_712], %parallel_loop3A_715 {add = true, strides = array<i32>} : memref<16x1024xf32, #tpu.memory_space<vmem>>, vector<1x16xf32>,
    } {sc.loop_unroll_factor = 8 : i64, sc.parallel_access}
    %add3A_384 = arith.constant 16 : i32
    %add3A_385 = arith.addi %mul3A_2, %add3A_384 : i32
    %dma_start3A_386 = arith.constant 3 : i32
    %dma_start3A_387 = arith.constant 0 : i32
    %dma_start3A_388 = tpu.memref_slice %arg5[%dma_start3A_386, %add3A_385, %dma_start3A_387] : memref<4x2048x1024xf32, #tpu.memory_space<hbm>> -> memref<1x16x1024xf32, #tpu.memory_space<hbm>>
    %dma_start3A_389 = tpu.memref_squeeze %dma_start3A_388 : memref<1x16x1024xf32, #tpu.memory_space<hbm>> -> memref<16x1024xf32, #tpu.memory_space<hbm>>
    %dma_start3A_390 = arith.constant 0 : i32
    %dma_start3A_391 = tpu.memref_slice %arg5[%dma_start3A_386, %add3A_385, %dma_start3A_390] : memref<4x2048x1024xf32, #tpu.memory_space<hbm>> -> memref<1x16x1024xf32, #tpu.memory_space<hbm>>
    %dma_start3A_392 = tpu.memref_squeeze %dma_start3A_391 : memref<1x16x1024xf32, #tpu.memory_space<hbm>> -> memref<16x1024xf32, #tpu.memory_space<hbm>>
    tpu.enqueue_dma source(%arg11 : memref<16x1024xf32, #tpu.memory_space<vmem>>) target(%dma_start3A_392 : memref<16x1024xf32, #tpu.memory_space<hbm>>) target_semaphore(%arg24 : memref<!tpu.dma_semaphore, #tpu.memory_space<semaphore_mem>>)
    %dma_wait3A_393 = arith.constant 2 : i32
    %dma_wait3A_394 = arith.constant 0 : i32
    %dma_wait3A_395 = tpu.memref_slice %arg5[%dma_wait3A_393, %add3A_352, %dma_wait3A_394] : memref<4x2048x1024xf32, #tpu.memory_space<hbm>> -> memref<1x16x1024xf32, #tpu.memory_space<hbm>>
    %dma_wait3A_396 = tpu.memref_squeeze %dma_wait3A_395 : memref<1x16x1024xf32, #tpu.memory_space<hbm>> -> memref<16x1024xf32, #tpu.memory_space<hbm>>
    %dma_wait3A_397 = arith.constant 0 : i32
    %dma_wait3A_398 = tpu.memref_slice %arg5[%dma_wait3A_393, %add3A_352, %dma_wait3A_397] : memref<4x2048x1024xf32, #tpu.memory_space<hbm>> -> memref<1x16x1024xf32, #tpu.memory_space<hbm>>
    %dma_wait3A_399 = tpu.memref_squeeze %dma_wait3A_398 : memref<1x16x1024xf32, #tpu.memory_space<hbm>> -> memref<16x1024xf32, #tpu.memory_space<hbm>>
    tpu.wait_dma2 semaphore(%arg23 : memref<!tpu.dma_semaphore, #tpu.memory_space<semaphore_mem>>) src(%arg10 : memref<16x1024xf32, #tpu.memory_space<vmem>>) dst(%dma_wait3A_399 : memref<16x1024xf32, #tpu.memory_space<hbm>>)
    %dma_start3A_400 = arith.constant 3 : i32
    %dma_start3A_401 = arith.constant 32 : i32
    %dma_start3A_402 = tpu.memref_slice %arg6[%dma_start3A_400, %dma_start3A_401] : memref<4x64xi32, #tpu.memory_space<vmem>> -> memref<1x16xi32, #tpu.memory_space<vmem>>
    %dma_start3A_403 = tpu.memref_squeeze %dma_start3A_402 : memref<1x16xi32, #tpu.memory_space<vmem>> -> memref<16xi32, #tpu.memory_space<vmem>>
    %dma_start3A_404 = arith.constant 0 : i32
    %dma_start3A_405 = arith.constant 0 : i32
    %dma_start3A_406 = tpu.memref_slice %arg4[%dma_start3A_404, %dma_start3A_405] : memref<100000x1024xf32, #tpu.memory_space<hbm>> -> memref<100000x1024xf32, #tpu.memory_space<hbm>>
    tpu.enqueue_indirect_dma source(%dma_start3A_406 : memref<100000x1024xf32, #tpu.memory_space<hbm>>) target(%arg10 : memref<16x1024xf32, #tpu.memory_space<vmem>>) offsets(%dma_start3A_403 : memref<16xi32, #tpu.memory_space<vmem>>) semaphore(%arg18 : memref<!tpu.dma_semaphore, #tpu.memory_space<semaphore_mem>>)
    %dma_wait3A_407 = arith.constant 0 : i32
    %dma_wait3A_408 = tpu.memref_slice %arg3[%add3A_270, %dma_wait3A_407] : memref<2048x1024xf32, #tpu.memory_space<hbm>> -> memref<16x1024xf32, #tpu.memory_space<hbm>>
    %dma_wait3A_409 = arith.constant 0 : i32
    %dma_wait3A_410 = tpu.memref_slice %arg3[%add3A_270, %dma_wait3A_409] : memref<2048x1024xf32, #tpu.memory_space<hbm>> -> memref<16x1024xf32, #tpu.memory_space<hbm>>
    tpu.wait_dma2 semaphore(%arg15 : memref<!tpu.dma_semaphore, #tpu.memory_space<semaphore_mem>>) src(%dma_wait3A_410 : memref<16x1024xf32, #tpu.memory_space<hbm>>) dst(%arg7 : memref<16x1024xf32, #tpu.memory_space<vmem>>)
    %add3A_411 = arith.constant 48 : i32
    %add3A_412 = arith.addi %mul3A_2, %add3A_411 : i32
    %dma_start3A_413 = arith.constant 0 : i32
    %dma_start3A_414 = tpu.memref_slice %arg3[%add3A_412, %dma_start3A_413] : memref<2048x1024xf32, #tpu.memory_space<hbm>> -> memref<16x1024xf32, #tpu.memory_space<hbm>>
    %dma_start3A_415 = arith.constant 0 : i32
    %dma_start3A_416 = tpu.memref_slice %arg3[%add3A_412, %dma_start3A_415] : memref<2048x1024xf32, #tpu.memory_space<hbm>> -> memref<16x1024xf32, #tpu.memory_space<hbm>>
    tpu.enqueue_dma source(%dma_start3A_416 : memref<16x1024xf32, #tpu.memory_space<hbm>>) target(%arg8 : memref<16x1024xf32, #tpu.memory_space<vmem>>) target_semaphore(%arg16 : memref<!tpu.dma_semaphore, #tpu.memory_space<semaphore_mem>>)
    %dma_wait3A_417 = arith.constant 0 : i32
    %dma_wait3A_418 = arith.constant 32 : i32
    %dma_wait3A_419 = tpu.memref_slice %arg6[%dma_wait3A_417, %dma_wait3A_418] : memref<4x64xi32, #tpu.memory_space<vmem>> -> memref<1x16xi32, #tpu.memory_space<vmem>>
    %dma_wait3A_420 = tpu.memref_squeeze %dma_wait3A_419 : memref<1x16xi32, #tpu.memory_space<vmem>> -> memref<16xi32, #tpu.memory_space<vmem>>
    %dma_wait3A_421 = arith.constant 0 : i32
    %dma_wait3A_422 = arith.constant 0 : i32
    %dma_wait3A_423 = tpu.memref_slice %arg4[%dma_wait3A_421, %dma_wait3A_422] : memref<100000x1024xf32, #tpu.memory_space<hbm>> -> memref<100000x1024xf32, #tpu.memory_space<hbm>>
    tpu.wait_indirect_dma semaphore(%arg20 : memref<!tpu.dma_semaphore, #tpu.memory_space<semaphore_mem>>) src(%dma_wait3A_423 : memref<100000x1024xf32, #tpu.memory_space<hbm>>) dst(%arg12 : memref<16x1024xf32, #tpu.memory_space<vmem>>)
    %parallel_loop3A_424 = arith.constant 0 : i32
    %parallel_loop3A_425 = arith.constant 1024 : i32
    %parallel_loop3A_426 = arith.constant 1 : i32
    scf.for %parallel_loop3A_664 = %parallel_loop3A_424 to %parallel_loop3A_425 step %parallel_loop3A_426  : i32 {
      %parallel_loop3A_665 = arith.constant 64 : i32
      %parallel_loop3A_666 = arith.divsi %parallel_loop3A_664, %parallel_loop3A_665 : i32
      %parallel_loop3A_667 = arith.constant 0 : i32
      %parallel_loop3A_668 = arith.cmpi sgt, %parallel_loop3A_664, %parallel_loop3A_667 : i32
      %parallel_loop3A_669 = arith.extui %parallel_loop3A_668 : i1 to i32
      %parallel_loop3A_670 = arith.constant 0 : i32
      %parallel_loop3A_671 = arith.cmpi slt, %parallel_loop3A_664, %parallel_loop3A_670 : i32
      %parallel_loop3A_672 = arith.extui %parallel_loop3A_671 : i1 to i32
      %parallel_loop3A_673 = arith.subi %parallel_loop3A_669, %parallel_loop3A_672 : i32
      %parallel_loop3A_674 = arith.constant 0 : i32
      %parallel_loop3A_675 = arith.cmpi sgt, %parallel_loop3A_665, %parallel_loop3A_674 : i32
      %parallel_loop3A_676 = arith.extui %parallel_loop3A_675 : i1 to i32
      %parallel_loop3A_677 = arith.constant 0 : i32
      %parallel_loop3A_678 = arith.cmpi slt, %parallel_loop3A_665, %parallel_loop3A_677 : i32
      %parallel_loop3A_679 = arith.extui %parallel_loop3A_678 : i1 to i32
      %parallel_loop3A_680 = arith.subi %parallel_loop3A_676, %parallel_loop3A_679 : i32
      %parallel_loop3A_681 = arith.cmpi ne, %parallel_loop3A_673, %parallel_loop3A_680 : i32
      %parallel_loop3A_682 = arith.remsi %parallel_loop3A_664, %parallel_loop3A_665 : i32
      %parallel_loop3A_683 = arith.constant 0 : i32
      %parallel_loop3A_684 = arith.cmpi ne, %parallel_loop3A_682, %parallel_loop3A_683 : i32
      %parallel_loop3A_685 = arith.andi %parallel_loop3A_681, %parallel_loop3A_684 : i1
      %parallel_loop3A_686 = arith.constant 1 : i32
      %parallel_loop3A_687 = arith.subi %parallel_loop3A_666, %parallel_loop3A_686 : i32
      %parallel_loop3A_688 = arith.select %parallel_loop3A_685, %parallel_loop3A_687, %parallel_loop3A_666 : i32
      %parallel_loop3A_689 = arith.constant 64 : i32
      %parallel_loop3A_690 = arith.constant 0 : i32
      %parallel_loop3A_691 = arith.cmpi eq, %parallel_loop3A_689, %parallel_loop3A_690 : i32
      %parallel_loop3A_692 = arith.constant 1 : i32
      %parallel_loop3A_693 = arith.select %parallel_loop3A_691, %parallel_loop3A_692, %parallel_loop3A_689 : i32
      %parallel_loop3A_694 = arith.remsi %parallel_loop3A_664, %parallel_loop3A_693 : i32
      %parallel_loop3A_695 = arith.constant 0 : i32
      %parallel_loop3A_696 = arith.cmpi ne, %parallel_loop3A_694, %parallel_loop3A_695 : i32
      %parallel_loop3A_697 = arith.constant 0 : i32
      %parallel_loop3A_698 = arith.cmpi slt, %parallel_loop3A_694, %parallel_loop3A_697 : i32
      %parallel_loop3A_699 = arith.constant 0 : i32
      %parallel_loop3A_700 = arith.cmpi slt, %parallel_loop3A_693, %parallel_loop3A_699 : i32
      %parallel_loop3A_701 = arith.xori %parallel_loop3A_698, %parallel_loop3A_700 : i1
      %parallel_loop3A_702 = arith.andi %parallel_loop3A_701, %parallel_loop3A_696 : i1
      %parallel_loop3A_703 = arith.addi %parallel_loop3A_694, %parallel_loop3A_693 : i32
      %parallel_loop3A_704 = arith.select %parallel_loop3A_702, %parallel_loop3A_703, %parallel_loop3A_694 : i32
      %parallel_loop3A_705 = arith.constant 16 : i32
      %parallel_loop3A_706 = arith.muli %parallel_loop3A_704, %parallel_loop3A_705 : i32
      %parallel_loop3A_707 = arith.index_cast %parallel_loop3A_688 : i32 to index
      %parallel_loop3A_708 = arith.index_cast %parallel_loop3A_706 : i32 to index
      %parallel_loop3A_709 = tpu.vector_load %arg7[%parallel_loop3A_707, %parallel_loop3A_708] {strides = array<i32>} : memref<16x1024xf32, #tpu.memory_space<vmem>>, vector<1x16xf32>,
      %parallel_loop3A_710 = vector.shape_cast %parallel_loop3A_709 : vector<1x16xf32> to vector<16xf32>
      %parallel_loop3A_711 = arith.index_cast %parallel_loop3A_688 : i32 to index
      %parallel_loop3A_712 = arith.index_cast %parallel_loop3A_706 : i32 to index
      %parallel_loop3A_713 = tpu.vector_load %arg12[%parallel_loop3A_711, %parallel_loop3A_712] {strides = array<i32>} : memref<16x1024xf32, #tpu.memory_space<vmem>>, vector<1x16xf32>,
      %parallel_loop3A_714 = vector.shape_cast %parallel_loop3A_713 : vector<1x16xf32> to vector<16xf32>
      %parallel_loop3A_715 = vector.shape_cast %parallel_loop3A_710 : vector<16xf32> to vector<1x16xf32>
      tpu.vector_store %arg12[%parallel_loop3A_711, %parallel_loop3A_712], %parallel_loop3A_715 {add = true, strides = array<i32>} : memref<16x1024xf32, #tpu.memory_space<vmem>>, vector<1x16xf32>,
    } {sc.loop_unroll_factor = 8 : i64, sc.parallel_access}
    %add3A_427 = arith.constant 32 : i32
    %add3A_428 = arith.addi %mul3A_2, %add3A_427 : i32
    %dma_start3A_429 = arith.constant 0 : i32
    %dma_start3A_430 = arith.constant 0 : i32
    %dma_start3A_431 = tpu.memref_slice %arg5[%dma_start3A_429, %add3A_428, %dma_start3A_430] : memref<4x2048x1024xf32, #tpu.memory_space<hbm>> -> memref<1x16x1024xf32, #tpu.memory_space<hbm>>
    %dma_start3A_432 = tpu.memref_squeeze %dma_start3A_431 : memref<1x16x1024xf32, #tpu.memory_space<hbm>> -> memref<16x1024xf32, #tpu.memory_space<hbm>>
    %dma_start3A_433 = arith.constant 0 : i32
    %dma_start3A_434 = tpu.memref_slice %arg5[%dma_start3A_429, %add3A_428, %dma_start3A_433] : memref<4x2048x1024xf32, #tpu.memory_space<hbm>> -> memref<1x16x1024xf32, #tpu.memory_space<hbm>>
    %dma_start3A_435 = tpu.memref_squeeze %dma_start3A_434 : memref<1x16x1024xf32, #tpu.memory_space<hbm>> -> memref<16x1024xf32, #tpu.memory_space<hbm>>
    tpu.enqueue_dma source(%arg12 : memref<16x1024xf32, #tpu.memory_space<vmem>>) target(%dma_start3A_435 : memref<16x1024xf32, #tpu.memory_space<hbm>>) target_semaphore(%arg25 : memref<!tpu.dma_semaphore, #tpu.memory_space<semaphore_mem>>)
    %dma_wait3A_436 = arith.constant 3 : i32
    %dma_wait3A_437 = arith.constant 0 : i32
    %dma_wait3A_438 = tpu.memref_slice %arg5[%dma_wait3A_436, %add3A_385, %dma_wait3A_437] : memref<4x2048x1024xf32, #tpu.memory_space<hbm>> -> memref<1x16x1024xf32, #tpu.memory_space<hbm>>
    %dma_wait3A_439 = tpu.memref_squeeze %dma_wait3A_438 : memref<1x16x1024xf32, #tpu.memory_space<hbm>> -> memref<16x1024xf32, #tpu.memory_space<hbm>>
    %dma_wait3A_440 = arith.constant 0 : i32
    %dma_wait3A_441 = tpu.memref_slice %arg5[%dma_wait3A_436, %add3A_385, %dma_wait3A_440] : memref<4x2048x1024xf32, #tpu.memory_space<hbm>> -> memref<1x16x1024xf32, #tpu.memory_space<hbm>>
    %dma_wait3A_442 = tpu.memref_squeeze %dma_wait3A_441 : memref<1x16x1024xf32, #tpu.memory_space<hbm>> -> memref<16x1024xf32, #tpu.memory_space<hbm>>
    tpu.wait_dma2 semaphore(%arg24 : memref<!tpu.dma_semaphore, #tpu.memory_space<semaphore_mem>>) src(%arg11 : memref<16x1024xf32, #tpu.memory_space<vmem>>) dst(%dma_wait3A_442 : memref<16x1024xf32, #tpu.memory_space<hbm>>)
    %dma_start3A_443 = arith.constant 0 : i32
    %dma_start3A_444 = arith.constant 48 : i32
    %dma_start3A_445 = tpu.memref_slice %arg6[%dma_start3A_443, %dma_start3A_444] : memref<4x64xi32, #tpu.memory_space<vmem>> -> memref<1x16xi32, #tpu.memory_space<vmem>>
    %dma_start3A_446 = tpu.memref_squeeze %dma_start3A_445 : memref<1x16xi32, #tpu.memory_space<vmem>> -> memref<16xi32, #tpu.memory_space<vmem>>
    %dma_start3A_447 = arith.constant 0 : i32
    %dma_start3A_448 = arith.constant 0 : i32
    %dma_start3A_449 = tpu.memref_slice %arg4[%dma_start3A_447, %dma_start3A_448] : memref<100000x1024xf32, #tpu.memory_space<hbm>> -> memref<100000x1024xf32, #tpu.memory_space<hbm>>
    tpu.enqueue_indirect_dma source(%dma_start3A_449 : memref<100000x1024xf32, #tpu.memory_space<hbm>>) target(%arg11 : memref<16x1024xf32, #tpu.memory_space<vmem>>) offsets(%dma_start3A_446 : memref<16xi32, #tpu.memory_space<vmem>>) semaphore(%arg19 : memref<!tpu.dma_semaphore, #tpu.memory_space<semaphore_mem>>)
    %dma_wait3A_450 = arith.constant 1 : i32
    %dma_wait3A_451 = arith.constant 32 : i32
    %dma_wait3A_452 = tpu.memref_slice %arg6[%dma_wait3A_450, %dma_wait3A_451] : memref<4x64xi32, #tpu.memory_space<vmem>> -> memref<1x16xi32, #tpu.memory_space<vmem>>
    %dma_wait3A_453 = tpu.memref_squeeze %dma_wait3A_452 : memref<1x16xi32, #tpu.memory_space<vmem>> -> memref<16xi32, #tpu.memory_space<vmem>>
    %dma_wait3A_454 = arith.constant 0 : i32
    %dma_wait3A_455 = arith.constant 0 : i32
    %dma_wait3A_456 = tpu.memref_slice %arg4[%dma_wait3A_454, %dma_wait3A_455] : memref<100000x1024xf32, #tpu.memory_space<hbm>> -> memref<100000x1024xf32, #tpu.memory_space<hbm>>
    tpu.wait_indirect_dma semaphore(%arg21 : memref<!tpu.dma_semaphore, #tpu.memory_space<semaphore_mem>>) src(%dma_wait3A_456 : memref<100000x1024xf32, #tpu.memory_space<hbm>>) dst(%arg13 : memref<16x1024xf32, #tpu.memory_space<vmem>>)
    %parallel_loop3A_457 = arith.constant 0 : i32
    %parallel_loop3A_458 = arith.constant 1024 : i32
    %parallel_loop3A_459 = arith.constant 1 : i32
    scf.for %parallel_loop3A_664 = %parallel_loop3A_457 to %parallel_loop3A_458 step %parallel_loop3A_459  : i32 {
      %parallel_loop3A_665 = arith.constant 64 : i32
      %parallel_loop3A_666 = arith.divsi %parallel_loop3A_664, %parallel_loop3A_665 : i32
      %parallel_loop3A_667 = arith.constant 0 : i32
      %parallel_loop3A_668 = arith.cmpi sgt, %parallel_loop3A_664, %parallel_loop3A_667 : i32
      %parallel_loop3A_669 = arith.extui %parallel_loop3A_668 : i1 to i32
      %parallel_loop3A_670 = arith.constant 0 : i32
      %parallel_loop3A_671 = arith.cmpi slt, %parallel_loop3A_664, %parallel_loop3A_670 : i32
      %parallel_loop3A_672 = arith.extui %parallel_loop3A_671 : i1 to i32
      %parallel_loop3A_673 = arith.subi %parallel_loop3A_669, %parallel_loop3A_672 : i32
      %parallel_loop3A_674 = arith.constant 0 : i32
      %parallel_loop3A_675 = arith.cmpi sgt, %parallel_loop3A_665, %parallel_loop3A_674 : i32
      %parallel_loop3A_676 = arith.extui %parallel_loop3A_675 : i1 to i32
      %parallel_loop3A_677 = arith.constant 0 : i32
      %parallel_loop3A_678 = arith.cmpi slt, %parallel_loop3A_665, %parallel_loop3A_677 : i32
      %parallel_loop3A_679 = arith.extui %parallel_loop3A_678 : i1 to i32
      %parallel_loop3A_680 = arith.subi %parallel_loop3A_676, %parallel_loop3A_679 : i32
      %parallel_loop3A_681 = arith.cmpi ne, %parallel_loop3A_673, %parallel_loop3A_680 : i32
      %parallel_loop3A_682 = arith.remsi %parallel_loop3A_664, %parallel_loop3A_665 : i32
      %parallel_loop3A_683 = arith.constant 0 : i32
      %parallel_loop3A_684 = arith.cmpi ne, %parallel_loop3A_682, %parallel_loop3A_683 : i32
      %parallel_loop3A_685 = arith.andi %parallel_loop3A_681, %parallel_loop3A_684 : i1
      %parallel_loop3A_686 = arith.constant 1 : i32
      %parallel_loop3A_687 = arith.subi %parallel_loop3A_666, %parallel_loop3A_686 : i32
      %parallel_loop3A_688 = arith.select %parallel_loop3A_685, %parallel_loop3A_687, %parallel_loop3A_666 : i32
      %parallel_loop3A_689 = arith.constant 64 : i32
      %parallel_loop3A_690 = arith.constant 0 : i32
      %parallel_loop3A_691 = arith.cmpi eq, %parallel_loop3A_689, %parallel_loop3A_690 : i32
      %parallel_loop3A_692 = arith.constant 1 : i32
      %parallel_loop3A_693 = arith.select %parallel_loop3A_691, %parallel_loop3A_692, %parallel_loop3A_689 : i32
      %parallel_loop3A_694 = arith.remsi %parallel_loop3A_664, %parallel_loop3A_693 : i32
      %parallel_loop3A_695 = arith.constant 0 : i32
      %parallel_loop3A_696 = arith.cmpi ne, %parallel_loop3A_694, %parallel_loop3A_695 : i32
      %parallel_loop3A_697 = arith.constant 0 : i32
      %parallel_loop3A_698 = arith.cmpi slt, %parallel_loop3A_694, %parallel_loop3A_697 : i32
      %parallel_loop3A_699 = arith.constant 0 : i32
      %parallel_loop3A_700 = arith.cmpi slt, %parallel_loop3A_693, %parallel_loop3A_699 : i32
      %parallel_loop3A_701 = arith.xori %parallel_loop3A_698, %parallel_loop3A_700 : i1
      %parallel_loop3A_702 = arith.andi %parallel_loop3A_701, %parallel_loop3A_696 : i1
      %parallel_loop3A_703 = arith.addi %parallel_loop3A_694, %parallel_loop3A_693 : i32
      %parallel_loop3A_704 = arith.select %parallel_loop3A_702, %parallel_loop3A_703, %parallel_loop3A_694 : i32
      %parallel_loop3A_705 = arith.constant 16 : i32
      %parallel_loop3A_706 = arith.muli %parallel_loop3A_704, %parallel_loop3A_705 : i32
      %parallel_loop3A_707 = arith.index_cast %parallel_loop3A_688 : i32 to index
      %parallel_loop3A_708 = arith.index_cast %parallel_loop3A_706 : i32 to index
      %parallel_loop3A_709 = tpu.vector_load %arg7[%parallel_loop3A_707, %parallel_loop3A_708] {strides = array<i32>} : memref<16x1024xf32, #tpu.memory_space<vmem>>, vector<1x16xf32>,
      %parallel_loop3A_710 = vector.shape_cast %parallel_loop3A_709 : vector<1x16xf32> to vector<16xf32>
      %parallel_loop3A_711 = arith.index_cast %parallel_loop3A_688 : i32 to index
      %parallel_loop3A_712 = arith.index_cast %parallel_loop3A_706 : i32 to index
      %parallel_loop3A_713 = tpu.vector_load %arg13[%parallel_loop3A_711, %parallel_loop3A_712] {strides = array<i32>} : memref<16x1024xf32, #tpu.memory_space<vmem>>, vector<1x16xf32>,
      %parallel_loop3A_714 = vector.shape_cast %parallel_loop3A_713 : vector<1x16xf32> to vector<16xf32>
      %parallel_loop3A_715 = vector.shape_cast %parallel_loop3A_710 : vector<16xf32> to vector<1x16xf32>
      tpu.vector_store %arg13[%parallel_loop3A_711, %parallel_loop3A_712], %parallel_loop3A_715 {add = true, strides = array<i32>} : memref<16x1024xf32, #tpu.memory_space<vmem>>, vector<1x16xf32>,
    } {sc.loop_unroll_factor = 8 : i64, sc.parallel_access}
    %add3A_460 = arith.constant 32 : i32
    %add3A_461 = arith.addi %mul3A_2, %add3A_460 : i32
    %dma_start3A_462 = arith.constant 1 : i32
    %dma_start3A_463 = arith.constant 0 : i32
    %dma_start3A_464 = tpu.memref_slice %arg5[%dma_start3A_462, %add3A_461, %dma_start3A_463] : memref<4x2048x1024xf32, #tpu.memory_space<hbm>> -> memref<1x16x1024xf32, #tpu.memory_space<hbm>>
    %dma_start3A_465 = tpu.memref_squeeze %dma_start3A_464 : memref<1x16x1024xf32, #tpu.memory_space<hbm>> -> memref<16x1024xf32, #tpu.memory_space<hbm>>
    %dma_start3A_466 = arith.constant 0 : i32
    %dma_start3A_467 = tpu.memref_slice %arg5[%dma_start3A_462, %add3A_461, %dma_start3A_466] : memref<4x2048x1024xf32, #tpu.memory_space<hbm>> -> memref<1x16x1024xf32, #tpu.memory_space<hbm>>
    %dma_start3A_468 = tpu.memref_squeeze %dma_start3A_467 : memref<1x16x1024xf32, #tpu.memory_space<hbm>> -> memref<16x1024xf32, #tpu.memory_space<hbm>>
    tpu.enqueue_dma source(%arg13 : memref<16x1024xf32, #tpu.memory_space<vmem>>) target(%dma_start3A_468 : memref<16x1024xf32, #tpu.memory_space<hbm>>) target_semaphore(%arg26 : memref<!tpu.dma_semaphore, #tpu.memory_space<semaphore_mem>>)
    %dma_wait3A_469 = arith.constant 0 : i32
    %dma_wait3A_470 = arith.constant 0 : i32
    %dma_wait3A_471 = tpu.memref_slice %arg5[%dma_wait3A_469, %add3A_428, %dma_wait3A_470] : memref<4x2048x1024xf32, #tpu.memory_space<hbm>> -> memref<1x16x1024xf32, #tpu.memory_space<hbm>>
    %dma_wait3A_472 = tpu.memref_squeeze %dma_wait3A_471 : memref<1x16x1024xf32, #tpu.memory_space<hbm>> -> memref<16x1024xf32, #tpu.memory_space<hbm>>
    %dma_wait3A_473 = arith.constant 0 : i32
    %dma_wait3A_474 = tpu.memref_slice %arg5[%dma_wait3A_469, %add3A_428, %dma_wait3A_473] : memref<4x2048x1024xf32, #tpu.memory_space<hbm>> -> memref<1x16x1024xf32, #tpu.memory_space<hbm>>
    %dma_wait3A_475 = tpu.memref_squeeze %dma_wait3A_474 : memref<1x16x1024xf32, #tpu.memory_space<hbm>> -> memref<16x1024xf32, #tpu.memory_space<hbm>>
    tpu.wait_dma2 semaphore(%arg25 : memref<!tpu.dma_semaphore, #tpu.memory_space<semaphore_mem>>) src(%arg12 : memref<16x1024xf32, #tpu.memory_space<vmem>>) dst(%dma_wait3A_475 : memref<16x1024xf32, #tpu.memory_space<hbm>>)
    %dma_start3A_476 = arith.constant 1 : i32
    %dma_start3A_477 = arith.constant 48 : i32
    %dma_start3A_478 = tpu.memref_slice %arg6[%dma_start3A_476, %dma_start3A_477] : memref<4x64xi32, #tpu.memory_space<vmem>> -> memref<1x16xi32, #tpu.memory_space<vmem>>
    %dma_start3A_479 = tpu.memref_squeeze %dma_start3A_478 : memref<1x16xi32, #tpu.memory_space<vmem>> -> memref<16xi32, #tpu.memory_space<vmem>>
    %dma_start3A_480 = arith.constant 0 : i32
    %dma_start3A_481 = arith.constant 0 : i32
    %dma_start3A_482 = tpu.memref_slice %arg4[%dma_start3A_480, %dma_start3A_481] : memref<100000x1024xf32, #tpu.memory_space<hbm>> -> memref<100000x1024xf32, #tpu.memory_space<hbm>>
    tpu.enqueue_indirect_dma source(%dma_start3A_482 : memref<100000x1024xf32, #tpu.memory_space<hbm>>) target(%arg12 : memref<16x1024xf32, #tpu.memory_space<vmem>>) offsets(%dma_start3A_479 : memref<16xi32, #tpu.memory_space<vmem>>) semaphore(%arg20 : memref<!tpu.dma_semaphore, #tpu.memory_space<semaphore_mem>>)
    %dma_wait3A_483 = arith.constant 2 : i32
    %dma_wait3A_484 = arith.constant 32 : i32
    %dma_wait3A_485 = tpu.memref_slice %arg6[%dma_wait3A_483, %dma_wait3A_484] : memref<4x64xi32, #tpu.memory_space<vmem>> -> memref<1x16xi32, #tpu.memory_space<vmem>>
    %dma_wait3A_486 = tpu.memref_squeeze %dma_wait3A_485 : memref<1x16xi32, #tpu.memory_space<vmem>> -> memref<16xi32, #tpu.memory_space<vmem>>
    %dma_wait3A_487 = arith.constant 0 : i32
    %dma_wait3A_488 = arith.constant 0 : i32
    %dma_wait3A_489 = tpu.memref_slice %arg4[%dma_wait3A_487, %dma_wait3A_488] : memref<100000x1024xf32, #tpu.memory_space<hbm>> -> memref<100000x1024xf32, #tpu.memory_space<hbm>>
    tpu.wait_indirect_dma semaphore(%arg17 : memref<!tpu.dma_semaphore, #tpu.memory_space<semaphore_mem>>) src(%dma_wait3A_489 : memref<100000x1024xf32, #tpu.memory_space<hbm>>) dst(%arg9 : memref<16x1024xf32, #tpu.memory_space<vmem>>)
    %parallel_loop3A_490 = arith.constant 0 : i32
    %parallel_loop3A_491 = arith.constant 1024 : i32
    %parallel_loop3A_492 = arith.constant 1 : i32
    scf.for %parallel_loop3A_664 = %parallel_loop3A_490 to %parallel_loop3A_491 step %parallel_loop3A_492  : i32 {
      %parallel_loop3A_665 = arith.constant 64 : i32
      %parallel_loop3A_666 = arith.divsi %parallel_loop3A_664, %parallel_loop3A_665 : i32
      %parallel_loop3A_667 = arith.constant 0 : i32
      %parallel_loop3A_668 = arith.cmpi sgt, %parallel_loop3A_664, %parallel_loop3A_667 : i32
      %parallel_loop3A_669 = arith.extui %parallel_loop3A_668 : i1 to i32
      %parallel_loop3A_670 = arith.constant 0 : i32
      %parallel_loop3A_671 = arith.cmpi slt, %parallel_loop3A_664, %parallel_loop3A_670 : i32
      %parallel_loop3A_672 = arith.extui %parallel_loop3A_671 : i1 to i32
      %parallel_loop3A_673 = arith.subi %parallel_loop3A_669, %parallel_loop3A_672 : i32
      %parallel_loop3A_674 = arith.constant 0 : i32
      %parallel_loop3A_675 = arith.cmpi sgt, %parallel_loop3A_665, %parallel_loop3A_674 : i32
      %parallel_loop3A_676 = arith.extui %parallel_loop3A_675 : i1 to i32
      %parallel_loop3A_677 = arith.constant 0 : i32
      %parallel_loop3A_678 = arith.cmpi slt, %parallel_loop3A_665, %parallel_loop3A_677 : i32
      %parallel_loop3A_679 = arith.extui %parallel_loop3A_678 : i1 to i32
      %parallel_loop3A_680 = arith.subi %parallel_loop3A_676, %parallel_loop3A_679 : i32
      %parallel_loop3A_681 = arith.cmpi ne, %parallel_loop3A_673, %parallel_loop3A_680 : i32
      %parallel_loop3A_682 = arith.remsi %parallel_loop3A_664, %parallel_loop3A_665 : i32
      %parallel_loop3A_683 = arith.constant 0 : i32
      %parallel_loop3A_684 = arith.cmpi ne, %parallel_loop3A_682, %parallel_loop3A_683 : i32
      %parallel_loop3A_685 = arith.andi %parallel_loop3A_681, %parallel_loop3A_684 : i1
      %parallel_loop3A_686 = arith.constant 1 : i32
      %parallel_loop3A_687 = arith.subi %parallel_loop3A_666, %parallel_loop3A_686 : i32
      %parallel_loop3A_688 = arith.select %parallel_loop3A_685, %parallel_loop3A_687, %parallel_loop3A_666 : i32
      %parallel_loop3A_689 = arith.constant 64 : i32
      %parallel_loop3A_690 = arith.constant 0 : i32
      %parallel_loop3A_691 = arith.cmpi eq, %parallel_loop3A_689, %parallel_loop3A_690 : i32
      %parallel_loop3A_692 = arith.constant 1 : i32
      %parallel_loop3A_693 = arith.select %parallel_loop3A_691, %parallel_loop3A_692, %parallel_loop3A_689 : i32
      %parallel_loop3A_694 = arith.remsi %parallel_loop3A_664, %parallel_loop3A_693 : i32
      %parallel_loop3A_695 = arith.constant 0 : i32
      %parallel_loop3A_696 = arith.cmpi ne, %parallel_loop3A_694, %parallel_loop3A_695 : i32
      %parallel_loop3A_697 = arith.constant 0 : i32
      %parallel_loop3A_698 = arith.cmpi slt, %parallel_loop3A_694, %parallel_loop3A_697 : i32
      %parallel_loop3A_699 = arith.constant 0 : i32
      %parallel_loop3A_700 = arith.cmpi slt, %parallel_loop3A_693, %parallel_loop3A_699 : i32
      %parallel_loop3A_701 = arith.xori %parallel_loop3A_698, %parallel_loop3A_700 : i1
      %parallel_loop3A_702 = arith.andi %parallel_loop3A_701, %parallel_loop3A_696 : i1
      %parallel_loop3A_703 = arith.addi %parallel_loop3A_694, %parallel_loop3A_693 : i32
      %parallel_loop3A_704 = arith.select %parallel_loop3A_702, %parallel_loop3A_703, %parallel_loop3A_694 : i32
      %parallel_loop3A_705 = arith.constant 16 : i32
      %parallel_loop3A_706 = arith.muli %parallel_loop3A_704, %parallel_loop3A_705 : i32
      %parallel_loop3A_707 = arith.index_cast %parallel_loop3A_688 : i32 to index
      %parallel_loop3A_708 = arith.index_cast %parallel_loop3A_706 : i32 to index
      %parallel_loop3A_709 = tpu.vector_load %arg7[%parallel_loop3A_707, %parallel_loop3A_708] {strides = array<i32>} : memref<16x1024xf32, #tpu.memory_space<vmem>>, vector<1x16xf32>,
      %parallel_loop3A_710 = vector.shape_cast %parallel_loop3A_709 : vector<1x16xf32> to vector<16xf32>
      %parallel_loop3A_711 = arith.index_cast %parallel_loop3A_688 : i32 to index
      %parallel_loop3A_712 = arith.index_cast %parallel_loop3A_706 : i32 to index
      %parallel_loop3A_713 = tpu.vector_load %arg9[%parallel_loop3A_711, %parallel_loop3A_712] {strides = array<i32>} : memref<16x1024xf32, #tpu.memory_space<vmem>>, vector<1x16xf32>,
      %parallel_loop3A_714 = vector.shape_cast %parallel_loop3A_713 : vector<1x16xf32> to vector<16xf32>
      %parallel_loop3A_715 = vector.shape_cast %parallel_loop3A_710 : vector<16xf32> to vector<1x16xf32>
      tpu.vector_store %arg9[%parallel_loop3A_711, %parallel_loop3A_712], %parallel_loop3A_715 {add = true, strides = array<i32>} : memref<16x1024xf32, #tpu.memory_space<vmem>>, vector<1x16xf32>,
    } {sc.loop_unroll_factor = 8 : i64, sc.parallel_access}
    %add3A_493 = arith.constant 32 : i32
    %add3A_494 = arith.addi %mul3A_2, %add3A_493 : i32
    %dma_start3A_495 = arith.constant 2 : i32
    %dma_start3A_496 = arith.constant 0 : i32
    %dma_start3A_497 = tpu.memref_slice %arg5[%dma_start3A_495, %add3A_494, %dma_start3A_496] : memref<4x2048x1024xf32, #tpu.memory_space<hbm>> -> memref<1x16x1024xf32, #tpu.memory_space<hbm>>
    %dma_start3A_498 = tpu.memref_squeeze %dma_start3A_497 : memref<1x16x1024xf32, #tpu.memory_space<hbm>> -> memref<16x1024xf32, #tpu.memory_space<hbm>>
    %dma_start3A_499 = arith.constant 0 : i32
    %dma_start3A_500 = tpu.memref_slice %arg5[%dma_start3A_495, %add3A_494, %dma_start3A_499] : memref<4x2048x1024xf32, #tpu.memory_space<hbm>> -> memref<1x16x1024xf32, #tpu.memory_space<hbm>>
    %dma_start3A_501 = tpu.memref_squeeze %dma_start3A_500 : memref<1x16x1024xf32, #tpu.memory_space<hbm>> -> memref<16x1024xf32, #tpu.memory_space<hbm>>
    tpu.enqueue_dma source(%arg9 : memref<16x1024xf32, #tpu.memory_space<vmem>>) target(%dma_start3A_501 : memref<16x1024xf32, #tpu.memory_space<hbm>>) target_semaphore(%arg22 : memref<!tpu.dma_semaphore, #tpu.memory_space<semaphore_mem>>)
    %dma_wait3A_502 = arith.constant 1 : i32
    %dma_wait3A_503 = arith.constant 0 : i32
    %dma_wait3A_504 = tpu.memref_slice %arg5[%dma_wait3A_502, %add3A_461, %dma_wait3A_503] : memref<4x2048x1024xf32, #tpu.memory_space<hbm>> -> memref<1x16x1024xf32, #tpu.memory_space<hbm>>
    %dma_wait3A_505 = tpu.memref_squeeze %dma_wait3A_504 : memref<1x16x1024xf32, #tpu.memory_space<hbm>> -> memref<16x1024xf32, #tpu.memory_space<hbm>>
    %dma_wait3A_506 = arith.constant 0 : i32
    %dma_wait3A_507 = tpu.memref_slice %arg5[%dma_wait3A_502, %add3A_461, %dma_wait3A_506] : memref<4x2048x1024xf32, #tpu.memory_space<hbm>> -> memref<1x16x1024xf32, #tpu.memory_space<hbm>>
    %dma_wait3A_508 = tpu.memref_squeeze %dma_wait3A_507 : memref<1x16x1024xf32, #tpu.memory_space<hbm>> -> memref<16x1024xf32, #tpu.memory_space<hbm>>
    tpu.wait_dma2 semaphore(%arg26 : memref<!tpu.dma_semaphore, #tpu.memory_space<semaphore_mem>>) src(%arg13 : memref<16x1024xf32, #tpu.memory_space<vmem>>) dst(%dma_wait3A_508 : memref<16x1024xf32, #tpu.memory_space<hbm>>)
    %dma_start3A_509 = arith.constant 2 : i32
    %dma_start3A_510 = arith.constant 48 : i32
    %dma_start3A_511 = tpu.memref_slice %arg6[%dma_start3A_509, %dma_start3A_510] : memref<4x64xi32, #tpu.memory_space<vmem>> -> memref<1x16xi32, #tpu.memory_space<vmem>>
    %dma_start3A_512 = tpu.memref_squeeze %dma_start3A_511 : memref<1x16xi32, #tpu.memory_space<vmem>> -> memref<16xi32, #tpu.memory_space<vmem>>
    %dma_start3A_513 = arith.constant 0 : i32
    %dma_start3A_514 = arith.constant 0 : i32
    %dma_start3A_515 = tpu.memref_slice %arg4[%dma_start3A_513, %dma_start3A_514] : memref<100000x1024xf32, #tpu.memory_space<hbm>> -> memref<100000x1024xf32, #tpu.memory_space<hbm>>
    tpu.enqueue_indirect_dma source(%dma_start3A_515 : memref<100000x1024xf32, #tpu.memory_space<hbm>>) target(%arg13 : memref<16x1024xf32, #tpu.memory_space<vmem>>) offsets(%dma_start3A_512 : memref<16xi32, #tpu.memory_space<vmem>>) semaphore(%arg21 : memref<!tpu.dma_semaphore, #tpu.memory_space<semaphore_mem>>)
    %dma_wait3A_516 = arith.constant 3 : i32
    %dma_wait3A_517 = arith.constant 32 : i32
    %dma_wait3A_518 = tpu.memref_slice %arg6[%dma_wait3A_516, %dma_wait3A_517] : memref<4x64xi32, #tpu.memory_space<vmem>> -> memref<1x16xi32, #tpu.memory_space<vmem>>
    %dma_wait3A_519 = tpu.memref_squeeze %dma_wait3A_518 : memref<1x16xi32, #tpu.memory_space<vmem>> -> memref<16xi32, #tpu.memory_space<vmem>>
    %dma_wait3A_520 = arith.constant 0 : i32
    %dma_wait3A_521 = arith.constant 0 : i32
    %dma_wait3A_522 = tpu.memref_slice %arg4[%dma_wait3A_520, %dma_wait3A_521] : memref<100000x1024xf32, #tpu.memory_space<hbm>> -> memref<100000x1024xf32, #tpu.memory_space<hbm>>
    tpu.wait_indirect_dma semaphore(%arg18 : memref<!tpu.dma_semaphore, #tpu.memory_space<semaphore_mem>>) src(%dma_wait3A_522 : memref<100000x1024xf32, #tpu.memory_space<hbm>>) dst(%arg10 : memref<16x1024xf32, #tpu.memory_space<vmem>>)
    %parallel_loop3A_523 = arith.constant 0 : i32
    %parallel_loop3A_524 = arith.constant 1024 : i32
    %parallel_loop3A_525 = arith.constant 1 : i32
    scf.for %parallel_loop3A_664 = %parallel_loop3A_523 to %parallel_loop3A_524 step %parallel_loop3A_525  : i32 {
      %parallel_loop3A_665 = arith.constant 64 : i32
      %parallel_loop3A_666 = arith.divsi %parallel_loop3A_664, %parallel_loop3A_665 : i32
      %parallel_loop3A_667 = arith.constant 0 : i32
      %parallel_loop3A_668 = arith.cmpi sgt, %parallel_loop3A_664, %parallel_loop3A_667 : i32
      %parallel_loop3A_669 = arith.extui %parallel_loop3A_668 : i1 to i32
      %parallel_loop3A_670 = arith.constant 0 : i32
      %parallel_loop3A_671 = arith.cmpi slt, %parallel_loop3A_664, %parallel_loop3A_670 : i32
      %parallel_loop3A_672 = arith.extui %parallel_loop3A_671 : i1 to i32
      %parallel_loop3A_673 = arith.subi %parallel_loop3A_669, %parallel_loop3A_672 : i32
      %parallel_loop3A_674 = arith.constant 0 : i32
      %parallel_loop3A_675 = arith.cmpi sgt, %parallel_loop3A_665, %parallel_loop3A_674 : i32
      %parallel_loop3A_676 = arith.extui %parallel_loop3A_675 : i1 to i32
      %parallel_loop3A_677 = arith.constant 0 : i32
      %parallel_loop3A_678 = arith.cmpi slt, %parallel_loop3A_665, %parallel_loop3A_677 : i32
      %parallel_loop3A_679 = arith.extui %parallel_loop3A_678 : i1 to i32
      %parallel_loop3A_680 = arith.subi %parallel_loop3A_676, %parallel_loop3A_679 : i32
      %parallel_loop3A_681 = arith.cmpi ne, %parallel_loop3A_673, %parallel_loop3A_680 : i32
      %parallel_loop3A_682 = arith.remsi %parallel_loop3A_664, %parallel_loop3A_665 : i32
      %parallel_loop3A_683 = arith.constant 0 : i32
      %parallel_loop3A_684 = arith.cmpi ne, %parallel_loop3A_682, %parallel_loop3A_683 : i32
      %parallel_loop3A_685 = arith.andi %parallel_loop3A_681, %parallel_loop3A_684 : i1
      %parallel_loop3A_686 = arith.constant 1 : i32
      %parallel_loop3A_687 = arith.subi %parallel_loop3A_666, %parallel_loop3A_686 : i32
      %parallel_loop3A_688 = arith.select %parallel_loop3A_685, %parallel_loop3A_687, %parallel_loop3A_666 : i32
      %parallel_loop3A_689 = arith.constant 64 : i32
      %parallel_loop3A_690 = arith.constant 0 : i32
      %parallel_loop3A_691 = arith.cmpi eq, %parallel_loop3A_689, %parallel_loop3A_690 : i32
      %parallel_loop3A_692 = arith.constant 1 : i32
      %parallel_loop3A_693 = arith.select %parallel_loop3A_691, %parallel_loop3A_692, %parallel_loop3A_689 : i32
      %parallel_loop3A_694 = arith.remsi %parallel_loop3A_664, %parallel_loop3A_693 : i32
      %parallel_loop3A_695 = arith.constant 0 : i32
      %parallel_loop3A_696 = arith.cmpi ne, %parallel_loop3A_694, %parallel_loop3A_695 : i32
      %parallel_loop3A_697 = arith.constant 0 : i32
      %parallel_loop3A_698 = arith.cmpi slt, %parallel_loop3A_694, %parallel_loop3A_697 : i32
      %parallel_loop3A_699 = arith.constant 0 : i32
      %parallel_loop3A_700 = arith.cmpi slt, %parallel_loop3A_693, %parallel_loop3A_699 : i32
      %parallel_loop3A_701 = arith.xori %parallel_loop3A_698, %parallel_loop3A_700 : i1
      %parallel_loop3A_702 = arith.andi %parallel_loop3A_701, %parallel_loop3A_696 : i1
      %parallel_loop3A_703 = arith.addi %parallel_loop3A_694, %parallel_loop3A_693 : i32
      %parallel_loop3A_704 = arith.select %parallel_loop3A_702, %parallel_loop3A_703, %parallel_loop3A_694 : i32
      %parallel_loop3A_705 = arith.constant 16 : i32
      %parallel_loop3A_706 = arith.muli %parallel_loop3A_704, %parallel_loop3A_705 : i32
      %parallel_loop3A_707 = arith.index_cast %parallel_loop3A_688 : i32 to index
      %parallel_loop3A_708 = arith.index_cast %parallel_loop3A_706 : i32 to index
      %parallel_loop3A_709 = tpu.vector_load %arg7[%parallel_loop3A_707, %parallel_loop3A_708] {strides = array<i32>} : memref<16x1024xf32, #tpu.memory_space<vmem>>, vector<1x16xf32>,
      %parallel_loop3A_710 = vector.shape_cast %parallel_loop3A_709 : vector<1x16xf32> to vector<16xf32>
      %parallel_loop3A_711 = arith.index_cast %parallel_loop3A_688 : i32 to index
      %parallel_loop3A_712 = arith.index_cast %parallel_loop3A_706 : i32 to index
      %parallel_loop3A_713 = tpu.vector_load %arg10[%parallel_loop3A_711, %parallel_loop3A_712] {strides = array<i32>} : memref<16x1024xf32, #tpu.memory_space<vmem>>, vector<1x16xf32>,
      %parallel_loop3A_714 = vector.shape_cast %parallel_loop3A_713 : vector<1x16xf32> to vector<16xf32>
      %parallel_loop3A_715 = vector.shape_cast %parallel_loop3A_710 : vector<16xf32> to vector<1x16xf32>
      tpu.vector_store %arg10[%parallel_loop3A_711, %parallel_loop3A_712], %parallel_loop3A_715 {add = true, strides = array<i32>} : memref<16x1024xf32, #tpu.memory_space<vmem>>, vector<1x16xf32>,
    } {sc.loop_unroll_factor = 8 : i64, sc.parallel_access}
    %add3A_526 = arith.constant 32 : i32
    %add3A_527 = arith.addi %mul3A_2, %add3A_526 : i32
    %dma_start3A_528 = arith.constant 3 : i32
    %dma_start3A_529 = arith.constant 0 : i32
    %dma_start3A_530 = tpu.memref_slice %arg5[%dma_start3A_528, %add3A_527, %dma_start3A_529] : memref<4x2048x1024xf32, #tpu.memory_space<hbm>> -> memref<1x16x1024xf32, #tpu.memory_space<hbm>>
    %dma_start3A_531 = tpu.memref_squeeze %dma_start3A_530 : memref<1x16x1024xf32, #tpu.memory_space<hbm>> -> memref<16x1024xf32, #tpu.memory_space<hbm>>
    %dma_start3A_532 = arith.constant 0 : i32
    %dma_start3A_533 = tpu.memref_slice %arg5[%dma_start3A_528, %add3A_527, %dma_start3A_532] : memref<4x2048x1024xf32, #tpu.memory_space<hbm>> -> memref<1x16x1024xf32, #tpu.memory_space<hbm>>
    %dma_start3A_534 = tpu.memref_squeeze %dma_start3A_533 : memref<1x16x1024xf32, #tpu.memory_space<hbm>> -> memref<16x1024xf32, #tpu.memory_space<hbm>>
    tpu.enqueue_dma source(%arg10 : memref<16x1024xf32, #tpu.memory_space<vmem>>) target(%dma_start3A_534 : memref<16x1024xf32, #tpu.memory_space<hbm>>) target_semaphore(%arg23 : memref<!tpu.dma_semaphore, #tpu.memory_space<semaphore_mem>>)
    %dma_wait3A_535 = arith.constant 2 : i32
    %dma_wait3A_536 = arith.constant 0 : i32
    %dma_wait3A_537 = tpu.memref_slice %arg5[%dma_wait3A_535, %add3A_494, %dma_wait3A_536] : memref<4x2048x1024xf32, #tpu.memory_space<hbm>> -> memref<1x16x1024xf32, #tpu.memory_space<hbm>>
    %dma_wait3A_538 = tpu.memref_squeeze %dma_wait3A_537 : memref<1x16x1024xf32, #tpu.memory_space<hbm>> -> memref<16x1024xf32, #tpu.memory_space<hbm>>
    %dma_wait3A_539 = arith.constant 0 : i32
    %dma_wait3A_540 = tpu.memref_slice %arg5[%dma_wait3A_535, %add3A_494, %dma_wait3A_539] : memref<4x2048x1024xf32, #tpu.memory_space<hbm>> -> memref<1x16x1024xf32, #tpu.memory_space<hbm>>
    %dma_wait3A_541 = tpu.memref_squeeze %dma_wait3A_540 : memref<1x16x1024xf32, #tpu.memory_space<hbm>> -> memref<16x1024xf32, #tpu.memory_space<hbm>>
    tpu.wait_dma2 semaphore(%arg22 : memref<!tpu.dma_semaphore, #tpu.memory_space<semaphore_mem>>) src(%arg9 : memref<16x1024xf32, #tpu.memory_space<vmem>>) dst(%dma_wait3A_541 : memref<16x1024xf32, #tpu.memory_space<hbm>>)
    %dma_start3A_542 = arith.constant 3 : i32
    %dma_start3A_543 = arith.constant 48 : i32
    %dma_start3A_544 = tpu.memref_slice %arg6[%dma_start3A_542, %dma_start3A_543] : memref<4x64xi32, #tpu.memory_space<vmem>> -> memref<1x16xi32, #tpu.memory_space<vmem>>
    %dma_start3A_545 = tpu.memref_squeeze %dma_start3A_544 : memref<1x16xi32, #tpu.memory_space<vmem>> -> memref<16xi32, #tpu.memory_space<vmem>>
    %dma_start3A_546 = arith.constant 0 : i32
    %dma_start3A_547 = arith.constant 0 : i32
    %dma_start3A_548 = tpu.memref_slice %arg4[%dma_start3A_546, %dma_start3A_547] : memref<100000x1024xf32, #tpu.memory_space<hbm>> -> memref<100000x1024xf32, #tpu.memory_space<hbm>>
    tpu.enqueue_indirect_dma source(%dma_start3A_548 : memref<100000x1024xf32, #tpu.memory_space<hbm>>) target(%arg9 : memref<16x1024xf32, #tpu.memory_space<vmem>>) offsets(%dma_start3A_545 : memref<16xi32, #tpu.memory_space<vmem>>) semaphore(%arg17 : memref<!tpu.dma_semaphore, #tpu.memory_space<semaphore_mem>>)
    %dma_wait3A_549 = arith.constant 0 : i32
    %dma_wait3A_550 = tpu.memref_slice %arg3[%add3A_412, %dma_wait3A_549] : memref<2048x1024xf32, #tpu.memory_space<hbm>> -> memref<16x1024xf32, #tpu.memory_space<hbm>>
    %dma_wait3A_551 = arith.constant 0 : i32
    %dma_wait3A_552 = tpu.memref_slice %arg3[%add3A_412, %dma_wait3A_551] : memref<2048x1024xf32, #tpu.memory_space<hbm>> -> memref<16x1024xf32, #tpu.memory_space<hbm>>
    tpu.wait_dma2 semaphore(%arg16 : memref<!tpu.dma_semaphore, #tpu.memory_space<semaphore_mem>>) src(%dma_wait3A_552 : memref<16x1024xf32, #tpu.memory_space<hbm>>) dst(%arg8 : memref<16x1024xf32, #tpu.memory_space<vmem>>)
    %dma_wait3A_553 = arith.constant 0 : i32
    %dma_wait3A_554 = arith.constant 48 : i32
    %dma_wait3A_555 = tpu.memref_slice %arg6[%dma_wait3A_553, %dma_wait3A_554] : memref<4x64xi32, #tpu.memory_space<vmem>> -> memref<1x16xi32, #tpu.memory_space<vmem>>
    %dma_wait3A_556 = tpu.memref_squeeze %dma_wait3A_555 : memref<1x16xi32, #tpu.memory_space<vmem>> -> memref<16xi32, #tpu.memory_space<vmem>>
    %dma_wait3A_557 = arith.constant 0 : i32
    %dma_wait3A_558 = arith.constant 0 : i32
    %dma_wait3A_559 = tpu.memref_slice %arg4[%dma_wait3A_557, %dma_wait3A_558] : memref<100000x1024xf32, #tpu.memory_space<hbm>> -> memref<100000x1024xf32, #tpu.memory_space<hbm>>
    tpu.wait_indirect_dma semaphore(%arg19 : memref<!tpu.dma_semaphore, #tpu.memory_space<semaphore_mem>>) src(%dma_wait3A_559 : memref<100000x1024xf32, #tpu.memory_space<hbm>>) dst(%arg11 : memref<16x1024xf32, #tpu.memory_space<vmem>>)
    %parallel_loop3A_560 = arith.constant 0 : i32
    %parallel_loop3A_561 = arith.constant 1024 : i32
    %parallel_loop3A_562 = arith.constant 1 : i32
    scf.for %parallel_loop3A_664 = %parallel_loop3A_560 to %parallel_loop3A_561 step %parallel_loop3A_562  : i32 {
      %parallel_loop3A_665 = arith.constant 64 : i32
      %parallel_loop3A_666 = arith.divsi %parallel_loop3A_664, %parallel_loop3A_665 : i32
      %parallel_loop3A_667 = arith.constant 0 : i32
      %parallel_loop3A_668 = arith.cmpi sgt, %parallel_loop3A_664, %parallel_loop3A_667 : i32
      %parallel_loop3A_669 = arith.extui %parallel_loop3A_668 : i1 to i32
      %parallel_loop3A_670 = arith.constant 0 : i32
      %parallel_loop3A_671 = arith.cmpi slt, %parallel_loop3A_664, %parallel_loop3A_670 : i32
      %parallel_loop3A_672 = arith.extui %parallel_loop3A_671 : i1 to i32
      %parallel_loop3A_673 = arith.subi %parallel_loop3A_669, %parallel_loop3A_672 : i32
      %parallel_loop3A_674 = arith.constant 0 : i32
      %parallel_loop3A_675 = arith.cmpi sgt, %parallel_loop3A_665, %parallel_loop3A_674 : i32
      %parallel_loop3A_676 = arith.extui %parallel_loop3A_675 : i1 to i32
      %parallel_loop3A_677 = arith.constant 0 : i32
      %parallel_loop3A_678 = arith.cmpi slt, %parallel_loop3A_665, %parallel_loop3A_677 : i32
      %parallel_loop3A_679 = arith.extui %parallel_loop3A_678 : i1 to i32
      %parallel_loop3A_680 = arith.subi %parallel_loop3A_676, %parallel_loop3A_679 : i32
      %parallel_loop3A_681 = arith.cmpi ne, %parallel_loop3A_673, %parallel_loop3A_680 : i32
      %parallel_loop3A_682 = arith.remsi %parallel_loop3A_664, %parallel_loop3A_665 : i32
      %parallel_loop3A_683 = arith.constant 0 : i32
      %parallel_loop3A_684 = arith.cmpi ne, %parallel_loop3A_682, %parallel_loop3A_683 : i32
      %parallel_loop3A_685 = arith.andi %parallel_loop3A_681, %parallel_loop3A_684 : i1
      %parallel_loop3A_686 = arith.constant 1 : i32
      %parallel_loop3A_687 = arith.subi %parallel_loop3A_666, %parallel_loop3A_686 : i32
      %parallel_loop3A_688 = arith.select %parallel_loop3A_685, %parallel_loop3A_687, %parallel_loop3A_666 : i32
      %parallel_loop3A_689 = arith.constant 64 : i32
      %parallel_loop3A_690 = arith.constant 0 : i32
      %parallel_loop3A_691 = arith.cmpi eq, %parallel_loop3A_689, %parallel_loop3A_690 : i32
      %parallel_loop3A_692 = arith.constant 1 : i32
      %parallel_loop3A_693 = arith.select %parallel_loop3A_691, %parallel_loop3A_692, %parallel_loop3A_689 : i32
      %parallel_loop3A_694 = arith.remsi %parallel_loop3A_664, %parallel_loop3A_693 : i32
      %parallel_loop3A_695 = arith.constant 0 : i32
      %parallel_loop3A_696 = arith.cmpi ne, %parallel_loop3A_694, %parallel_loop3A_695 : i32
      %parallel_loop3A_697 = arith.constant 0 : i32
      %parallel_loop3A_698 = arith.cmpi slt, %parallel_loop3A_694, %parallel_loop3A_697 : i32
      %parallel_loop3A_699 = arith.constant 0 : i32
      %parallel_loop3A_700 = arith.cmpi slt, %parallel_loop3A_693, %parallel_loop3A_699 : i32
      %parallel_loop3A_701 = arith.xori %parallel_loop3A_698, %parallel_loop3A_700 : i1
      %parallel_loop3A_702 = arith.andi %parallel_loop3A_701, %parallel_loop3A_696 : i1
      %parallel_loop3A_703 = arith.addi %parallel_loop3A_694, %parallel_loop3A_693 : i32
      %parallel_loop3A_704 = arith.select %parallel_loop3A_702, %parallel_loop3A_703, %parallel_loop3A_694 : i32
      %parallel_loop3A_705 = arith.constant 16 : i32
      %parallel_loop3A_706 = arith.muli %parallel_loop3A_704, %parallel_loop3A_705 : i32
      %parallel_loop3A_707 = arith.index_cast %parallel_loop3A_688 : i32 to index
      %parallel_loop3A_708 = arith.index_cast %parallel_loop3A_706 : i32 to index
      %parallel_loop3A_709 = tpu.vector_load %arg8[%parallel_loop3A_707, %parallel_loop3A_708] {strides = array<i32>} : memref<16x1024xf32, #tpu.memory_space<vmem>>, vector<1x16xf32>,
      %parallel_loop3A_710 = vector.shape_cast %parallel_loop3A_709 : vector<1x16xf32> to vector<16xf32>
      %parallel_loop3A_711 = arith.index_cast %parallel_loop3A_688 : i32 to index
      %parallel_loop3A_712 = arith.index_cast %parallel_loop3A_706 : i32 to index
      %parallel_loop3A_713 = tpu.vector_load %arg11[%parallel_loop3A_711, %parallel_loop3A_712] {strides = array<i32>} : memref<16x1024xf32, #tpu.memory_space<vmem>>, vector<1x16xf32>,
      %parallel_loop3A_714 = vector.shape_cast %parallel_loop3A_713 : vector<1x16xf32> to vector<16xf32>
      %parallel_loop3A_715 = vector.shape_cast %parallel_loop3A_710 : vector<16xf32> to vector<1x16xf32>
      tpu.vector_store %arg11[%parallel_loop3A_711, %parallel_loop3A_712], %parallel_loop3A_715 {add = true, strides = array<i32>} : memref<16x1024xf32, #tpu.memory_space<vmem>>, vector<1x16xf32>,
    } {sc.loop_unroll_factor = 8 : i64, sc.parallel_access}
    %add3A_563 = arith.constant 48 : i32
    %add3A_564 = arith.addi %mul3A_2, %add3A_563 : i32
    %dma_start3A_565 = arith.constant 0 : i32
    %dma_start3A_566 = arith.constant 0 : i32
    %dma_start3A_567 = tpu.memref_slice %arg5[%dma_start3A_565, %add3A_564, %dma_start3A_566] : memref<4x2048x1024xf32, #tpu.memory_space<hbm>> -> memref<1x16x1024xf32, #tpu.memory_space<hbm>>
    %dma_start3A_568 = tpu.memref_squeeze %dma_start3A_567 : memref<1x16x1024xf32, #tpu.memory_space<hbm>> -> memref<16x1024xf32, #tpu.memory_space<hbm>>
    %dma_start3A_569 = arith.constant 0 : i32
    %dma_start3A_570 = tpu.memref_slice %arg5[%dma_start3A_565, %add3A_564, %dma_start3A_569] : memref<4x2048x1024xf32, #tpu.memory_space<hbm>> -> memref<1x16x1024xf32, #tpu.memory_space<hbm>>
    %dma_start3A_571 = tpu.memref_squeeze %dma_start3A_570 : memref<1x16x1024xf32, #tpu.memory_space<hbm>> -> memref<16x1024xf32, #tpu.memory_space<hbm>>
    tpu.enqueue_dma source(%arg11 : memref<16x1024xf32, #tpu.memory_space<vmem>>) target(%dma_start3A_571 : memref<16x1024xf32, #tpu.memory_space<hbm>>) target_semaphore(%arg24 : memref<!tpu.dma_semaphore, #tpu.memory_space<semaphore_mem>>)
    %dma_wait3A_572 = arith.constant 1 : i32
    %dma_wait3A_573 = arith.constant 48 : i32
    %dma_wait3A_574 = tpu.memref_slice %arg6[%dma_wait3A_572, %dma_wait3A_573] : memref<4x64xi32, #tpu.memory_space<vmem>> -> memref<1x16xi32, #tpu.memory_space<vmem>>
    %dma_wait3A_575 = tpu.memref_squeeze %dma_wait3A_574 : memref<1x16xi32, #tpu.memory_space<vmem>> -> memref<16xi32, #tpu.memory_space<vmem>>
    %dma_wait3A_576 = arith.constant 0 : i32
    %dma_wait3A_577 = arith.constant 0 : i32
    %dma_wait3A_578 = tpu.memref_slice %arg4[%dma_wait3A_576, %dma_wait3A_577] : memref<100000x1024xf32, #tpu.memory_space<hbm>> -> memref<100000x1024xf32, #tpu.memory_space<hbm>>
    tpu.wait_indirect_dma semaphore(%arg20 : memref<!tpu.dma_semaphore, #tpu.memory_space<semaphore_mem>>) src(%dma_wait3A_578 : memref<100000x1024xf32, #tpu.memory_space<hbm>>) dst(%arg12 : memref<16x1024xf32, #tpu.memory_space<vmem>>)
    %parallel_loop3A_579 = arith.constant 0 : i32
    %parallel_loop3A_580 = arith.constant 1024 : i32
    %parallel_loop3A_581 = arith.constant 1 : i32
    scf.for %parallel_loop3A_664 = %parallel_loop3A_579 to %parallel_loop3A_580 step %parallel_loop3A_581  : i32 {
      %parallel_loop3A_665 = arith.constant 64 : i32
      %parallel_loop3A_666 = arith.divsi %parallel_loop3A_664, %parallel_loop3A_665 : i32
      %parallel_loop3A_667 = arith.constant 0 : i32
      %parallel_loop3A_668 = arith.cmpi sgt, %parallel_loop3A_664, %parallel_loop3A_667 : i32
      %parallel_loop3A_669 = arith.extui %parallel_loop3A_668 : i1 to i32
      %parallel_loop3A_670 = arith.constant 0 : i32
      %parallel_loop3A_671 = arith.cmpi slt, %parallel_loop3A_664, %parallel_loop3A_670 : i32
      %parallel_loop3A_672 = arith.extui %parallel_loop3A_671 : i1 to i32
      %parallel_loop3A_673 = arith.subi %parallel_loop3A_669, %parallel_loop3A_672 : i32
      %parallel_loop3A_674 = arith.constant 0 : i32
      %parallel_loop3A_675 = arith.cmpi sgt, %parallel_loop3A_665, %parallel_loop3A_674 : i32
      %parallel_loop3A_676 = arith.extui %parallel_loop3A_675 : i1 to i32
      %parallel_loop3A_677 = arith.constant 0 : i32
      %parallel_loop3A_678 = arith.cmpi slt, %parallel_loop3A_665, %parallel_loop3A_677 : i32
      %parallel_loop3A_679 = arith.extui %parallel_loop3A_678 : i1 to i32
      %parallel_loop3A_680 = arith.subi %parallel_loop3A_676, %parallel_loop3A_679 : i32
      %parallel_loop3A_681 = arith.cmpi ne, %parallel_loop3A_673, %parallel_loop3A_680 : i32
      %parallel_loop3A_682 = arith.remsi %parallel_loop3A_664, %parallel_loop3A_665 : i32
      %parallel_loop3A_683 = arith.constant 0 : i32
      %parallel_loop3A_684 = arith.cmpi ne, %parallel_loop3A_682, %parallel_loop3A_683 : i32
      %parallel_loop3A_685 = arith.andi %parallel_loop3A_681, %parallel_loop3A_684 : i1
      %parallel_loop3A_686 = arith.constant 1 : i32
      %parallel_loop3A_687 = arith.subi %parallel_loop3A_666, %parallel_loop3A_686 : i32
      %parallel_loop3A_688 = arith.select %parallel_loop3A_685, %parallel_loop3A_687, %parallel_loop3A_666 : i32
      %parallel_loop3A_689 = arith.constant 64 : i32
      %parallel_loop3A_690 = arith.constant 0 : i32
      %parallel_loop3A_691 = arith.cmpi eq, %parallel_loop3A_689, %parallel_loop3A_690 : i32
      %parallel_loop3A_692 = arith.constant 1 : i32
      %parallel_loop3A_693 = arith.select %parallel_loop3A_691, %parallel_loop3A_692, %parallel_loop3A_689 : i32
      %parallel_loop3A_694 = arith.remsi %parallel_loop3A_664, %parallel_loop3A_693 : i32
      %parallel_loop3A_695 = arith.constant 0 : i32
      %parallel_loop3A_696 = arith.cmpi ne, %parallel_loop3A_694, %parallel_loop3A_695 : i32
      %parallel_loop3A_697 = arith.constant 0 : i32
      %parallel_loop3A_698 = arith.cmpi slt, %parallel_loop3A_694, %parallel_loop3A_697 : i32
      %parallel_loop3A_699 = arith.constant 0 : i32
      %parallel_loop3A_700 = arith.cmpi slt, %parallel_loop3A_693, %parallel_loop3A_699 : i32
      %parallel_loop3A_701 = arith.xori %parallel_loop3A_698, %parallel_loop3A_700 : i1
      %parallel_loop3A_702 = arith.andi %parallel_loop3A_701, %parallel_loop3A_696 : i1
      %parallel_loop3A_703 = arith.addi %parallel_loop3A_694, %parallel_loop3A_693 : i32
      %parallel_loop3A_704 = arith.select %parallel_loop3A_702, %parallel_loop3A_703, %parallel_loop3A_694 : i32
      %parallel_loop3A_705 = arith.constant 16 : i32
      %parallel_loop3A_706 = arith.muli %parallel_loop3A_704, %parallel_loop3A_705 : i32
      %parallel_loop3A_707 = arith.index_cast %parallel_loop3A_688 : i32 to index
      %parallel_loop3A_708 = arith.index_cast %parallel_loop3A_706 : i32 to index
      %parallel_loop3A_709 = tpu.vector_load %arg8[%parallel_loop3A_707, %parallel_loop3A_708] {strides = array<i32>} : memref<16x1024xf32, #tpu.memory_space<vmem>>, vector<1x16xf32>,
      %parallel_loop3A_710 = vector.shape_cast %parallel_loop3A_709 : vector<1x16xf32> to vector<16xf32>
      %parallel_loop3A_711 = arith.index_cast %parallel_loop3A_688 : i32 to index
      %parallel_loop3A_712 = arith.index_cast %parallel_loop3A_706 : i32 to index
      %parallel_loop3A_713 = tpu.vector_load %arg12[%parallel_loop3A_711, %parallel_loop3A_712] {strides = array<i32>} : memref<16x1024xf32, #tpu.memory_space<vmem>>, vector<1x16xf32>,
      %parallel_loop3A_714 = vector.shape_cast %parallel_loop3A_713 : vector<1x16xf32> to vector<16xf32>
      %parallel_loop3A_715 = vector.shape_cast %parallel_loop3A_710 : vector<16xf32> to vector<1x16xf32>
      tpu.vector_store %arg12[%parallel_loop3A_711, %parallel_loop3A_712], %parallel_loop3A_715 {add = true, strides = array<i32>} : memref<16x1024xf32, #tpu.memory_space<vmem>>, vector<1x16xf32>,
    } {sc.loop_unroll_factor = 8 : i64, sc.parallel_access}
    %add3A_582 = arith.constant 48 : i32
    %add3A_583 = arith.addi %mul3A_2, %add3A_582 : i32
    %dma_start3A_584 = arith.constant 1 : i32
    %dma_start3A_585 = arith.constant 0 : i32
    %dma_start3A_586 = tpu.memref_slice %arg5[%dma_start3A_584, %add3A_583, %dma_start3A_585] : memref<4x2048x1024xf32, #tpu.memory_space<hbm>> -> memref<1x16x1024xf32, #tpu.memory_space<hbm>>
    %dma_start3A_587 = tpu.memref_squeeze %dma_start3A_586 : memref<1x16x1024xf32, #tpu.memory_space<hbm>> -> memref<16x1024xf32, #tpu.memory_space<hbm>>
    %dma_start3A_588 = arith.constant 0 : i32
    %dma_start3A_589 = tpu.memref_slice %arg5[%dma_start3A_584, %add3A_583, %dma_start3A_588] : memref<4x2048x1024xf32, #tpu.memory_space<hbm>> -> memref<1x16x1024xf32, #tpu.memory_space<hbm>>
    %dma_start3A_590 = tpu.memref_squeeze %dma_start3A_589 : memref<1x16x1024xf32, #tpu.memory_space<hbm>> -> memref<16x1024xf32, #tpu.memory_space<hbm>>
    tpu.enqueue_dma source(%arg12 : memref<16x1024xf32, #tpu.memory_space<vmem>>) target(%dma_start3A_590 : memref<16x1024xf32, #tpu.memory_space<hbm>>) target_semaphore(%arg25 : memref<!tpu.dma_semaphore, #tpu.memory_space<semaphore_mem>>)
    %dma_wait3A_591 = arith.constant 2 : i32
    %dma_wait3A_592 = arith.constant 48 : i32
    %dma_wait3A_593 = tpu.memref_slice %arg6[%dma_wait3A_591, %dma_wait3A_592] : memref<4x64xi32, #tpu.memory_space<vmem>> -> memref<1x16xi32, #tpu.memory_space<vmem>>
    %dma_wait3A_594 = tpu.memref_squeeze %dma_wait3A_593 : memref<1x16xi32, #tpu.memory_space<vmem>> -> memref<16xi32, #tpu.memory_space<vmem>>
    %dma_wait3A_595 = arith.constant 0 : i32
    %dma_wait3A_596 = arith.constant 0 : i32
    %dma_wait3A_597 = tpu.memref_slice %arg4[%dma_wait3A_595, %dma_wait3A_596] : memref<100000x1024xf32, #tpu.memory_space<hbm>> -> memref<100000x1024xf32, #tpu.memory_space<hbm>>
    tpu.wait_indirect_dma semaphore(%arg21 : memref<!tpu.dma_semaphore, #tpu.memory_space<semaphore_mem>>) src(%dma_wait3A_597 : memref<100000x1024xf32, #tpu.memory_space<hbm>>) dst(%arg13 : memref<16x1024xf32, #tpu.memory_space<vmem>>)
    %parallel_loop3A_598 = arith.constant 0 : i32
    %parallel_loop3A_599 = arith.constant 1024 : i32
    %parallel_loop3A_600 = arith.constant 1 : i32
    scf.for %parallel_loop3A_664 = %parallel_loop3A_598 to %parallel_loop3A_599 step %parallel_loop3A_600  : i32 {
      %parallel_loop3A_665 = arith.constant 64 : i32
      %parallel_loop3A_666 = arith.divsi %parallel_loop3A_664, %parallel_loop3A_665 : i32
      %parallel_loop3A_667 = arith.constant 0 : i32
      %parallel_loop3A_668 = arith.cmpi sgt, %parallel_loop3A_664, %parallel_loop3A_667 : i32
      %parallel_loop3A_669 = arith.extui %parallel_loop3A_668 : i1 to i32
      %parallel_loop3A_670 = arith.constant 0 : i32
      %parallel_loop3A_671 = arith.cmpi slt, %parallel_loop3A_664, %parallel_loop3A_670 : i32
      %parallel_loop3A_672 = arith.extui %parallel_loop3A_671 : i1 to i32
      %parallel_loop3A_673 = arith.subi %parallel_loop3A_669, %parallel_loop3A_672 : i32
      %parallel_loop3A_674 = arith.constant 0 : i32
      %parallel_loop3A_675 = arith.cmpi sgt, %parallel_loop3A_665, %parallel_loop3A_674 : i32
      %parallel_loop3A_676 = arith.extui %parallel_loop3A_675 : i1 to i32
      %parallel_loop3A_677 = arith.constant 0 : i32
      %parallel_loop3A_678 = arith.cmpi slt, %parallel_loop3A_665, %parallel_loop3A_677 : i32
      %parallel_loop3A_679 = arith.extui %parallel_loop3A_678 : i1 to i32
      %parallel_loop3A_680 = arith.subi %parallel_loop3A_676, %parallel_loop3A_679 : i32
      %parallel_loop3A_681 = arith.cmpi ne, %parallel_loop3A_673, %parallel_loop3A_680 : i32
      %parallel_loop3A_682 = arith.remsi %parallel_loop3A_664, %parallel_loop3A_665 : i32
      %parallel_loop3A_683 = arith.constant 0 : i32
      %parallel_loop3A_684 = arith.cmpi ne, %parallel_loop3A_682, %parallel_loop3A_683 : i32
      %parallel_loop3A_685 = arith.andi %parallel_loop3A_681, %parallel_loop3A_684 : i1
      %parallel_loop3A_686 = arith.constant 1 : i32
      %parallel_loop3A_687 = arith.subi %parallel_loop3A_666, %parallel_loop3A_686 : i32
      %parallel_loop3A_688 = arith.select %parallel_loop3A_685, %parallel_loop3A_687, %parallel_loop3A_666 : i32
      %parallel_loop3A_689 = arith.constant 64 : i32
      %parallel_loop3A_690 = arith.constant 0 : i32
      %parallel_loop3A_691 = arith.cmpi eq, %parallel_loop3A_689, %parallel_loop3A_690 : i32
      %parallel_loop3A_692 = arith.constant 1 : i32
      %parallel_loop3A_693 = arith.select %parallel_loop3A_691, %parallel_loop3A_692, %parallel_loop3A_689 : i32
      %parallel_loop3A_694 = arith.remsi %parallel_loop3A_664, %parallel_loop3A_693 : i32
      %parallel_loop3A_695 = arith.constant 0 : i32
      %parallel_loop3A_696 = arith.cmpi ne, %parallel_loop3A_694, %parallel_loop3A_695 : i32
      %parallel_loop3A_697 = arith.constant 0 : i32
      %parallel_loop3A_698 = arith.cmpi slt, %parallel_loop3A_694, %parallel_loop3A_697 : i32
      %parallel_loop3A_699 = arith.constant 0 : i32
      %parallel_loop3A_700 = arith.cmpi slt, %parallel_loop3A_693, %parallel_loop3A_699 : i32
      %parallel_loop3A_701 = arith.xori %parallel_loop3A_698, %parallel_loop3A_700 : i1
      %parallel_loop3A_702 = arith.andi %parallel_loop3A_701, %parallel_loop3A_696 : i1
      %parallel_loop3A_703 = arith.addi %parallel_loop3A_694, %parallel_loop3A_693 : i32
      %parallel_loop3A_704 = arith.select %parallel_loop3A_702, %parallel_loop3A_703, %parallel_loop3A_694 : i32
      %parallel_loop3A_705 = arith.constant 16 : i32
      %parallel_loop3A_706 = arith.muli %parallel_loop3A_704, %parallel_loop3A_705 : i32
      %parallel_loop3A_707 = arith.index_cast %parallel_loop3A_688 : i32 to index
      %parallel_loop3A_708 = arith.index_cast %parallel_loop3A_706 : i32 to index
      %parallel_loop3A_709 = tpu.vector_load %arg8[%parallel_loop3A_707, %parallel_loop3A_708] {strides = array<i32>} : memref<16x1024xf32, #tpu.memory_space<vmem>>, vector<1x16xf32>,
      %parallel_loop3A_710 = vector.shape_cast %parallel_loop3A_709 : vector<1x16xf32> to vector<16xf32>
      %parallel_loop3A_711 = arith.index_cast %parallel_loop3A_688 : i32 to index
      %parallel_loop3A_712 = arith.index_cast %parallel_loop3A_706 : i32 to index
      %parallel_loop3A_713 = tpu.vector_load %arg13[%parallel_loop3A_711, %parallel_loop3A_712] {strides = array<i32>} : memref<16x1024xf32, #tpu.memory_space<vmem>>, vector<1x16xf32>,
      %parallel_loop3A_714 = vector.shape_cast %parallel_loop3A_713 : vector<1x16xf32> to vector<16xf32>
      %parallel_loop3A_715 = vector.shape_cast %parallel_loop3A_710 : vector<16xf32> to vector<1x16xf32>
      tpu.vector_store %arg13[%parallel_loop3A_711, %parallel_loop3A_712], %parallel_loop3A_715 {add = true, strides = array<i32>} : memref<16x1024xf32, #tpu.memory_space<vmem>>, vector<1x16xf32>,
    } {sc.loop_unroll_factor = 8 : i64, sc.parallel_access}
    %add3A_601 = arith.constant 48 : i32
    %add3A_602 = arith.addi %mul3A_2, %add3A_601 : i32
    %dma_start3A_603 = arith.constant 2 : i32
    %dma_start3A_604 = arith.constant 0 : i32
    %dma_start3A_605 = tpu.memref_slice %arg5[%dma_start3A_603, %add3A_602, %dma_start3A_604] : memref<4x2048x1024xf32, #tpu.memory_space<hbm>> -> memref<1x16x1024xf32, #tpu.memory_space<hbm>>
    %dma_start3A_606 = tpu.memref_squeeze %dma_start3A_605 : memref<1x16x1024xf32, #tpu.memory_space<hbm>> -> memref<16x1024xf32, #tpu.memory_space<hbm>>
    %dma_start3A_607 = arith.constant 0 : i32
    %dma_start3A_608 = tpu.memref_slice %arg5[%dma_start3A_603, %add3A_602, %dma_start3A_607] : memref<4x2048x1024xf32, #tpu.memory_space<hbm>> -> memref<1x16x1024xf32, #tpu.memory_space<hbm>>
    %dma_start3A_609 = tpu.memref_squeeze %dma_start3A_608 : memref<1x16x1024xf32, #tpu.memory_space<hbm>> -> memref<16x1024xf32, #tpu.memory_space<hbm>>
    tpu.enqueue_dma source(%arg13 : memref<16x1024xf32, #tpu.memory_space<vmem>>) target(%dma_start3A_609 : memref<16x1024xf32, #tpu.memory_space<hbm>>) target_semaphore(%arg26 : memref<!tpu.dma_semaphore, #tpu.memory_space<semaphore_mem>>)
    %dma_wait3A_610 = arith.constant 3 : i32
    %dma_wait3A_611 = arith.constant 48 : i32
    %dma_wait3A_612 = tpu.memref_slice %arg6[%dma_wait3A_610, %dma_wait3A_611] : memref<4x64xi32, #tpu.memory_space<vmem>> -> memref<1x16xi32, #tpu.memory_space<vmem>>
    %dma_wait3A_613 = tpu.memref_squeeze %dma_wait3A_612 : memref<1x16xi32, #tpu.memory_space<vmem>> -> memref<16xi32, #tpu.memory_space<vmem>>
    %dma_wait3A_614 = arith.constant 0 : i32
    %dma_wait3A_615 = arith.constant 0 : i32
    %dma_wait3A_616 = tpu.memref_slice %arg4[%dma_wait3A_614, %dma_wait3A_615] : memref<100000x1024xf32, #tpu.memory_space<hbm>> -> memref<100000x1024xf32, #tpu.memory_space<hbm>>
    tpu.wait_indirect_dma semaphore(%arg17 : memref<!tpu.dma_semaphore, #tpu.memory_space<semaphore_mem>>) src(%dma_wait3A_616 : memref<100000x1024xf32, #tpu.memory_space<hbm>>) dst(%arg9 : memref<16x1024xf32, #tpu.memory_space<vmem>>)
    %parallel_loop3A_617 = arith.constant 0 : i32
    %parallel_loop3A_618 = arith.constant 1024 : i32
    %parallel_loop3A_619 = arith.constant 1 : i32
    scf.for %parallel_loop3A_664 = %parallel_loop3A_617 to %parallel_loop3A_618 step %parallel_loop3A_619  : i32 {
      %parallel_loop3A_665 = arith.constant 64 : i32
      %parallel_loop3A_666 = arith.divsi %parallel_loop3A_664, %parallel_loop3A_665 : i32
      %parallel_loop3A_667 = arith.constant 0 : i32
      %parallel_loop3A_668 = arith.cmpi sgt, %parallel_loop3A_664, %parallel_loop3A_667 : i32
      %parallel_loop3A_669 = arith.extui %parallel_loop3A_668 : i1 to i32
      %parallel_loop3A_670 = arith.constant 0 : i32
      %parallel_loop3A_671 = arith.cmpi slt, %parallel_loop3A_664, %parallel_loop3A_670 : i32
      %parallel_loop3A_672 = arith.extui %parallel_loop3A_671 : i1 to i32
      %parallel_loop3A_673 = arith.subi %parallel_loop3A_669, %parallel_loop3A_672 : i32
      %parallel_loop3A_674 = arith.constant 0 : i32
      %parallel_loop3A_675 = arith.cmpi sgt, %parallel_loop3A_665, %parallel_loop3A_674 : i32
      %parallel_loop3A_676 = arith.extui %parallel_loop3A_675 : i1 to i32
      %parallel_loop3A_677 = arith.constant 0 : i32
      %parallel_loop3A_678 = arith.cmpi slt, %parallel_loop3A_665, %parallel_loop3A_677 : i32
      %parallel_loop3A_679 = arith.extui %parallel_loop3A_678 : i1 to i32
      %parallel_loop3A_680 = arith.subi %parallel_loop3A_676, %parallel_loop3A_679 : i32
      %parallel_loop3A_681 = arith.cmpi ne, %parallel_loop3A_673, %parallel_loop3A_680 : i32
      %parallel_loop3A_682 = arith.remsi %parallel_loop3A_664, %parallel_loop3A_665 : i32
      %parallel_loop3A_683 = arith.constant 0 : i32
      %parallel_loop3A_684 = arith.cmpi ne, %parallel_loop3A_682, %parallel_loop3A_683 : i32
      %parallel_loop3A_685 = arith.andi %parallel_loop3A_681, %parallel_loop3A_684 : i1
      %parallel_loop3A_686 = arith.constant 1 : i32
      %parallel_loop3A_687 = arith.subi %parallel_loop3A_666, %parallel_loop3A_686 : i32
      %parallel_loop3A_688 = arith.select %parallel_loop3A_685, %parallel_loop3A_687, %parallel_loop3A_666 : i32
      %parallel_loop3A_689 = arith.constant 64 : i32
      %parallel_loop3A_690 = arith.constant 0 : i32
      %parallel_loop3A_691 = arith.cmpi eq, %parallel_loop3A_689, %parallel_loop3A_690 : i32
      %parallel_loop3A_692 = arith.constant 1 : i32
      %parallel_loop3A_693 = arith.select %parallel_loop3A_691, %parallel_loop3A_692, %parallel_loop3A_689 : i32
      %parallel_loop3A_694 = arith.remsi %parallel_loop3A_664, %parallel_loop3A_693 : i32
      %parallel_loop3A_695 = arith.constant 0 : i32
      %parallel_loop3A_696 = arith.cmpi ne, %parallel_loop3A_694, %parallel_loop3A_695 : i32
      %parallel_loop3A_697 = arith.constant 0 : i32
      %parallel_loop3A_698 = arith.cmpi slt, %parallel_loop3A_694, %parallel_loop3A_697 : i32
      %parallel_loop3A_699 = arith.constant 0 : i32
      %parallel_loop3A_700 = arith.cmpi slt, %parallel_loop3A_693, %parallel_loop3A_699 : i32
      %parallel_loop3A_701 = arith.xori %parallel_loop3A_698, %parallel_loop3A_700 : i1
      %parallel_loop3A_702 = arith.andi %parallel_loop3A_701, %parallel_loop3A_696 : i1
      %parallel_loop3A_703 = arith.addi %parallel_loop3A_694, %parallel_loop3A_693 : i32
      %parallel_loop3A_704 = arith.select %parallel_loop3A_702, %parallel_loop3A_703, %parallel_loop3A_694 : i32
      %parallel_loop3A_705 = arith.constant 16 : i32
      %parallel_loop3A_706 = arith.muli %parallel_loop3A_704, %parallel_loop3A_705 : i32
      %parallel_loop3A_707 = arith.index_cast %parallel_loop3A_688 : i32 to index
      %parallel_loop3A_708 = arith.index_cast %parallel_loop3A_706 : i32 to index
      %parallel_loop3A_709 = tpu.vector_load %arg8[%parallel_loop3A_707, %parallel_loop3A_708] {strides = array<i32>} : memref<16x1024xf32, #tpu.memory_space<vmem>>, vector<1x16xf32>,
      %parallel_loop3A_710 = vector.shape_cast %parallel_loop3A_709 : vector<1x16xf32> to vector<16xf32>
      %parallel_loop3A_711 = arith.index_cast %parallel_loop3A_688 : i32 to index
      %parallel_loop3A_712 = arith.index_cast %parallel_loop3A_706 : i32 to index
      %parallel_loop3A_713 = tpu.vector_load %arg9[%parallel_loop3A_711, %parallel_loop3A_712] {strides = array<i32>} : memref<16x1024xf32, #tpu.memory_space<vmem>>, vector<1x16xf32>,
      %parallel_loop3A_714 = vector.shape_cast %parallel_loop3A_713 : vector<1x16xf32> to vector<16xf32>
      %parallel_loop3A_715 = vector.shape_cast %parallel_loop3A_710 : vector<16xf32> to vector<1x16xf32>
      tpu.vector_store %arg9[%parallel_loop3A_711, %parallel_loop3A_712], %parallel_loop3A_715 {add = true, strides = array<i32>} : memref<16x1024xf32, #tpu.memory_space<vmem>>, vector<1x16xf32>,
    } {sc.loop_unroll_factor = 8 : i64, sc.parallel_access}
    %add3A_620 = arith.constant 48 : i32
    %add3A_621 = arith.addi %mul3A_2, %add3A_620 : i32
    %dma_start3A_622 = arith.constant 3 : i32
    %dma_start3A_623 = arith.constant 0 : i32
    %dma_start3A_624 = tpu.memref_slice %arg5[%dma_start3A_622, %add3A_621, %dma_start3A_623] : memref<4x2048x1024xf32, #tpu.memory_space<hbm>> -> memref<1x16x1024xf32, #tpu.memory_space<hbm>>
    %dma_start3A_625 = tpu.memref_squeeze %dma_start3A_624 : memref<1x16x1024xf32, #tpu.memory_space<hbm>> -> memref<16x1024xf32, #tpu.memory_space<hbm>>
    %dma_start3A_626 = arith.constant 0 : i32
    %dma_start3A_627 = tpu.memref_slice %arg5[%dma_start3A_622, %add3A_621, %dma_start3A_626] : memref<4x2048x1024xf32, #tpu.memory_space<hbm>> -> memref<1x16x1024xf32, #tpu.memory_space<hbm>>
    %dma_start3A_628 = tpu.memref_squeeze %dma_start3A_627 : memref<1x16x1024xf32, #tpu.memory_space<hbm>> -> memref<16x1024xf32, #tpu.memory_space<hbm>>
    tpu.enqueue_dma source(%arg9 : memref<16x1024xf32, #tpu.memory_space<vmem>>) target(%dma_start3A_628 : memref<16x1024xf32, #tpu.memory_space<hbm>>) target_semaphore(%arg22 : memref<!tpu.dma_semaphore, #tpu.memory_space<semaphore_mem>>)
    %dma_wait3A_629 = arith.constant 3 : i32
    %dma_wait3A_630 = arith.constant 0 : i32
    %dma_wait3A_631 = tpu.memref_slice %arg5[%dma_wait3A_629, %add3A_621, %dma_wait3A_630] : memref<4x2048x1024xf32, #tpu.memory_space<hbm>> -> memref<1x16x1024xf32, #tpu.memory_space<hbm>>
    %dma_wait3A_632 = tpu.memref_squeeze %dma_wait3A_631 : memref<1x16x1024xf32, #tpu.memory_space<hbm>> -> memref<16x1024xf32, #tpu.memory_space<hbm>>
    %dma_wait3A_633 = arith.constant 0 : i32
    %dma_wait3A_634 = tpu.memref_slice %arg5[%dma_wait3A_629, %add3A_621, %dma_wait3A_633] : memref<4x2048x1024xf32, #tpu.memory_space<hbm>> -> memref<1x16x1024xf32, #tpu.memory_space<hbm>>
    %dma_wait3A_635 = tpu.memref_squeeze %dma_wait3A_634 : memref<1x16x1024xf32, #tpu.memory_space<hbm>> -> memref<16x1024xf32, #tpu.memory_space<hbm>>
    tpu.wait_dma2 semaphore(%arg22 : memref<!tpu.dma_semaphore, #tpu.memory_space<semaphore_mem>>) src(%arg9 : memref<16x1024xf32, #tpu.memory_space<vmem>>) dst(%dma_wait3A_635 : memref<16x1024xf32, #tpu.memory_space<hbm>>)
    %dma_wait3A_636 = arith.constant 3 : i32
    %dma_wait3A_637 = arith.constant 0 : i32
    %dma_wait3A_638 = tpu.memref_slice %arg5[%dma_wait3A_636, %add3A_527, %dma_wait3A_637] : memref<4x2048x1024xf32, #tpu.memory_space<hbm>> -> memref<1x16x1024xf32, #tpu.memory_space<hbm>>
    %dma_wait3A_639 = tpu.memref_squeeze %dma_wait3A_638 : memref<1x16x1024xf32, #tpu.memory_space<hbm>> -> memref<16x1024xf32, #tpu.memory_space<hbm>>
    %dma_wait3A_640 = arith.constant 0 : i32
    %dma_wait3A_641 = tpu.memref_slice %arg5[%dma_wait3A_636, %add3A_527, %dma_wait3A_640] : memref<4x2048x1024xf32, #tpu.memory_space<hbm>> -> memref<1x16x1024xf32, #tpu.memory_space<hbm>>
    %dma_wait3A_642 = tpu.memref_squeeze %dma_wait3A_641 : memref<1x16x1024xf32, #tpu.memory_space<hbm>> -> memref<16x1024xf32, #tpu.memory_space<hbm>>
    tpu.wait_dma2 semaphore(%arg23 : memref<!tpu.dma_semaphore, #tpu.memory_space<semaphore_mem>>) src(%arg10 : memref<16x1024xf32, #tpu.memory_space<vmem>>) dst(%dma_wait3A_642 : memref<16x1024xf32, #tpu.memory_space<hbm>>)
    %dma_wait3A_643 = arith.constant 0 : i32
    %dma_wait3A_644 = arith.constant 0 : i32
    %dma_wait3A_645 = tpu.memref_slice %arg5[%dma_wait3A_643, %add3A_564, %dma_wait3A_644] : memref<4x2048x1024xf32, #tpu.memory_space<hbm>> -> memref<1x16x1024xf32, #tpu.memory_space<hbm>>
    %dma_wait3A_646 = tpu.memref_squeeze %dma_wait3A_645 : memref<1x16x1024xf32, #tpu.memory_space<hbm>> -> memref<16x1024xf32, #tpu.memory_space<hbm>>
    %dma_wait3A_647 = arith.constant 0 : i32
    %dma_wait3A_648 = tpu.memref_slice %arg5[%dma_wait3A_643, %add3A_564, %dma_wait3A_647] : memref<4x2048x1024xf32, #tpu.memory_space<hbm>> -> memref<1x16x1024xf32, #tpu.memory_space<hbm>>
    %dma_wait3A_649 = tpu.memref_squeeze %dma_wait3A_648 : memref<1x16x1024xf32, #tpu.memory_space<hbm>> -> memref<16x1024xf32, #tpu.memory_space<hbm>>
    tpu.wait_dma2 semaphore(%arg24 : memref<!tpu.dma_semaphore, #tpu.memory_space<semaphore_mem>>) src(%arg11 : memref<16x1024xf32, #tpu.memory_space<vmem>>) dst(%dma_wait3A_649 : memref<16x1024xf32, #tpu.memory_space<hbm>>)
    %dma_wait3A_650 = arith.constant 1 : i32
    %dma_wait3A_651 = arith.constant 0 : i32
    %dma_wait3A_652 = tpu.memref_slice %arg5[%dma_wait3A_650, %add3A_583, %dma_wait3A_651] : memref<4x2048x1024xf32, #tpu.memory_space<hbm>> -> memref<1x16x1024xf32, #tpu.memory_space<hbm>>
    %dma_wait3A_653 = tpu.memref_squeeze %dma_wait3A_652 : memref<1x16x1024xf32, #tpu.memory_space<hbm>> -> memref<16x1024xf32, #tpu.memory_space<hbm>>
    %dma_wait3A_654 = arith.constant 0 : i32
    %dma_wait3A_655 = tpu.memref_slice %arg5[%dma_wait3A_650, %add3A_583, %dma_wait3A_654] : memref<4x2048x1024xf32, #tpu.memory_space<hbm>> -> memref<1x16x1024xf32, #tpu.memory_space<hbm>>
    %dma_wait3A_656 = tpu.memref_squeeze %dma_wait3A_655 : memref<1x16x1024xf32, #tpu.memory_space<hbm>> -> memref<16x1024xf32, #tpu.memory_space<hbm>>
    tpu.wait_dma2 semaphore(%arg25 : memref<!tpu.dma_semaphore, #tpu.memory_space<semaphore_mem>>) src(%arg12 : memref<16x1024xf32, #tpu.memory_space<vmem>>) dst(%dma_wait3A_656 : memref<16x1024xf32, #tpu.memory_space<hbm>>)
    %dma_wait3A_657 = arith.constant 2 : i32
    %dma_wait3A_658 = arith.constant 0 : i32
    %dma_wait3A_659 = tpu.memref_slice %arg5[%dma_wait3A_657, %add3A_602, %dma_wait3A_658] : memref<4x2048x1024xf32, #tpu.memory_space<hbm>> -> memref<1x16x1024xf32, #tpu.memory_space<hbm>>
    %dma_wait3A_660 = tpu.memref_squeeze %dma_wait3A_659 : memref<1x16x1024xf32, #tpu.memory_space<hbm>> -> memref<16x1024xf32, #tpu.memory_space<hbm>>
    %dma_wait3A_661 = arith.constant 0 : i32
    %dma_wait3A_662 = tpu.memref_slice %arg5[%dma_wait3A_657, %add3A_602, %dma_wait3A_661] : memref<4x2048x1024xf32, #tpu.memory_space<hbm>> -> memref<1x16x1024xf32, #tpu.memory_space<hbm>>
    %dma_wait3A_663 = tpu.memref_squeeze %dma_wait3A_662 : memref<1x16x1024xf32, #tpu.memory_space<hbm>> -> memref<16x1024xf32, #tpu.memory_space<hbm>>
    tpu.wait_dma2 semaphore(%arg26 : memref<!tpu.dma_semaphore, #tpu.memory_space<semaphore_mem>>) src(%arg13 : memref<16x1024xf32, #tpu.memory_space<vmem>>) dst(%dma_wait3A_663 : memref<16x1024xf32, #tpu.memory_space<hbm>>)
    return
  }
}

</mosaic_0001>

<sc_bundles>
// kernel: kernel.3.cloned.1.call-start
scs
__scs_entry_jumppad:
0x0: {  	(pc) =	sbr.rel $0x88, $3  }
0x1: {  	(tag) =	ssettag $0x0;
	lr =	simm.s32 $0x1  }
0x2: {  	[smem:$0x3F9E] =	sst lr;
	_ =	strace $0xD0000000  }
0x3: {  	_ = 	snop  }
0x4: {  	_ = 	snop  }
0x5: {  	_ = 	snop  }
0x6: {  	_ = 	snop  }
0x7: {  	_ = 	snop  }
__scs_overlays_trampoline_lowered:
0x8: {  	[smem:$0x3FAD] =	sst s0  }
0x9: {  	[smem:$0x3FAE] =	sst s1  }
0xa: {  	[smem:$0x3FAF] =	sst s2  }
0xb: {  	[smem:$0x3FB0] =	sst s3  }
0xc: {  	[smem:$0x3FB1] =	sst s4  }
0xd: {  	[smem:$0x3FB2] =	sst s5  }
0xe: {  	[smem:$0x3FB3] =	sst s6  }
0xf: {  	[smem:$0x3FB4] =	sst s7  }
0x10: {  	[smem:$0x3FB5] =	sst s8  }
0x11: {  	[smem:$0x3FB6] =	sst s9;
	s0 =	simm.s32 @!p0 $0x0  }
0x12: {  	s1 =	sld [smem:$0x3F9C];
	s0 =	simm.s32 @p0 $0x1  }
0x13: {  	[smem:$0x3FB7] =	sst s0;
	s0 =	simm.s32 @!p1 $0x0  }
0x14: {  	s2 =	sld [smem:$0x3F9B];
	s0 =	simm.s32 @p1 $0x1  }
0x15: {  	[smem:$0x3FB8] =	sst s0;
	s0 =	simm.s32 @!p2 $0x0  }
0x16: {  	s3 =	sld [smem:$0x3FDB];
	s0 =	simm.s32 @p2 $0x1  }
0x17: {  	s4 =	simm.s32 $0x1BF5;
	[smem:$0x3FBA] =	sst s0  }
0x18: {  	s0 =	sld [smem:$0x3F9D];
	_ =	swait.ge [sflag:s4], $0x0  }
0x19: {  	s7 =	sld [smem:$0x3F9E]  }
0x1a: {  	s8 =	sadd.s32 $0xFFFFE003, lr  }
0x1b: {  	s9 =	sadd.s32 $0xFFFFFEF7, lr;
	s5 =	simm.s32 $0xFFFFFFFF;
	p2 =	slt.u32 s8, $0xFFFFF086  }
0x1c: {  	p1 =	slt.u32 s9, $0xF7A;
	s5 =	simm.s32 @!p2 $0x0  }
0x1d: {  	s5 =	simm.s32 @p1 $0x1;
	p0 =	seq.s32 s7, s2  }
0x1e: {  	s7 =	smul.u32 @!p0 $0xF7A, s2;
	p2 =	seq.s32 @!p0 s5, $0x0  }
0x1f: {  	s9 =	smul.u32 $0xF7A, s1;
	s8 =	simm.s32 @!p0 $0x1BF5;
	p2 =	por !p2, p0  }
0x20: {  	[sflag:s8] =	ssyncset.s32 @!p0 $0xFFFFF086;
	s6 =	sadd.s32 @!p0 s3, s7;
	s7 =	simm.s32 @!p0 $0x108  }
0x21: {  	s3 =	sadd.s32 s3, s9;
	s6 =	sadd.s32 @!p0 $0x88, s6;
	s7 =	simm.s32 @p2 $0x1082  }
0x22: {  	[simem:s7], [sflag:s8] =	dma.local @!p0 [hbm:s6], $0xF7A  }
0x23: {  	s9 =	sor.u32 $0xD0000000, s2;
	s6 =	simm.s32 $0x108;
	_ =	swait.ge @!p0 [sflag:s8], $0x0  }
0x24: {  	s3 =	sadd.s32 $0x88, s3;
	s6 =	simm.s32 @!p1 $0x1082;
	[sflag:s4] =	ssyncset.s32 $0xFFFFF086  }
0x25: {  	[simem:s6], [sflag:s4] =	dma.local [hbm:s3], $0xF7A  }
0x26: {  	[smem:$0x3F9E] =	sst s1;
	(tag) =	ssettag s2;
	_ =	strace s9  }
0x27: {  	s1 =	sld [smem:$0x3FAE]  }
0x28: {  	s2 =	sld [smem:$0x3FAF]  }
0x29: {  	s4 =	sld [smem:$0x3FB1]  }
0x2a: {  	p0 =	seq.s32 s5, $0x0;
	s5 =	sld [smem:$0x3FB2]  }
0x2b: {  	s6 =	sld [smem:$0x3FB3]  }
0x2c: {  	s7 =	sld [smem:$0x3FB4]  }
0x2d: {  	s3 =	simm.s32 $0x108;
	s8 =	sld [smem:$0x3FB5]  }
0x2e: {  	s3 =	simm.s32 @!p0 $0x1082;
	s9 =	sld [smem:$0x3FB6]  }
0x2f: {  	lr =	sadd.s32 s0, s3;
	s0 =	sld [smem:$0x3FAD]  }
0x30: {  	s3 =	sld [smem:$0x3FB0]  }
0x31: {  	[smem:$0x3FB9] =	sst s10  }
0x32: {  	s10 =	sld [smem:$0x3FB7];
	_ =	sdelay $0x3  }
0x33: {  	p0 =	seq.s32 s10, $0x1;
	s10 =	sld [smem:$0x3FB9];
	_ =	sdelay $0x3  }
0x34: {  	[smem:$0x3FB9] =	sst s10  }
0x35: {  	s10 =	sld [smem:$0x3FB8];
	_ =	sdelay $0x3  }
0x36: {  	p1 =	seq.s32 s10, $0x1;
	s10 =	sld [smem:$0x3FB9];
	_ =	sdelay $0x3  }
0x37: {  	[smem:$0x3FB9] =	sst s10  }
0x38: {  	s10 =	sld [smem:$0x3FBA]  }
0x39: {  	_ = 	snop;
	(pc) =	sbr.ind lr, $3  }
0x3a: {  	_ = 	snop  }
0x3b: {  	_ = 	snop  }
0x3c: {  	p2 =	seq.s32 s10, $0x1;
	s10 =	sld [smem:$0x3FB9]  }
0x3d: {  	_ =	shalt  }
0x3e: {  	_ =	shalt  }
0x3f: {  	_ =	shalt  }
0x40: {  	_ =	shalt  }
0x41: {  	_ =	shalt  }
0x42: {  	_ =	shalt  }
0x43: {  	_ =	shalt  }
0x44: {  	_ =	shalt  }
0x45: {  	_ =	shalt  }
0x46: {  	_ =	shalt  }
0x47: {  	_ =	shalt  }
0x48: {  	_ =	shalt  }
0x49: {  	_ =	shalt  }
0x4a: {  	_ =	shalt  }
0x4b: {  	_ =	shalt  }
0x4c: {  	_ =	shalt  }
0x4d: {  	_ =	shalt  }
0x4e: {  	_ =	shalt  }
0x4f: {  	_ =	shalt  }
0x50: {  	_ =	shalt  }
0x51: {  	_ =	shalt  }
0x52: {  	_ =	shalt  }
0x53: {  	_ =	shalt  }
0x54: {  	_ =	shalt  }
0x55: {  	_ =	shalt  }
0x56: {  	_ =	shalt  }
0x57: {  	_ =	shalt  }
0x58: {  	_ =	shalt  }
0x59: {  	_ =	shalt  }
0x5a: {  	_ =	shalt  }
0x5b: {  	_ =	shalt  }
0x5c: {  	_ =	shalt  }
0x5d: {  	_ =	shalt  }
0x5e: {  	_ =	shalt  }
0x5f: {  	_ =	shalt  }
0x60: {  	_ =	shalt  }
0x61: {  	_ =	shalt  }
0x62: {  	_ =	shalt  }
0x63: {  	_ =	shalt  }
0x64: {  	_ =	shalt  }
0x65: {  	_ =	shalt  }
0x66: {  	_ =	shalt  }
0x67: {  	_ =	shalt  }
0x68: {  	_ =	shalt  }
0x69: {  	_ =	shalt  }
0x6a: {  	_ =	shalt  }
0x6b: {  	_ =	shalt  }
0x6c: {  	_ =	shalt  }
0x6d: {  	_ =	shalt  }
0x6e: {  	_ =	shalt  }
0x6f: {  	_ =	shalt  }
0x70: {  	_ =	shalt  }
0x71: {  	_ =	shalt  }
0x72: {  	_ =	shalt  }
0x73: {  	_ =	shalt  }
0x74: {  	_ =	shalt  }
0x75: {  	_ =	shalt  }
0x76: {  	_ =	shalt  }
0x77: {  	_ =	shalt  }
0x78: {  	_ =	shalt  }
0x79: {  	_ =	shalt  }
0x7a: {  	_ =	shalt  }
0x7b: {  	_ =	shalt  }
0x7c: {  	_ =	shalt  }
0x7d: {  	_ =	shalt  }
0x7e: {  	_ =	shalt  }
0x7f: {  	_ =	shalt  }
0x80: {  	_ =	shalt  }
0x81: {  	_ =	shalt  }
0x82: {  	_ =	shalt  }
0x83: {  	_ =	shalt  }
0x84: {  	_ =	shalt  }
0x85: {  	_ =	shalt  }
0x86: {  	_ =	shalt  }
0x87: {  	_ =	shalt  }
.Lfunc_end0:
.L_simem_size_0:
called_computation_lowered:
.L_overlay_start_0:
0x88: {  	s2 =	sld [smem:$0x3FD9]  }
0x89: {  	s3 =	sld [smem:$0x3FFE];
	_ =	sdelay $0x1  }
0x8a: {  	s1 =	srdreg.scid  }
0x8b: {  	s0 =	sand.u32 $0x1, s1  }
0x8c: {  	s18 =	sshll.u32 s0, $0xA;
	s2 =	sadd.s32 s3, s2  }
0x8d: {  	s2 =	sadd.s32 s2, s18  }
0x8e: {  	[smem:$0x3FC5] =	sst s2  }
0x8f: {  	_ = 	snop  }
0x90: {  	s2 =	sld [smem:$0x3FC9]  }
0x91: {  	s19 =	sld [smem:$0x3FC8]  }
0x92: {  	s4 =	sld [smem:$0x3FC7]  }
0x93: {  	s5 =	sld [smem:$0x3FD0];
	(tm) =	ssettm $0x1  }
0x94: {  	s6 =	sld [smem:$0x3FFB];
	_ =	sdelay $0x3  }
0x95: {  	_ =	strace s6  }
0x96: {  	s6 =	sld [smem:$0x3FFC];
	_ =	sdelay $0x3  }
0x97: {  	_ =	strace s6  }
0x98: {  	s6 =	sld [smem:$0x3FFD];
	_ =	sdelay $0x3  }
0x99: {  	_ =	strace s6  }
0x9a: {  	_ =	strace $0x8FFFFFFF  }
0x9b: {  	s20 =	sld [smem:$0x3FDB];
	_ =	sdelay $0x1  }
0x9c: {  	s7 =	simm.s32 $_scs_section_size  }
0x9d: {  	s8 =	simm.s32 $_size__tile_overlayer_lowered;
	s9 =	simm.s32 $_tile_overlayer_lowered  }
0x9e: {  	s23 =	simm.s32 $0x1BFF;
	s22 =	sshll.u32 s9, $0x1;
	s6 =	sadd.s32 s7, s20  }
0x9f: {  	s10 =	simm.s32 $0x0;
	s21 =	sshll.u32 s8, $0x1;
	s8 =	sadd.s32 s22, s6  }
0xa0: {  	[timem:s10], [sflag:s23] =	dma.local [hbm:s8], s21  }
0xa1: {  	_ =	swait.ge [sflag:s23], s21  }
0xa2: {  	s7 =	ssub.s32 $0x0, s21;
	[sflag:s23] =	ssyncset.done $0x0  }
0xa3: {  	[sflag:s23] =	ssyncadd.s32 s7;
	_ =	sdelay $0x1  }
0xa4: {  	s24 =	simm.s32 $0x1B8B  }
0xa5: {  	_ =	swait.ge [sflag:s24], $0x1  }
0xa6: {  	[sflag:s24] =	ssyncset.done $0x0  }
0xa7: {  	s25 =	simm.s32 $0x1B8E;
	[sflag:s24] =	ssyncadd.s32 $0xFFFFFFFF  }
0xa8: {  	s26 =	simm.s32 $execute0_lowered;
	[smem:$0x3FD2] =	sst s25  }
0xa9: {  	s7 =	sshll.u32 s26, $0x1;
	_ =	strace $0x80000046;
	[dreg:$0x1] =	wrdreg $0xFFFFFFFF  }
0xaa: {  	s28 =	simm.s32 $_size_execute0_lowered;
	s6 =	sadd.s32 s6, s7;
	[dreg:$0x0] =	wrdreg $0x0  }
0xab: {  	s7 =	sshll.u32 s28, $0x1;
	[dreg:$0x2] =	wrdreg s6  }
0xac: {  	[dreg:$0x3] =	wrdreg s7  }
0xad: {  	[dreg:$0x4] =	wrdreg $0xC0  }
0xae: {  	_ =	task [dreg:s10], $0x5FFFF  }
0xaf: {  	[dreg:$0x1] =	wrdreg $0xFFFFFFFF  }
0xb0: {  	[dreg:$0x0] =	wrdreg $0x60  }
0xb1: {  	[dreg:$0x2] =	wrdreg s2  }
0xb2: {  	[dreg:$0x3] =	wrdreg s4  }
0xb3: {  	[dreg:$0x4] =	wrdreg s19  }
0xb4: {  	[dreg:$0x5] =	wrdreg s5  }
0xb5: {  	[dreg:$0x6] =	wrdreg $0x9  }
0xb6: {  	_ =	task.clear_ibuf [dreg:s10], $0x7FFFF;
	_ =	strace $0x90000046  }
0xb7: {  	s29 =	simm.s32 $0x9;
	_ =	strace $0x80000048  }
0xb8: {  	_ =	swait.ge [sflag:s29], $0x1  }
0xb9: {  	[sflag:s29] =	ssyncadd.s32 $0xFFFFFFFF  }
0xba: {  	_ =	strace $0x90000048  }
0xbb: {  	_ =	sfence  }
0xbc: {  	s30 =	sld [smem:$0x0];
	_ =	sdelay $0x2  }
0xbd: {  	s31 =	sshll.u32 s1, $0xD;
	s1 =	sshrl.u32 s1, $0x2  }
0xbe: {  	s3 =	sand.u32 $0x4000, s31;
	s1 =	sadd.s32 s1, s30  }
0xbf: {  	s0 =	sor.u32 s3, s0;
	s1 =	sshll.u32 s1, $0x11  }
0xc0: {  	s0 =	sor.u32 s1, s0  }
0xc1: {  	s0 =	sadd.s32 $0x8F2B, s0  }
0xc2: {  	[sflag:s0] =	ssyncadd.remote.s32 $0x1  }
0xc3: {  	_ =	sfence.sel $0xFFFF  }
0xc4: {  	[dreg:$0x0] =	wrdreg $0xFFFFFFFF;
	(pc) =	sbr.abs _section_cstart, $3  }
0xc5: {  	[dreg:$0x1] =	wrdreg $0xFFFFFFFF  }
0xc6: {  	_ =	task.clear_ibuf [dreg:s10], $0x2FFFF;
	_ =	strace $0x9FFFFFFF  }
0xc7: {  	(tm) =	ssettm $0x7FFFFFFF  }
tec
execute0_lowered:
.L_overlay_start_1:
0x0: {  	(tag) =	ssettag $0x1  }
0x1: {  	s0 =	rddreg [dreg:$0x0]  }
0x2: {  	s4 =	rddreg [dreg:$0x1]  }
0x3: {  	s1 =	srdreg.scid;
	s2 =	rddreg [dreg:$0x2]  }
0x4: {  	s3 =	stileid.u32;
	s6 =	rddreg [dreg:$0x3];
	s1 =	sand.u32 $0x1, s1  }
0x5: {  	s3 =	sshll.u32 s3, $0x7;
	s5 =	sshll.u32 s1, $0x6;
	s1 =	ssub.s32 $0x2, s1  }
0x6: {  	s7 =	sor.u32 s5, s3;
	s3 =	simm.s32 $0x0;
	s20 =	sshrl.u32 s1, $0x1  }
0x7: {  	s8 =	sshll.u32 s7, $0x2;
	[smem:$0x7FF] =	sst s3;
	s1 =	ssub.s32 s1, s20  }
0x8: {  	s7 =	sshll.u32 s7, $0x7;
	s9 =	sand.u32 $0x1E00, s8;
	_ =	strace $0x80000047  }
0x9: {  	s23 =	sadd.s32 s4, s7;
	s24 =	sor.u32 $0x800, s7;
	s14 =	sor.u32 $0x1000, s7  }
0xa: {  	s20 =	smax.u32 s1, $0x1;
	s9 =	sor.u32 s5, s9;
	[dreg:$0x9] =	wrdreg s23  }
0xb: {  	s5 =	sor.u32 s5, s8;
	s25 =	sadd.s32 s4, s24;
	[dreg:$0x17] =	wrdreg s20  }
0xc: {  	s18 =	sadd.s32 s6, s14;
	s9 =	sshrl.u32 s9, $0x3;
	[dreg:$0xb] =	wrdreg s25  }
0xd: {  	s5 =	sshrl.u32 s5, $0x3;
	[dreg:$0x14] =	wrdreg s18;
	s9 =	sadd.s32 s0, s9  }
0xe: {  	s22 =	sor.u32 $0x20, s5;
	[dreg:$0x5] =	wrdreg s9;
	s21 =	sadd.s32 $0x10, s9  }
0xf: {  	s5 =	sor.u32 $0x30, s5;
	s8 =	sadd.s32 s0, s22;
	[dreg:$0x6] =	wrdreg s21  }
0x10: {  	s0 =	sadd.s32 s0, s5;
	[dreg:$0x7] =	wrdreg s8  }
0x11: {  	[dreg:$0x8] =	wrdreg s0;
	s0 =	sadd.s32 s6, s24  }
0x12: {  	s28 =	simm.s32 $0x4;
	s8 =	sadd.s32 s6, s7;
	[dreg:$0x10] =	wrdreg s0  }
0x13: {  	s29 =	simm.s32 $0x18200;
	s26 =	sadd.s32 $0x40000, s8;
	[dreg:$0xa] =	wrdreg s8  }
0x14: {  	s30 =	simm.s32 $0x7;
	s11 =	sadd.s32 $0x80000, s8;
	[dreg:$0xc] =	wrdreg s26  }
0x15: {  	s31 =	simm.s32 $0xB;
	s13 =	sadd.s32 $0xC0000, s8;
	[dreg:$0xd] =	wrdreg s11  }
0x16: {  	s10 =	sadd.s32 $0x200, s2;
	s16 =	sadd.s32 $0x40800, s8;
	[dreg:$0xe] =	wrdreg s13  }
0x17: {  	s15 =	sor.u32 $0x1800, s7;
	s17 =	sadd.s32 $0x80800, s8;
	[dreg:$0x11] =	wrdreg s16  }
0x18: {  	s12 =	sadd.s32 $0x300, s2;
	s0 =	sadd.s32 s6, s15;
	[dreg:$0x12] =	wrdreg s17  }
0x19: {  	s1 =	simm.s32 $0x3;
	s19 =	sadd.s32 $0xC0800, s8;
	[dreg:$0x15] =	wrdreg s0  }
0x1a: {  	s20 =	simm.s32 $0x0;
	s21 =	sadd.s32 $0x41000, s8;
	[dreg:$0x16] =	wrdreg s19  }
0x1b: {  	s18 =	simm.s32 $0xC;
	s22 =	sadd.s32 $0x81000, s8;
	[dreg:$0x18] =	wrdreg s21  }
0x1c: {  	s9 =	sadd.s32 $0x100, s2;
	s23 =	sadd.s32 $0xC1000, s8;
	[dreg:$0x19] =	wrdreg s22  }
0x1d: {  	s24 =	sadd.s32 $0x41800, s8;
	s25 =	sadd.s32 $0x81800, s8;
	[dreg:$0x1a] =	wrdreg s23  }
0x1e: {  	s6 =	simm.s32 $0x8200;
	s11 =	sadd.s32 s4, s14;
	[dreg:$0x1b] =	wrdreg s24  }
0x1f: {  	s4 =	sadd.s32 s4, s15;
	[dreg:$0x1c] =	wrdreg s25;
	s26 =	sadd.s32 $0xC1800, s8  }
0x20: {  	s0 =	simm.s32 $0x1;
	s16 =	simm.s32 $0xBA00;
	s17 =	simm.s32 $0xC200  }
0x21: {  	s25 =	simm.s32 $0x10200;
	s21 =	simm.s32 $0x5;
	[dreg:$0xf] =	wrdreg s11  }
0x22: {  	v2 =	vlaneseq.u32;
	s22 =	simm.s32 $0x9;
	s23 =	simm.s32 $0x6;
	[dreg:$0x13] =	wrdreg s4  }
0x23: {  	vm0 =	vmmov $0xffff;
	v1 =	vshrl.u32 v2, $0x3;
	s24 =	simm.s32 $0xA;
	s19 =	simm.s32 $0xD;
	[dreg:$0x1d] =	wrdreg s26  }
0x24: {  	v0 =	vand.u32 $0x7, v2;
	v2 =	vor.u32 $0x8, v2;
	v1 =	vmul.u32 $0x8, v1;
	s11 =	simm.s32 $0x14200;
	s26 =	simm.s32 $0x2;
	s4 =	simm.s32 $0x8  }
.LBB2_1:
0x25: {  	s5 =	rddreg [dreg:$0x5]  }
0x26: {  	[tilespmem:s3], [sflag:$0x1] =	stream.linear.gather [hbm4b:s5+s3], $0x40, $0x38;
	[tilespmem:$0x1C200] =	vst v63  }
0x27: {  	s15 =	rddreg [dreg:$0x6];
	s7 =	simm.s32 $0x80  }
0x28: {  	[tilespmem:s7], [sflag:$0x1] =	stream.linear.gather [hbm4b:s15+s3], $0x40, $0x38;
	[tilespmem:$0x1C200] =	vst v63  }
0x29: {  	s8 =	rddreg [dreg:$0x7];
	s13 =	simm.s32 $0x100  }
0x2a: {  	[tilespmem:s13], [sflag:$0x1] =	stream.linear.gather [hbm4b:s8+s3], $0x40, $0x38;
	[tilespmem:$0x1C200] =	vst v63  }
0x2b: {  	s14 =	rddreg [dreg:$0x8];
	s15 =	simm.s32 $0x180  }
0x2c: {  	[tilespmem:s15], [sflag:$0x1] =	stream.linear.gather [hbm4b:s14+s3], $0x40, $0x38;
	[tilespmem:$0x1C200] =	vst v63  }
0x2d: {  	_ =	swait.ge [sflag:s0], $0x40  }
0x2e: {  	[sflag:s0] =	ssyncset.done $0x0  }
0x2f: {  	[sflag:s0] =	ssyncadd.s32 $0xFFFFFFC0  }
0x30: {  	_ =	swait.ge [sflag:s0], $0x40  }
0x31: {  	[sflag:s0] =	ssyncset.done $0x0  }
0x32: {  	[sflag:s0] =	ssyncadd.s32 $0xFFFFFFC0  }
0x33: {  	_ =	swait.ge [sflag:s0], $0x40  }
0x34: {  	[sflag:s0] =	ssyncset.done $0x0  }
0x35: {  	[sflag:s0] =	ssyncadd.s32 $0xFFFFFFC0  }
0x36: {  	_ =	swait.ge [sflag:s0], $0x40  }
0x37: {  	[sflag:s0] =	ssyncset.done $0x0  }
0x38: {  	s13 =	simm.s32 $0x200;
	s8 =	rddreg [dreg:$0x9];
	[sflag:s0] =	ssyncadd.s32 $0xFFFFFFC0  }
0x39: {  	[tilespmem:s13], [sflag:$0x2] =	stream.linear.gather [hbm4b:s8+s3], $0x4000, $0x38;
	[tilespmem:$0x1C200] =	vst v63  }
0x3a: {  	v3 =	vld [tilespmem:$0x0];
	_ =	sdelay $0x4  }
0x3b: {  	v4 =	vshll.u32 v3, $0x3  }
0x3c: {  	v3 =	vand.u32 $0x7, v3;
	v4 =	vand.u32 $0xFFFFFFC0, v4  }
0x3d: {  	v3 =	vor.u32 v3, v4  }
0x3e: {  	v4 =	vperm.xlane v3, v0;
	_ =	sdelay $0x1  }
0x3f: {  	v4 =	vadd.s32 v1, v4;
	_ =	sdelay $0x4  }
0x40: {  	[tilespmem:s6], [sflag:$0x4] =	stream.indirect_vreg.gather [hbm4b:s2+s3], $0x80, v4, vm0, $0xb8;
	[tilespmem:$0x1C200] =	vst v63  }
0x41: {  	s14 =	simm.s32 $0x8A00;
	v3 =	vperm.xlane v3, v2  }
0x42: {  	[tilespmem:s14], [sflag:$0x4] =	stream.indirect_vreg.gather [hbm4b:s9+s3], $0x80, v4, vm0, $0xb8;
	[tilespmem:$0x1C200] =	vst v63  }
0x43: {  	s15 =	simm.s32 $0x9200;
	v3 =	vadd.s32 v1, v3  }
0x44: {  	[tilespmem:s15], [sflag:$0x4] =	stream.indirect_vreg.gather [hbm4b:s10+s3], $0x80, v4, vm0, $0xb8;
	[tilespmem:$0x1C200] =	vst v63  }
0x45: {  	s7 =	simm.s32 $0x9A00  }
0x46: {  	[tilespmem:s7], [sflag:$0x4] =	stream.indirect_vreg.gather [hbm4b:s12+s3], $0x80, v4, vm0, $0xb8;
	[tilespmem:$0x1C200] =	vst v63  }
0x47: {  	s8 =	simm.s32 $0xA200  }
0x48: {  	[tilespmem:s8], [sflag:$0x4] =	stream.indirect_vreg.gather [hbm4b:s2+s3], $0x80, v3, vm0, $0xb8;
	[tilespmem:$0x1C200] =	vst v63  }
0x49: {  	s13 =	simm.s32 $0xAA00  }
0x4a: {  	[tilespmem:s13], [sflag:$0x4] =	stream.indirect_vreg.gather [hbm4b:s9+s3], $0x80, v3, vm0, $0xb8;
	[tilespmem:$0x1C200] =	vst v63  }
0x4b: {  	s14 =	simm.s32 $0xB200  }
0x4c: {  	[tilespmem:s14], [sflag:$0x4] =	stream.indirect_vreg.gather [hbm4b:s10+s3], $0x80, v3, vm0, $0xb8;
	[tilespmem:$0x1C200] =	vst v63  }
0x4d: {  	_ = 	snop  }
0x4e: {  	[tilespmem:s16], [sflag:$0x4] =	stream.indirect_vreg.gather [hbm4b:s12+s3], $0x80, v3, vm0, $0xb8;
	[tilespmem:$0x1C200] =	vst v63  }
0x4f: {  	v3 =	vld [tilespmem:$0x80];
	_ =	sdelay $0x4  }
0x50: {  	v4 =	vshll.u32 v3, $0x3  }
0x51: {  	v3 =	vand.u32 $0x7, v3;
	v4 =	vand.u32 $0xFFFFFFC0, v4  }
0x52: {  	v3 =	vor.u32 v3, v4  }
0x53: {  	v4 =	vperm.xlane v3, v0;
	_ =	sdelay $0x1  }
0x54: {  	v4 =	vadd.s32 v1, v4;
	_ =	sdelay $0x4  }
0x55: {  	[tilespmem:s17], [sflag:$0x5] =	stream.indirect_vreg.gather [hbm4b:s2+s3], $0x80, v4, vm0, $0xb8;
	[tilespmem:$0x1C200] =	vst v63  }
0x56: {  	s15 =	simm.s32 $0xCA00;
	v3 =	vperm.xlane v3, v2  }
0x57: {  	[tilespmem:s15], [sflag:$0x5] =	stream.indirect_vreg.gather [hbm4b:s9+s3], $0x80, v4, vm0, $0xb8;
	[tilespmem:$0x1C200] =	vst v63  }
0x58: {  	s7 =	simm.s32 $0xD200;
	v3 =	vadd.s32 v1, v3  }
0x59: {  	[tilespmem:s7], [sflag:$0x5] =	stream.indirect_vreg.gather [hbm4b:s10+s3], $0x80, v4, vm0, $0xb8;
	[tilespmem:$0x1C200] =	vst v63  }
0x5a: {  	s8 =	simm.s32 $0xDA00  }
0x5b: {  	[tilespmem:s8], [sflag:$0x5] =	stream.indirect_vreg.gather [hbm4b:s12+s3], $0x80, v4, vm0, $0xb8;
	[tilespmem:$0x1C200] =	vst v63  }
0x5c: {  	s13 =	simm.s32 $0xE200  }
0x5d: {  	[tilespmem:s13], [sflag:$0x5] =	stream.indirect_vreg.gather [hbm4b:s2+s3], $0x80, v3, vm0, $0xb8;
	[tilespmem:$0x1C200] =	vst v63  }
0x5e: {  	s14 =	simm.s32 $0xEA00  }
0x5f: {  	[tilespmem:s14], [sflag:$0x5] =	stream.indirect_vreg.gather [hbm4b:s9+s3], $0x80, v3, vm0, $0xb8;
	[tilespmem:$0x1C200] =	vst v63  }
0x60: {  	s15 =	simm.s32 $0xF200  }
0x61: {  	[tilespmem:s15], [sflag:$0x5] =	stream.indirect_vreg.gather [hbm4b:s10+s3], $0x80, v3, vm0, $0xb8;
	[tilespmem:$0x1C200] =	vst v63  }
0x62: {  	s7 =	simm.s32 $0xFA00  }
0x63: {  	[tilespmem:s7], [sflag:$0x5] =	stream.indirect_vreg.gather [hbm4b:s12+s3], $0x80, v3, vm0, $0xb8;
	[tilespmem:$0x1C200] =	vst v63  }
0x64: {  	v3 =	vld [tilespmem:$0x100];
	_ =	sdelay $0x4  }
0x65: {  	v4 =	vshll.u32 v3, $0x3  }
0x66: {  	v3 =	vand.u32 $0x7, v3;
	v4 =	vand.u32 $0xFFFFFFC0, v4  }
0x67: {  	v3 =	vor.u32 v3, v4  }
0x68: {  	v4 =	vperm.xlane v3, v0;
	_ =	sdelay $0x1  }
0x69: {  	v4 =	vadd.s32 v1, v4;
	_ =	sdelay $0x4  }
0x6a: {  	[tilespmem:s25], [sflag:$0x6] =	stream.indirect_vreg.gather [hbm4b:s2+s3], $0x80, v4, vm0, $0xb8;
	[tilespmem:$0x1C200] =	vst v63  }
0x6b: {  	s8 =	simm.s32 $0x10A00;
	v3 =	vperm.xlane v3, v2  }
0x6c: {  	[tilespmem:s8], [sflag:$0x6] =	stream.indirect_vreg.gather [hbm4b:s9+s3], $0x80, v4, vm0, $0xb8;
	[tilespmem:$0x1C200] =	vst v63  }
0x6d: {  	s13 =	simm.s32 $0x11200;
	v3 =	vadd.s32 v1, v3  }
0x6e: {  	[tilespmem:s13], [sflag:$0x6] =	stream.indirect_vreg.gather [hbm4b:s10+s3], $0x80, v4, vm0, $0xb8;
	[tilespmem:$0x1C200] =	vst v63  }
0x6f: {  	s14 =	simm.s32 $0x11A00  }
0x70: {  	[tilespmem:s14], [sflag:$0x6] =	stream.indirect_vreg.gather [hbm4b:s12+s3], $0x80, v4, vm0, $0xb8;
	[tilespmem:$0x1C200] =	vst v63  }
0x71: {  	s15 =	simm.s32 $0x12200  }
0x72: {  	[tilespmem:s15], [sflag:$0x6] =	stream.indirect_vreg.gather [hbm4b:s2+s3], $0x80, v3, vm0, $0xb8;
	[tilespmem:$0x1C200] =	vst v63  }
0x73: {  	s7 =	simm.s32 $0x12A00  }
0x74: {  	[tilespmem:s7], [sflag:$0x6] =	stream.indirect_vreg.gather [hbm4b:s9+s3], $0x80, v3, vm0, $0xb8;
	[tilespmem:$0x1C200] =	vst v63  }
0x75: {  	s8 =	simm.s32 $0x13200  }
0x76: {  	[tilespmem:s8], [sflag:$0x6] =	stream.indirect_vreg.gather [hbm4b:s10+s3], $0x80, v3, vm0, $0xb8;
	[tilespmem:$0x1C200] =	vst v63  }
0x77: {  	s13 =	simm.s32 $0x13A00  }
0x78: {  	[tilespmem:s13], [sflag:$0x6] =	stream.indirect_vreg.gather [hbm4b:s12+s3], $0x80, v3, vm0, $0xb8;
	[tilespmem:$0x1C200] =	vst v63  }
0x79: {  	v3 =	vld [tilespmem:$0x180];
	_ =	sdelay $0x4  }
0x7a: {  	v4 =	vshll.u32 v3, $0x3  }
0x7b: {  	v3 =	vand.u32 $0x7, v3;
	v4 =	vand.u32 $0xFFFFFFC0, v4  }
0x7c: {  	v3 =	vor.u32 v3, v4  }
0x7d: {  	v4 =	vperm.xlane v3, v0;
	_ =	sdelay $0x1  }
0x7e: {  	v4 =	vadd.s32 v1, v4;
	_ =	sdelay $0x4  }
0x7f: {  	[tilespmem:s11], [sflag:$0x7] =	stream.indirect_vreg.gather [hbm4b:s2+s3], $0x80, v4, vm0, $0xb8;
	[tilespmem:$0x1C200] =	vst v63  }
0x80: {  	s14 =	simm.s32 $0x14A00;
	v3 =	vperm.xlane v3, v2  }
0x81: {  	[tilespmem:s14], [sflag:$0x7] =	stream.indirect_vreg.gather [hbm4b:s9+s3], $0x80, v4, vm0, $0xb8;
	[tilespmem:$0x1C200] =	vst v63  }
0x82: {  	s15 =	simm.s32 $0x15200;
	v3 =	vadd.s32 v1, v3  }
0x83: {  	[tilespmem:s15], [sflag:$0x7] =	stream.indirect_vreg.gather [hbm4b:s10+s3], $0x80, v4, vm0, $0xb8;
	[tilespmem:$0x1C200] =	vst v63  }
0x84: {  	s7 =	simm.s32 $0x15A00  }
0x85: {  	[tilespmem:s7], [sflag:$0x7] =	stream.indirect_vreg.gather [hbm4b:s12+s3], $0x80, v4, vm0, $0xb8;
	[tilespmem:$0x1C200] =	vst v63  }
0x86: {  	s8 =	simm.s32 $0x16200  }
0x87: {  	[tilespmem:s8], [sflag:$0x7] =	stream.indirect_vreg.gather [hbm4b:s2+s3], $0x80, v3, vm0, $0xb8;
	[tilespmem:$0x1C200] =	vst v63  }
0x88: {  	s13 =	simm.s32 $0x16A00  }
0x89: {  	[tilespmem:s13], [sflag:$0x7] =	stream.indirect_vreg.gather [hbm4b:s9+s3], $0x80, v3, vm0, $0xb8;
	[tilespmem:$0x1C200] =	vst v63  }
0x8a: {  	s14 =	simm.s32 $0x17200  }
0x8b: {  	[tilespmem:s14], [sflag:$0x7] =	stream.indirect_vreg.gather [hbm4b:s10+s3], $0x80, v3, vm0, $0xb8;
	[tilespmem:$0x1C200] =	vst v63  }
0x8c: {  	s15 =	simm.s32 $0x17A00  }
0x8d: {  	[tilespmem:s15], [sflag:$0x7] =	stream.indirect_vreg.gather [hbm4b:s12+s3], $0x80, v3, vm0, $0xb8;
	[tilespmem:$0x1C200] =	vst v63  }
0x8e: {  	_ =	swait.ge [sflag:s26], $0x4000  }
0x8f: {  	s8 =	simm.s32 $0x4200;
	s13 =	simm.s32 $0x0;
	[sflag:s26] =	ssyncset.done $0x0  }
0x90: {  	s5 =	sand.u32 $0x2000, s13;
	s7 =	rddreg [dreg:$0xb];
	[sflag:s26] =	ssyncadd.s32 $0xFFFFC000  }
0x91: {  	[tilespmem:s8], [sflag:$0x3] =	stream.linear.gather [hbm4b:s7+s3], $0x4000, $0x38;
	[tilespmem:$0x1C200] =	vst v63  }
0x92: {  	s14 =	sand.u32 $0x1C00, s3;
	s8 =	simm.s32 $0x0;
	_ =	swait.ge [sflag:s28], $0x4000  }
0x93: {  	s5 =	sor.u32 s14, s5;
	s15 =	sand.u32 $0x380, s8;
	[sflag:s28] =	ssyncset.done $0x0  }
0x94: {  	s7 =	sor.u32 s15, s5;
	[sflag:s28] =	ssyncadd.s32 $0xFFFFC000  }
0x95: {  	v3 =	vld [tilespmem:s7+$0x270]  }
0x96: {  	v8 =	vld [tilespmem:s7+$0x200]  }
0x97: {  	v9 =	vld [tilespmem:s7+$0x210]  }
0x98: {  	v7 =	vld [tilespmem:s7+$0x220]  }
0x99: {  	v6 =	vld [tilespmem:s7+$0x230]  }
0x9a: {  	v5 =	vld [tilespmem:s7+$0x240]  }
0x9b: {  	v4 =	vld [tilespmem:s7+$0x260]  }
0x9c: {  	[tilespmem:s7+$0x8270] =	vst.add.f32.msk $0xffff, v3  }
0x9d: {  	v3 =	vld [tilespmem:s7+$0x250]  }
0x9e: {  	[tilespmem:s7+$0x8200] =	vst.add.f32.msk $0xffff, v8  }
0x9f: {  	s8 =	simm.s32 $0x0;
	s5 =	simm.s32 $0x0;
	[tilespmem:s7+$0x8210] =	vst.add.f32.msk $0xffff, v9  }
.LBB2_2:
0xa0: {  	s8 =	sadd.s32 $0x8, s8;
	[tilespmem:s7+$0x8220] =	vst.add.f32.msk $0xffff, v7  }
0xa1: {  	s5 =	sadd.s32 $0x400, s5;
	s13 =	sshll.u32 s8, $0x4;
	p0 =	slt.u32 s8, $0x3F8;
	[tilespmem:s7+$0x8230] =	vst.add.f32.msk $0xffff, v6  }
0xa2: {  	s14 =	sand.u32 $0x1C00, s5;
	s15 =	sshll.u32 s8, $0x1;
	s13 =	sand.u32 $0x2000, s13;
	[tilespmem:s7+$0x8240] =	vst.add.f32.msk $0xffff, v5  }
0xa3: {  	s13 =	sor.u32 s14, s13;
	s14 =	sand.u32 $0x380, s15;
	[tilespmem:s7+$0x8250] =	vst.add.f32.msk $0xffff, v3  }
0xa4: {  	[tilespmem:s7+$0x8260] =	vst.add.f32.msk $0xffff, v4;
	s7 =	sor.u32 s14, s13  }
0xa5: {  	v3 =	vld [tilespmem:s7+$0x270]  }
0xa6: {  	v8 =	vld [tilespmem:s7+$0x200]  }
0xa7: {  	v9 =	vld [tilespmem:s7+$0x210]  }
0xa8: {  	v7 =	vld [tilespmem:s7+$0x220]  }
0xa9: {  	v6 =	vld [tilespmem:s7+$0x230]  }
0xaa: {  	[tilespmem:s7+$0x8270] =	vst.add.f32.msk $0xffff, v3  }
.Ltmp0:
0xab: {  	v5 =	vld [tilespmem:s7+$0x240];
	(pc) =	sbr.rel @p0 .LBB2_2-.Ltmp0, $4  }
0xac: {  	v3 =	vld [tilespmem:s7+$0x250]  }
0xad: {  	v4 =	vld [tilespmem:s7+$0x260]  }
0xae: {  	[tilespmem:s7+$0x8200] =	vst.add.f32.msk $0xffff, v8  }
0xaf: {  	[tilespmem:s7+$0x8210] =	vst.add.f32.msk $0xffff, v9  }
0xb0: {  	[tilespmem:s7+$0x8220] =	vst.add.f32.msk $0xffff, v7  }
0xb1: {  	[tilespmem:s7+$0x8230] =	vst.add.f32.msk $0xffff, v6  }
0xb2: {  	[tilespmem:s7+$0x8240] =	vst.add.f32.msk $0xffff, v5  }
0xb3: {  	[tilespmem:s7+$0x8250] =	vst.add.f32.msk $0xffff, v3  }
0xb4: {  	[tilespmem:s7+$0x8260] =	vst.add.f32.msk $0xffff, v4  }
0xb5: {  	s7 =	simm.s32 $0x0;
	s5 =	rddreg [dreg:$0xa]  }
0xb6: {  	[hbm4b:s5+s7] =	stream.linear.scatter [tilespmem:s6], [sflag:$0x9], $0x4000, $0x38;
	[tilespmem:$0x1C200] =	vst v63  }
0xb7: {  	v3 =	vld [tilespmem:$0x10];
	_ =	sdelay $0x4  }
0xb8: {  	v4 =	vshll.u32 v3, $0x3  }
0xb9: {  	v3 =	vand.u32 $0x7, v3;
	v4 =	vand.u32 $0xFFFFFFC0, v4  }
0xba: {  	v3 =	vor.u32 v3, v4  }
0xbb: {  	v4 =	vperm.xlane v3, v0;
	_ =	sdelay $0x1  }
0xbc: {  	v4 =	vadd.s32 v1, v4;
	_ =	sdelay $0x4  }
0xbd: {  	[tilespmem:s29], [sflag:$0x8] =	stream.indirect_vreg.gather [hbm4b:s2+s7], $0x80, v4, vm0, $0xb8;
	[tilespmem:$0x1C200] =	vst v63  }
0xbe: {  	s15 =	simm.s32 $0x18A00;
	v3 =	vperm.xlane v3, v2  }
0xbf: {  	[tilespmem:s15], [sflag:$0x8] =	stream.indirect_vreg.gather [hbm4b:s9+s7], $0x80, v4, vm0, $0xb8;
	[tilespmem:$0x1C200] =	vst v63  }
0xc0: {  	s8 =	simm.s32 $0x19200;
	v3 =	vadd.s32 v1, v3  }
0xc1: {  	[tilespmem:s8], [sflag:$0x8] =	stream.indirect_vreg.gather [hbm4b:s10+s7], $0x80, v4, vm0, $0xb8;
	[tilespmem:$0x1C200] =	vst v63  }
0xc2: {  	s13 =	simm.s32 $0x19A00  }
0xc3: {  	[tilespmem:s13], [sflag:$0x8] =	stream.indirect_vreg.gather [hbm4b:s12+s7], $0x80, v4, vm0, $0xb8;
	[tilespmem:$0x1C200] =	vst v63  }
0xc4: {  	s14 =	simm.s32 $0x1A200  }
0xc5: {  	[tilespmem:s14], [sflag:$0x8] =	stream.indirect_vreg.gather [hbm4b:s2+s7], $0x80, v3, vm0, $0xb8;
	[tilespmem:$0x1C200] =	vst v63  }
0xc6: {  	s15 =	simm.s32 $0x1AA00  }
0xc7: {  	[tilespmem:s15], [sflag:$0x8] =	stream.indirect_vreg.gather [hbm4b:s9+s7], $0x80, v3, vm0, $0xb8;
	[tilespmem:$0x1C200] =	vst v63  }
0xc8: {  	s8 =	simm.s32 $0x1B200;
	s14 =	simm.s32 $0x0  }
0xc9: {  	[tilespmem:s8], [sflag:$0x8] =	stream.indirect_vreg.gather [hbm4b:s10+s7], $0x80, v3, vm0, $0xb8;
	[tilespmem:$0x1C200] =	vst v63  }
0xca: {  	s13 =	simm.s32 $0x1BA00;
	s5 =	sand.u32 $0x2000, s14  }
0xcb: {  	[tilespmem:s13], [sflag:$0x8] =	stream.indirect_vreg.gather [hbm4b:s12+s7], $0x80, v3, vm0, $0xb8;
	[tilespmem:$0x1C200] =	vst v63  }
0xcc: {  	s8 =	sand.u32 $0x1C00, s7;
	s13 =	simm.s32 $0x0;
	_ =	swait.ge [sflag:s21], $0x4000  }
0xcd: {  	s5 =	sor.u32 s8, s5;
	s15 =	sand.u32 $0x380, s13;
	[sflag:s21] =	ssyncset.done $0x0  }
0xce: {  	s8 =	sor.u32 s15, s5;
	[sflag:s21] =	ssyncadd.s32 $0xFFFFC000  }
0xcf: {  	v3 =	vld [tilespmem:s8+$0x270]  }
0xd0: {  	v8 =	vld [tilespmem:s8+$0x200]  }
0xd1: {  	v9 =	vld [tilespmem:s8+$0x210]  }
0xd2: {  	v7 =	vld [tilespmem:s8+$0x220]  }
0xd3: {  	v6 =	vld [tilespmem:s8+$0x230]  }
0xd4: {  	v5 =	vld [tilespmem:s8+$0x240]  }
0xd5: {  	v4 =	vld [tilespmem:s8+$0x260]  }
0xd6: {  	[tilespmem:s8+$0xC270] =	vst.add.f32.msk $0xffff, v3  }
0xd7: {  	v3 =	vld [tilespmem:s8+$0x250]  }
0xd8: {  	[tilespmem:s8+$0xC200] =	vst.add.f32.msk $0xffff, v8  }
0xd9: {  	s5 =	simm.s32 $0x0;
	[tilespmem:s8+$0xC210] =	vst.add.f32.msk $0xffff, v9  }
.LBB2_4:
0xda: {  	s5 =	sadd.s32 $0x8, s5;
	[tilespmem:s8+$0xC220] =	vst.add.f32.msk $0xffff, v7  }
0xdb: {  	s7 =	sadd.s32 $0x400, s7;
	s13 =	sshll.u32 s5, $0x4;
	p0 =	slt.u32 s5, $0x3F8;
	[tilespmem:s8+$0xC230] =	vst.add.f32.msk $0xffff, v6  }
0xdc: {  	s14 =	sand.u32 $0x1C00, s7;
	s15 =	sshll.u32 s5, $0x1;
	s13 =	sand.u32 $0x2000, s13;
	[tilespmem:s8+$0xC240] =	vst.add.f32.msk $0xffff, v5  }
0xdd: {  	s13 =	sor.u32 s14, s13;
	s14 =	sand.u32 $0x380, s15;
	[tilespmem:s8+$0xC250] =	vst.add.f32.msk $0xffff, v3  }
0xde: {  	[tilespmem:s8+$0xC260] =	vst.add.f32.msk $0xffff, v4;
	s8 =	sor.u32 s14, s13  }
0xdf: {  	v3 =	vld [tilespmem:s8+$0x270]  }
0xe0: {  	v8 =	vld [tilespmem:s8+$0x200]  }
0xe1: {  	v9 =	vld [tilespmem:s8+$0x210]  }
0xe2: {  	v7 =	vld [tilespmem:s8+$0x220]  }
0xe3: {  	v6 =	vld [tilespmem:s8+$0x230]  }
0xe4: {  	[tilespmem:s8+$0xC270] =	vst.add.f32.msk $0xffff, v3  }
.Ltmp1:
0xe5: {  	v5 =	vld [tilespmem:s8+$0x240];
	(pc) =	sbr.rel @p0 .LBB2_4-.Ltmp1, $4  }
0xe6: {  	v3 =	vld [tilespmem:s8+$0x250]  }
0xe7: {  	v4 =	vld [tilespmem:s8+$0x260]  }
0xe8: {  	[tilespmem:s8+$0xC200] =	vst.add.f32.msk $0xffff, v8  }
0xe9: {  	[tilespmem:s8+$0xC210] =	vst.add.f32.msk $0xffff, v9  }
0xea: {  	[tilespmem:s8+$0xC220] =	vst.add.f32.msk $0xffff, v7  }
0xeb: {  	[tilespmem:s8+$0xC230] =	vst.add.f32.msk $0xffff, v6  }
0xec: {  	[tilespmem:s8+$0xC240] =	vst.add.f32.msk $0xffff, v5  }
0xed: {  	[tilespmem:s8+$0xC250] =	vst.add.f32.msk $0xffff, v3  }
0xee: {  	[tilespmem:s8+$0xC260] =	vst.add.f32.msk $0xffff, v4  }
0xef: {  	s7 =	simm.s32 $0x0;
	s5 =	rddreg [dreg:$0xc]  }
0xf0: {  	[hbm4b:s5+s7] =	stream.linear.scatter [tilespmem:s17], [sflag:$0xA], $0x4000, $0x38;
	[tilespmem:$0x1C200] =	vst v63  }
0xf1: {  	_ =	swait.ge [sflag:s22], $0x4000  }
0xf2: {  	[sflag:s22] =	ssyncset.done $0x0  }
0xf3: {  	[sflag:s22] =	ssyncadd.s32 $0xFFFFC000  }
0xf4: {  	v3 =	vld [tilespmem:$0x90];
	_ =	sdelay $0x4  }
0xf5: {  	v4 =	vshll.u32 v3, $0x3  }
0xf6: {  	v3 =	vand.u32 $0x7, v3;
	v4 =	vand.u32 $0xFFFFFFC0, v4  }
0xf7: {  	v3 =	vor.u32 v3, v4  }
0xf8: {  	v4 =	vperm.xlane v3, v0;
	_ =	sdelay $0x1  }
0xf9: {  	v4 =	vadd.s32 v1, v4;
	_ =	sdelay $0x4  }
0xfa: {  	[tilespmem:s6], [sflag:$0x4] =	stream.indirect_vreg.gather [hbm4b:s2+s7], $0x80, v4, vm0, $0xb8;
	[tilespmem:$0x1C200] =	vst v63  }
0xfb: {  	s15 =	simm.s32 $0x8A00;
	v3 =	vperm.xlane v3, v2  }
0xfc: {  	[tilespmem:s15], [sflag:$0x4] =	stream.indirect_vreg.gather [hbm4b:s9+s7], $0x80, v4, vm0, $0xb8;
	[tilespmem:$0x1C200] =	vst v63  }
0xfd: {  	s8 =	simm.s32 $0x9200;
	v3 =	vadd.s32 v1, v3  }
0xfe: {  	[tilespmem:s8], [sflag:$0x4] =	stream.indirect_vreg.gather [hbm4b:s10+s7], $0x80, v4, vm0, $0xb8;
	[tilespmem:$0x1C200] =	vst v63  }
0xff: {  	s13 =	simm.s32 $0x9A00  }
0x100: {  	[tilespmem:s13], [sflag:$0x4] =	stream.indirect_vreg.gather [hbm4b:s12+s7], $0x80, v4, vm0, $0xb8;
	[tilespmem:$0x1C200] =	vst v63  }
0x101: {  	s14 =	simm.s32 $0xA200  }
0x102: {  	[tilespmem:s14], [sflag:$0x4] =	stream.indirect_vreg.gather [hbm4b:s2+s7], $0x80, v3, vm0, $0xb8;
	[tilespmem:$0x1C200] =	vst v63  }
0x103: {  	s15 =	simm.s32 $0xAA00  }
0x104: {  	[tilespmem:s15], [sflag:$0x4] =	stream.indirect_vreg.gather [hbm4b:s9+s7], $0x80, v3, vm0, $0xb8;
	[tilespmem:$0x1C200] =	vst v63  }
0x105: {  	s8 =	simm.s32 $0xB200;
	s13 =	simm.s32 $0x0  }
0x106: {  	[tilespmem:s8], [sflag:$0x4] =	stream.indirect_vreg.gather [hbm4b:s10+s7], $0x80, v3, vm0, $0xb8;
	[tilespmem:$0x1C200] =	vst v63  }
0x107: {  	s5 =	sand.u32 $0x2000, s13  }
0x108: {  	[tilespmem:s16], [sflag:$0x4] =	stream.indirect_vreg.gather [hbm4b:s12+s7], $0x80, v3, vm0, $0xb8;
	[tilespmem:$0x1C200] =	vst v63  }
0x109: {  	s13 =	simm.s32 $0x0;
	s14 =	sand.u32 $0x1C00, s7;
	_ =	swait.ge [sflag:s23], $0x4000  }
0x10a: {  	s5 =	sor.u32 s14, s5;
	s15 =	sand.u32 $0x380, s13;
	[sflag:s23] =	ssyncset.done $0x0  }
0x10b: {  	s8 =	sor.u32 s15, s5;
	[sflag:s23] =	ssyncadd.s32 $0xFFFFC000  }
0x10c: {  	v3 =	vld [tilespmem:s8+$0x270]  }
0x10d: {  	v8 =	vld [tilespmem:s8+$0x200]  }
0x10e: {  	v9 =	vld [tilespmem:s8+$0x210]  }
0x10f: {  	v7 =	vld [tilespmem:s8+$0x220]  }
0x110: {  	v6 =	vld [tilespmem:s8+$0x230]  }
0x111: {  	v5 =	vld [tilespmem:s8+$0x240]  }
0x112: {  	v4 =	vld [tilespmem:s8+$0x260]  }
0x113: {  	[tilespmem:s8+$0x10270] =	vst.add.f32.msk $0xffff, v3  }
0x114: {  	v3 =	vld [tilespmem:s8+$0x250]  }
0x115: {  	[tilespmem:s8+$0x10200] =	vst.add.f32.msk $0xffff, v8  }
0x116: {  	s5 =	simm.s32 $0x0;
	[tilespmem:s8+$0x10210] =	vst.add.f32.msk $0xffff, v9  }
.LBB2_6:
0x117: {  	s5 =	sadd.s32 $0x8, s5;
	[tilespmem:s8+$0x10220] =	vst.add.f32.msk $0xffff, v7  }
0x118: {  	s7 =	sadd.s32 $0x400, s7;
	s13 =	sshll.u32 s5, $0x4;
	p0 =	slt.u32 s5, $0x3F8;
	[tilespmem:s8+$0x10230] =	vst.add.f32.msk $0xffff, v6  }
0x119: {  	s14 =	sand.u32 $0x1C00, s7;
	s15 =	sshll.u32 s5, $0x1;
	s13 =	sand.u32 $0x2000, s13;
	[tilespmem:s8+$0x10240] =	vst.add.f32.msk $0xffff, v5  }
0x11a: {  	s13 =	sor.u32 s14, s13;
	s14 =	sand.u32 $0x380, s15;
	[tilespmem:s8+$0x10250] =	vst.add.f32.msk $0xffff, v3  }
0x11b: {  	[tilespmem:s8+$0x10260] =	vst.add.f32.msk $0xffff, v4;
	s8 =	sor.u32 s14, s13  }
0x11c: {  	v3 =	vld [tilespmem:s8+$0x270]  }
0x11d: {  	v8 =	vld [tilespmem:s8+$0x200]  }
0x11e: {  	v9 =	vld [tilespmem:s8+$0x210]  }
0x11f: {  	v7 =	vld [tilespmem:s8+$0x220]  }
0x120: {  	v6 =	vld [tilespmem:s8+$0x230]  }
0x121: {  	[tilespmem:s8+$0x10270] =	vst.add.f32.msk $0xffff, v3  }
.Ltmp2:
0x122: {  	v5 =	vld [tilespmem:s8+$0x240];
	(pc) =	sbr.rel @p0 .LBB2_6-.Ltmp2, $4  }
0x123: {  	v3 =	vld [tilespmem:s8+$0x250]  }
0x124: {  	v4 =	vld [tilespmem:s8+$0x260]  }
0x125: {  	[tilespmem:s8+$0x10200] =	vst.add.f32.msk $0xffff, v8  }
0x126: {  	[tilespmem:s8+$0x10210] =	vst.add.f32.msk $0xffff, v9  }
0x127: {  	[tilespmem:s8+$0x10220] =	vst.add.f32.msk $0xffff, v7  }
0x128: {  	[tilespmem:s8+$0x10230] =	vst.add.f32.msk $0xffff, v6  }
0x129: {  	[tilespmem:s8+$0x10240] =	vst.add.f32.msk $0xffff, v5  }
0x12a: {  	[tilespmem:s8+$0x10250] =	vst.add.f32.msk $0xffff, v3  }
0x12b: {  	[tilespmem:s8+$0x10260] =	vst.add.f32.msk $0xffff, v4  }
0x12c: {  	s7 =	simm.s32 $0x0;
	s5 =	rddreg [dreg:$0xd]  }
0x12d: {  	[hbm4b:s5+s7] =	stream.linear.scatter [tilespmem:s25], [sflag:$0xB], $0x4000, $0x38;
	[tilespmem:$0x1C200] =	vst v63  }
0x12e: {  	_ =	swait.ge [sflag:s24], $0x4000  }
0x12f: {  	[sflag:s24] =	ssyncset.done $0x0  }
0x130: {  	[sflag:s24] =	ssyncadd.s32 $0xFFFFC000  }
0x131: {  	v3 =	vld [tilespmem:$0x110];
	_ =	sdelay $0x4  }
0x132: {  	v4 =	vshll.u32 v3, $0x3  }
0x133: {  	v3 =	vand.u32 $0x7, v3;
	v4 =	vand.u32 $0xFFFFFFC0, v4  }
0x134: {  	v3 =	vor.u32 v3, v4  }
0x135: {  	v4 =	vperm.xlane v3, v0;
	_ =	sdelay $0x1  }
0x136: {  	v4 =	vadd.s32 v1, v4;
	_ =	sdelay $0x4  }
0x137: {  	[tilespmem:s17], [sflag:$0x5] =	stream.indirect_vreg.gather [hbm4b:s2+s7], $0x80, v4, vm0, $0xb8;
	[tilespmem:$0x1C200] =	vst v63  }
0x138: {  	s14 =	simm.s32 $0xCA00;
	v3 =	vperm.xlane v3, v2  }
0x139: {  	[tilespmem:s14], [sflag:$0x5] =	stream.indirect_vreg.gather [hbm4b:s9+s7], $0x80, v4, vm0, $0xb8;
	[tilespmem:$0x1C200] =	vst v63  }
0x13a: {  	s15 =	simm.s32 $0xD200;
	v3 =	vadd.s32 v1, v3  }
0x13b: {  	[tilespmem:s15], [sflag:$0x5] =	stream.indirect_vreg.gather [hbm4b:s10+s7], $0x80, v4, vm0, $0xb8;
	[tilespmem:$0x1C200] =	vst v63  }
0x13c: {  	s8 =	simm.s32 $0xDA00  }
0x13d: {  	[tilespmem:s8], [sflag:$0x5] =	stream.indirect_vreg.gather [hbm4b:s12+s7], $0x80, v4, vm0, $0xb8;
	[tilespmem:$0x1C200] =	vst v63  }
0x13e: {  	s13 =	simm.s32 $0xE200  }
0x13f: {  	[tilespmem:s13], [sflag:$0x5] =	stream.indirect_vreg.gather [hbm4b:s2+s7], $0x80, v3, vm0, $0xb8;
	[tilespmem:$0x1C200] =	vst v63  }
0x140: {  	s14 =	simm.s32 $0xEA00  }
0x141: {  	[tilespmem:s14], [sflag:$0x5] =	stream.indirect_vreg.gather [hbm4b:s9+s7], $0x80, v3, vm0, $0xb8;
	[tilespmem:$0x1C200] =	vst v63  }
0x142: {  	s15 =	simm.s32 $0xF200;
	s13 =	simm.s32 $0x0  }
0x143: {  	[tilespmem:s15], [sflag:$0x5] =	stream.indirect_vreg.gather [hbm4b:s10+s7], $0x80, v3, vm0, $0xb8;
	[tilespmem:$0x1C200] =	vst v63  }
0x144: {  	s8 =	simm.s32 $0xFA00;
	s5 =	sand.u32 $0x2000, s13  }
0x145: {  	[tilespmem:s8], [sflag:$0x5] =	stream.indirect_vreg.gather [hbm4b:s12+s7], $0x80, v3, vm0, $0xb8;
	[tilespmem:$0x1C200] =	vst v63  }
0x146: {  	s13 =	simm.s32 $0x0;
	s14 =	sand.u32 $0x1C00, s7;
	_ =	swait.ge [sflag:s30], $0x4000  }
0x147: {  	s5 =	sor.u32 s14, s5;
	s15 =	sand.u32 $0x380, s13;
	[sflag:s30] =	ssyncset.done $0x0  }
0x148: {  	s8 =	sor.u32 s15, s5;
	[sflag:s30] =	ssyncadd.s32 $0xFFFFC000  }
0x149: {  	v3 =	vld [tilespmem:s8+$0x270]  }
0x14a: {  	v8 =	vld [tilespmem:s8+$0x200]  }
0x14b: {  	v9 =	vld [tilespmem:s8+$0x210]  }
0x14c: {  	v7 =	vld [tilespmem:s8+$0x220]  }
0x14d: {  	v6 =	vld [tilespmem:s8+$0x230]  }
0x14e: {  	v5 =	vld [tilespmem:s8+$0x240]  }
0x14f: {  	v4 =	vld [tilespmem:s8+$0x260]  }
0x150: {  	[tilespmem:s8+$0x14270] =	vst.add.f32.msk $0xffff, v3  }
0x151: {  	v3 =	vld [tilespmem:s8+$0x250]  }
0x152: {  	[tilespmem:s8+$0x14200] =	vst.add.f32.msk $0xffff, v8  }
0x153: {  	s5 =	simm.s32 $0x0;
	[tilespmem:s8+$0x14210] =	vst.add.f32.msk $0xffff, v9  }
.LBB2_8:
0x154: {  	s5 =	sadd.s32 $0x8, s5;
	[tilespmem:s8+$0x14220] =	vst.add.f32.msk $0xffff, v7  }
0x155: {  	s7 =	sadd.s32 $0x400, s7;
	s13 =	sshll.u32 s5, $0x4;
	p0 =	slt.u32 s5, $0x3F8;
	[tilespmem:s8+$0x14230] =	vst.add.f32.msk $0xffff, v6  }
0x156: {  	s14 =	sand.u32 $0x1C00, s7;
	s15 =	sshll.u32 s5, $0x1;
	s13 =	sand.u32 $0x2000, s13;
	[tilespmem:s8+$0x14240] =	vst.add.f32.msk $0xffff, v5  }
0x157: {  	s13 =	sor.u32 s14, s13;
	s14 =	sand.u32 $0x380, s15;
	[tilespmem:s8+$0x14250] =	vst.add.f32.msk $0xffff, v3  }
0x158: {  	[tilespmem:s8+$0x14260] =	vst.add.f32.msk $0xffff, v4;
	s8 =	sor.u32 s14, s13  }
0x159: {  	v3 =	vld [tilespmem:s8+$0x270]  }
0x15a: {  	v8 =	vld [tilespmem:s8+$0x200]  }
0x15b: {  	v9 =	vld [tilespmem:s8+$0x210]  }
0x15c: {  	v7 =	vld [tilespmem:s8+$0x220]  }
0x15d: {  	v6 =	vld [tilespmem:s8+$0x230]  }
0x15e: {  	[tilespmem:s8+$0x14270] =	vst.add.f32.msk $0xffff, v3  }
.Ltmp3:
0x15f: {  	v5 =	vld [tilespmem:s8+$0x240];
	(pc) =	sbr.rel @p0 .LBB2_8-.Ltmp3, $4  }
0x160: {  	v3 =	vld [tilespmem:s8+$0x250]  }
0x161: {  	v4 =	vld [tilespmem:s8+$0x260]  }
0x162: {  	[tilespmem:s8+$0x14200] =	vst.add.f32.msk $0xffff, v8  }
0x163: {  	[tilespmem:s8+$0x14210] =	vst.add.f32.msk $0xffff, v9  }
0x164: {  	[tilespmem:s8+$0x14220] =	vst.add.f32.msk $0xffff, v7  }
0x165: {  	[tilespmem:s8+$0x14230] =	vst.add.f32.msk $0xffff, v6  }
0x166: {  	[tilespmem:s8+$0x14240] =	vst.add.f32.msk $0xffff, v5  }
0x167: {  	[tilespmem:s8+$0x14250] =	vst.add.f32.msk $0xffff, v3  }
0x168: {  	[tilespmem:s8+$0x14260] =	vst.add.f32.msk $0xffff, v4  }
0x169: {  	s7 =	simm.s32 $0x0;
	s5 =	rddreg [dreg:$0xe]  }
0x16a: {  	[hbm4b:s5+s7] =	stream.linear.scatter [tilespmem:s11], [sflag:$0xC], $0x4000, $0x38;
	[tilespmem:$0x1C200] =	vst v63  }
0x16b: {  	_ =	swait.ge [sflag:s31], $0x4000  }
0x16c: {  	[sflag:s31] =	ssyncset.done $0x0  }
0x16d: {  	[sflag:s31] =	ssyncadd.s32 $0xFFFFC000  }
0x16e: {  	v3 =	vld [tilespmem:$0x190];
	_ =	sdelay $0x4  }
0x16f: {  	v4 =	vshll.u32 v3, $0x3  }
0x170: {  	v3 =	vand.u32 $0x7, v3;
	v4 =	vand.u32 $0xFFFFFFC0, v4  }
0x171: {  	v3 =	vor.u32 v3, v4  }
0x172: {  	v4 =	vperm.xlane v3, v0;
	_ =	sdelay $0x1  }
0x173: {  	v4 =	vadd.s32 v1, v4;
	_ =	sdelay $0x4  }
0x174: {  	[tilespmem:s25], [sflag:$0x6] =	stream.indirect_vreg.gather [hbm4b:s2+s7], $0x80, v4, vm0, $0xb8;
	[tilespmem:$0x1C200] =	vst v63  }
0x175: {  	s15 =	simm.s32 $0x10A00;
	v3 =	vperm.xlane v3, v2  }
0x176: {  	[tilespmem:s15], [sflag:$0x6] =	stream.indirect_vreg.gather [hbm4b:s9+s7], $0x80, v4, vm0, $0xb8;
	[tilespmem:$0x1C200] =	vst v63  }
0x177: {  	s8 =	simm.s32 $0x11200;
	v3 =	vadd.s32 v1, v3  }
0x178: {  	[tilespmem:s8], [sflag:$0x6] =	stream.indirect_vreg.gather [hbm4b:s10+s7], $0x80, v4, vm0, $0xb8;
	[tilespmem:$0x1C200] =	vst v63  }
0x179: {  	s13 =	simm.s32 $0x11A00  }
0x17a: {  	[tilespmem:s13], [sflag:$0x6] =	stream.indirect_vreg.gather [hbm4b:s12+s7], $0x80, v4, vm0, $0xb8;
	[tilespmem:$0x1C200] =	vst v63  }
0x17b: {  	s14 =	simm.s32 $0x12200  }
0x17c: {  	[tilespmem:s14], [sflag:$0x6] =	stream.indirect_vreg.gather [hbm4b:s2+s7], $0x80, v3, vm0, $0xb8;
	[tilespmem:$0x1C200] =	vst v63  }
0x17d: {  	s15 =	simm.s32 $0x12A00  }
0x17e: {  	[tilespmem:s15], [sflag:$0x6] =	stream.indirect_vreg.gather [hbm4b:s9+s7], $0x80, v3, vm0, $0xb8;
	[tilespmem:$0x1C200] =	vst v63  }
0x17f: {  	s8 =	simm.s32 $0x13200  }
0x180: {  	[tilespmem:s8], [sflag:$0x6] =	stream.indirect_vreg.gather [hbm4b:s10+s7], $0x80, v3, vm0, $0xb8;
	[tilespmem:$0x1C200] =	vst v63  }
0x181: {  	s13 =	simm.s32 $0x13A00  }
0x182: {  	[tilespmem:s13], [sflag:$0x6] =	stream.indirect_vreg.gather [hbm4b:s12+s7], $0x80, v3, vm0, $0xb8;
	[tilespmem:$0x1C200] =	vst v63  }
0x183: {  	_ =	swait.ge [sflag:s1], $0x4000  }
0x184: {  	s15 =	simm.s32 $0x200;
	s13 =	simm.s32 $0x0;
	[sflag:s1] =	ssyncset.done $0x0  }
0x185: {  	s5 =	sand.u32 $0x2000, s13;
	s14 =	rddreg [dreg:$0xf];
	[sflag:s1] =	ssyncadd.s32 $0xFFFFC000  }
0x186: {  	[tilespmem:s15], [sflag:$0x2] =	stream.linear.gather [hbm4b:s14+s7], $0x4000, $0x38;
	[tilespmem:$0x1C200] =	vst v63  }
0x187: {  	s13 =	simm.s32 $0x0;
	s14 =	sand.u32 $0x1C00, s7;
	_ =	swait.ge [sflag:s4], $0x4000  }
0x188: {  	s15 =	sand.u32 $0x380, s13;
	s5 =	sor.u32 s14, s5;
	[sflag:s4] =	ssyncset.done $0x0  }
0x189: {  	s8 =	sor.u32 s15, s5;
	[sflag:s4] =	ssyncadd.s32 $0xFFFFC000  }
0x18a: {  	v3 =	vld [tilespmem:s8+$0x4270]  }
0x18b: {  	v8 =	vld [tilespmem:s8+$0x4200]  }
0x18c: {  	v9 =	vld [tilespmem:s8+$0x4210]  }
0x18d: {  	v7 =	vld [tilespmem:s8+$0x4220]  }
0x18e: {  	v6 =	vld [tilespmem:s8+$0x4230]  }
0x18f: {  	v5 =	vld [tilespmem:s8+$0x4240]  }
0x190: {  	v4 =	vld [tilespmem:s8+$0x4260]  }
0x191: {  	[tilespmem:s8+$0x18270] =	vst.add.f32.msk $0xffff, v3  }
0x192: {  	v3 =	vld [tilespmem:s8+$0x4250]  }
0x193: {  	[tilespmem:s8+$0x18200] =	vst.add.f32.msk $0xffff, v8  }
0x194: {  	s5 =	simm.s32 $0x0;
	[tilespmem:s8+$0x18210] =	vst.add.f32.msk $0xffff, v9  }
.LBB2_10:
0x195: {  	s5 =	sadd.s32 $0x8, s5;
	[tilespmem:s8+$0x18220] =	vst.add.f32.msk $0xffff, v7  }
0x196: {  	s7 =	sadd.s32 $0x400, s7;
	s13 =	sshll.u32 s5, $0x4;
	p0 =	slt.u32 s5, $0x3F8;
	[tilespmem:s8+$0x18230] =	vst.add.f32.msk $0xffff, v6  }
0x197: {  	s14 =	sand.u32 $0x1C00, s7;
	s15 =	sshll.u32 s5, $0x1;
	s13 =	sand.u32 $0x2000, s13;
	[tilespmem:s8+$0x18240] =	vst.add.f32.msk $0xffff, v5  }
0x198: {  	s13 =	sor.u32 s14, s13;
	s14 =	sand.u32 $0x380, s15;
	[tilespmem:s8+$0x18250] =	vst.add.f32.msk $0xffff, v3  }
0x199: {  	[tilespmem:s8+$0x18260] =	vst.add.f32.msk $0xffff, v4;
	s8 =	sor.u32 s14, s13  }
0x19a: {  	v3 =	vld [tilespmem:s8+$0x4270]  }
0x19b: {  	v8 =	vld [tilespmem:s8+$0x4200]  }
0x19c: {  	v9 =	vld [tilespmem:s8+$0x4210]  }
0x19d: {  	v7 =	vld [tilespmem:s8+$0x4220]  }
0x19e: {  	v6 =	vld [tilespmem:s8+$0x4230]  }
0x19f: {  	[tilespmem:s8+$0x18270] =	vst.add.f32.msk $0xffff, v3  }
.Ltmp4:
0x1a0: {  	v5 =	vld [tilespmem:s8+$0x4240];
	(pc) =	sbr.rel @p0 .LBB2_10-.Ltmp4, $4  }
0x1a1: {  	v3 =	vld [tilespmem:s8+$0x4250]  }
0x1a2: {  	v4 =	vld [tilespmem:s8+$0x4260]  }
0x1a3: {  	[tilespmem:s8+$0x18200] =	vst.add.f32.msk $0xffff, v8  }
0x1a4: {  	[tilespmem:s8+$0x18210] =	vst.add.f32.msk $0xffff, v9  }
0x1a5: {  	[tilespmem:s8+$0x18220] =	vst.add.f32.msk $0xffff, v7  }
0x1a6: {  	[tilespmem:s8+$0x18230] =	vst.add.f32.msk $0xffff, v6  }
0x1a7: {  	[tilespmem:s8+$0x18240] =	vst.add.f32.msk $0xffff, v5  }
0x1a8: {  	[tilespmem:s8+$0x18250] =	vst.add.f32.msk $0xffff, v3  }
0x1a9: {  	[tilespmem:s8+$0x18260] =	vst.add.f32.msk $0xffff, v4  }
0x1aa: {  	s7 =	simm.s32 $0x0;
	s5 =	rddreg [dreg:$0x10]  }
0x1ab: {  	[hbm4b:s5+s7] =	stream.linear.scatter [tilespmem:s29], [sflag:$0xD], $0x4000, $0x38;
	[tilespmem:$0x1C200] =	vst v63  }
0x1ac: {  	_ =	swait.ge [sflag:s18], $0x4000  }
0x1ad: {  	[sflag:s18] =	ssyncset.done $0x0  }
0x1ae: {  	[sflag:s18] =	ssyncadd.s32 $0xFFFFC000  }
0x1af: {  	v3 =	vld [tilespmem:$0x20];
	_ =	sdelay $0x4  }
0x1b0: {  	v4 =	vshll.u32 v3, $0x3  }
0x1b1: {  	v3 =	vand.u32 $0x7, v3;
	v4 =	vand.u32 $0xFFFFFFC0, v4  }
0x1b2: {  	v3 =	vor.u32 v3, v4  }
0x1b3: {  	v4 =	vperm.xlane v3, v0;
	_ =	sdelay $0x1  }
0x1b4: {  	v4 =	vadd.s32 v1, v4;
	_ =	sdelay $0x4  }
0x1b5: {  	[tilespmem:s11], [sflag:$0x7] =	stream.indirect_vreg.gather [hbm4b:s2+s7], $0x80, v4, vm0, $0xb8;
	[tilespmem:$0x1C200] =	vst v63  }
0x1b6: {  	s14 =	simm.s32 $0x14A00;
	v3 =	vperm.xlane v3, v2  }
0x1b7: {  	[tilespmem:s14], [sflag:$0x7] =	stream.indirect_vreg.gather [hbm4b:s9+s7], $0x80, v4, vm0, $0xb8;
	[tilespmem:$0x1C200] =	vst v63  }
0x1b8: {  	s15 =	simm.s32 $0x15200;
	v3 =	vadd.s32 v1, v3  }
0x1b9: {  	[tilespmem:s15], [sflag:$0x7] =	stream.indirect_vreg.gather [hbm4b:s10+s7], $0x80, v4, vm0, $0xb8;
	[tilespmem:$0x1C200] =	vst v63  }
0x1ba: {  	s8 =	simm.s32 $0x15A00  }
0x1bb: {  	[tilespmem:s8], [sflag:$0x7] =	stream.indirect_vreg.gather [hbm4b:s12+s7], $0x80, v4, vm0, $0xb8;
	[tilespmem:$0x1C200] =	vst v63  }
0x1bc: {  	s13 =	simm.s32 $0x16200  }
0x1bd: {  	[tilespmem:s13], [sflag:$0x7] =	stream.indirect_vreg.gather [hbm4b:s2+s7], $0x80, v3, vm0, $0xb8;
	[tilespmem:$0x1C200] =	vst v63  }
0x1be: {  	s14 =	simm.s32 $0x16A00  }
0x1bf: {  	[tilespmem:s14], [sflag:$0x7] =	stream.indirect_vreg.gather [hbm4b:s9+s7], $0x80, v3, vm0, $0xb8;
	[tilespmem:$0x1C200] =	vst v63  }
0x1c0: {  	s15 =	simm.s32 $0x17200;
	s13 =	simm.s32 $0x0  }
0x1c1: {  	[tilespmem:s15], [sflag:$0x7] =	stream.indirect_vreg.gather [hbm4b:s10+s7], $0x80, v3, vm0, $0xb8;
	[tilespmem:$0x1C200] =	vst v63  }
0x1c2: {  	s8 =	simm.s32 $0x17A00;
	s5 =	sand.u32 $0x2000, s13  }
0x1c3: {  	[tilespmem:s8], [sflag:$0x7] =	stream.indirect_vreg.gather [hbm4b:s12+s7], $0x80, v3, vm0, $0xb8;
	[tilespmem:$0x1C200] =	vst v63  }
0x1c4: {  	s13 =	simm.s32 $0x0;
	s14 =	sand.u32 $0x1C00, s7;
	_ =	swait.ge [sflag:s28], $0x4000  }
0x1c5: {  	s5 =	sor.u32 s14, s5;
	s15 =	sand.u32 $0x380, s13;
	[sflag:s28] =	ssyncset.done $0x0  }
0x1c6: {  	s8 =	sor.u32 s15, s5;
	[sflag:s28] =	ssyncadd.s32 $0xFFFFC000  }
0x1c7: {  	v3 =	vld [tilespmem:s8+$0x4270]  }
0x1c8: {  	v8 =	vld [tilespmem:s8+$0x4200]  }
0x1c9: {  	v9 =	vld [tilespmem:s8+$0x4210]  }
0x1ca: {  	v7 =	vld [tilespmem:s8+$0x4220]  }
0x1cb: {  	v6 =	vld [tilespmem:s8+$0x4230]  }
0x1cc: {  	v5 =	vld [tilespmem:s8+$0x4240]  }
0x1cd: {  	v4 =	vld [tilespmem:s8+$0x4260]  }
0x1ce: {  	[tilespmem:s8+$0x8270] =	vst.add.f32.msk $0xffff, v3  }
0x1cf: {  	v3 =	vld [tilespmem:s8+$0x4250]  }
0x1d0: {  	[tilespmem:s8+$0x8200] =	vst.add.f32.msk $0xffff, v8  }
0x1d1: {  	s5 =	simm.s32 $0x0;
	[tilespmem:s8+$0x8210] =	vst.add.f32.msk $0xffff, v9  }
.LBB2_12:
0x1d2: {  	s5 =	sadd.s32 $0x8, s5;
	[tilespmem:s8+$0x8220] =	vst.add.f32.msk $0xffff, v7  }
0x1d3: {  	s7 =	sadd.s32 $0x400, s7;
	s13 =	sshll.u32 s5, $0x4;
	p0 =	slt.u32 s5, $0x3F8;
	[tilespmem:s8+$0x8230] =	vst.add.f32.msk $0xffff, v6  }
0x1d4: {  	s14 =	sand.u32 $0x1C00, s7;
	s15 =	sshll.u32 s5, $0x1;
	s13 =	sand.u32 $0x2000, s13;
	[tilespmem:s8+$0x8240] =	vst.add.f32.msk $0xffff, v5  }
0x1d5: {  	s13 =	sor.u32 s14, s13;
	s14 =	sand.u32 $0x380, s15;
	[tilespmem:s8+$0x8250] =	vst.add.f32.msk $0xffff, v3  }
0x1d6: {  	[tilespmem:s8+$0x8260] =	vst.add.f32.msk $0xffff, v4;
	s8 =	sor.u32 s14, s13  }
0x1d7: {  	v3 =	vld [tilespmem:s8+$0x4270]  }
0x1d8: {  	v8 =	vld [tilespmem:s8+$0x4200]  }
0x1d9: {  	v9 =	vld [tilespmem:s8+$0x4210]  }
0x1da: {  	v7 =	vld [tilespmem:s8+$0x4220]  }
0x1db: {  	v6 =	vld [tilespmem:s8+$0x4230]  }
0x1dc: {  	[tilespmem:s8+$0x8270] =	vst.add.f32.msk $0xffff, v3  }
.Ltmp5:
0x1dd: {  	v5 =	vld [tilespmem:s8+$0x4240];
	(pc) =	sbr.rel @p0 .LBB2_12-.Ltmp5, $4  }
0x1de: {  	v3 =	vld [tilespmem:s8+$0x4250]  }
0x1df: {  	v4 =	vld [tilespmem:s8+$0x4260]  }
0x1e0: {  	[tilespmem:s8+$0x8200] =	vst.add.f32.msk $0xffff, v8  }
0x1e1: {  	[tilespmem:s8+$0x8210] =	vst.add.f32.msk $0xffff, v9  }
0x1e2: {  	[tilespmem:s8+$0x8220] =	vst.add.f32.msk $0xffff, v7  }
0x1e3: {  	[tilespmem:s8+$0x8230] =	vst.add.f32.msk $0xffff, v6  }
0x1e4: {  	[tilespmem:s8+$0x8240] =	vst.add.f32.msk $0xffff, v5  }
0x1e5: {  	[tilespmem:s8+$0x8250] =	vst.add.f32.msk $0xffff, v3  }
0x1e6: {  	[tilespmem:s8+$0x8260] =	vst.add.f32.msk $0xffff, v4  }
0x1e7: {  	s7 =	simm.s32 $0x0;
	s5 =	rddreg [dreg:$0x11]  }
0x1e8: {  	[hbm4b:s5+s7] =	stream.linear.scatter [tilespmem:s6], [sflag:$0x9], $0x4000, $0x38;
	[tilespmem:$0x1C200] =	vst v63  }
0x1e9: {  	_ =	swait.ge [sflag:s19], $0x4000  }
0x1ea: {  	[sflag:s19] =	ssyncset.done $0x0  }
0x1eb: {  	[sflag:s19] =	ssyncadd.s32 $0xFFFFC000  }
0x1ec: {  	v3 =	vld [tilespmem:$0xA0];
	_ =	sdelay $0x4  }
0x1ed: {  	v4 =	vshll.u32 v3, $0x3  }
0x1ee: {  	v3 =	vand.u32 $0x7, v3;
	v4 =	vand.u32 $0xFFFFFFC0, v4  }
0x1ef: {  	v3 =	vor.u32 v3, v4  }
0x1f0: {  	v4 =	vperm.xlane v3, v0;
	_ =	sdelay $0x1  }
0x1f1: {  	v4 =	vadd.s32 v1, v4;
	_ =	sdelay $0x4  }
0x1f2: {  	[tilespmem:s29], [sflag:$0x8] =	stream.indirect_vreg.gather [hbm4b:s2+s7], $0x80, v4, vm0, $0xb8;
	[tilespmem:$0x1C200] =	vst v63  }
0x1f3: {  	s14 =	simm.s32 $0x18A00;
	v3 =	vperm.xlane v3, v2  }
0x1f4: {  	[tilespmem:s14], [sflag:$0x8] =	stream.indirect_vreg.gather [hbm4b:s9+s7], $0x80, v4, vm0, $0xb8;
	[tilespmem:$0x1C200] =	vst v63  }
0x1f5: {  	s15 =	simm.s32 $0x19200;
	v3 =	vadd.s32 v1, v3  }
0x1f6: {  	[tilespmem:s15], [sflag:$0x8] =	stream.indirect_vreg.gather [hbm4b:s10+s7], $0x80, v4, vm0, $0xb8;
	[tilespmem:$0x1C200] =	vst v63  }
0x1f7: {  	s8 =	simm.s32 $0x19A00  }
0x1f8: {  	[tilespmem:s8], [sflag:$0x8] =	stream.indirect_vreg.gather [hbm4b:s12+s7], $0x80, v4, vm0, $0xb8;
	[tilespmem:$0x1C200] =	vst v63  }
0x1f9: {  	s13 =	simm.s32 $0x1A200  }
0x1fa: {  	[tilespmem:s13], [sflag:$0x8] =	stream.indirect_vreg.gather [hbm4b:s2+s7], $0x80, v3, vm0, $0xb8;
	[tilespmem:$0x1C200] =	vst v63  }
0x1fb: {  	s14 =	simm.s32 $0x1AA00  }
0x1fc: {  	[tilespmem:s14], [sflag:$0x8] =	stream.indirect_vreg.gather [hbm4b:s9+s7], $0x80, v3, vm0, $0xb8;
	[tilespmem:$0x1C200] =	vst v63  }
0x1fd: {  	s15 =	simm.s32 $0x1B200;
	s13 =	simm.s32 $0x0  }
0x1fe: {  	[tilespmem:s15], [sflag:$0x8] =	stream.indirect_vreg.gather [hbm4b:s10+s7], $0x80, v3, vm0, $0xb8;
	[tilespmem:$0x1C200] =	vst v63  }
0x1ff: {  	s8 =	simm.s32 $0x1BA00;
	s5 =	sand.u32 $0x2000, s13  }
0x200: {  	[tilespmem:s8], [sflag:$0x8] =	stream.indirect_vreg.gather [hbm4b:s12+s7], $0x80, v3, vm0, $0xb8;
	[tilespmem:$0x1C200] =	vst v63  }
0x201: {  	s13 =	simm.s32 $0x0;
	s14 =	sand.u32 $0x1C00, s7;
	_ =	swait.ge [sflag:s21], $0x4000  }
0x202: {  	s5 =	sor.u32 s14, s5;
	s15 =	sand.u32 $0x380, s13;
	[sflag:s21] =	ssyncset.done $0x0  }
0x203: {  	s8 =	sor.u32 s15, s5;
	[sflag:s21] =	ssyncadd.s32 $0xFFFFC000  }
0x204: {  	v3 =	vld [tilespmem:s8+$0x4270]  }
0x205: {  	v8 =	vld [tilespmem:s8+$0x4200]  }
0x206: {  	v9 =	vld [tilespmem:s8+$0x4210]  }
0x207: {  	v7 =	vld [tilespmem:s8+$0x4220]  }
0x208: {  	v6 =	vld [tilespmem:s8+$0x4230]  }
0x209: {  	v5 =	vld [tilespmem:s8+$0x4240]  }
0x20a: {  	v4 =	vld [tilespmem:s8+$0x4260]  }
0x20b: {  	[tilespmem:s8+$0xC270] =	vst.add.f32.msk $0xffff, v3  }
0x20c: {  	v3 =	vld [tilespmem:s8+$0x4250]  }
0x20d: {  	[tilespmem:s8+$0xC200] =	vst.add.f32.msk $0xffff, v8  }
0x20e: {  	s5 =	simm.s32 $0x0;
	[tilespmem:s8+$0xC210] =	vst.add.f32.msk $0xffff, v9  }
.LBB2_14:
0x20f: {  	s5 =	sadd.s32 $0x8, s5;
	[tilespmem:s8+$0xC220] =	vst.add.f32.msk $0xffff, v7  }
0x210: {  	s7 =	sadd.s32 $0x400, s7;
	s13 =	sshll.u32 s5, $0x4;
	p0 =	slt.u32 s5, $0x3F8;
	[tilespmem:s8+$0xC230] =	vst.add.f32.msk $0xffff, v6  }
0x211: {  	s14 =	sand.u32 $0x1C00, s7;
	s15 =	sshll.u32 s5, $0x1;
	s13 =	sand.u32 $0x2000, s13;
	[tilespmem:s8+$0xC240] =	vst.add.f32.msk $0xffff, v5  }
0x212: {  	s13 =	sor.u32 s14, s13;
	s14 =	sand.u32 $0x380, s15;
	[tilespmem:s8+$0xC250] =	vst.add.f32.msk $0xffff, v3  }
0x213: {  	[tilespmem:s8+$0xC260] =	vst.add.f32.msk $0xffff, v4;
	s8 =	sor.u32 s14, s13  }
0x214: {  	v3 =	vld [tilespmem:s8+$0x4270]  }
0x215: {  	v8 =	vld [tilespmem:s8+$0x4200]  }
0x216: {  	v9 =	vld [tilespmem:s8+$0x4210]  }
0x217: {  	v7 =	vld [tilespmem:s8+$0x4220]  }
0x218: {  	v6 =	vld [tilespmem:s8+$0x4230]  }
0x219: {  	[tilespmem:s8+$0xC270] =	vst.add.f32.msk $0xffff, v3  }
.Ltmp6:
0x21a: {  	v5 =	vld [tilespmem:s8+$0x4240];
	(pc) =	sbr.rel @p0 .LBB2_14-.Ltmp6, $4  }
0x21b: {  	v3 =	vld [tilespmem:s8+$0x4250]  }
0x21c: {  	v4 =	vld [tilespmem:s8+$0x4260]  }
0x21d: {  	[tilespmem:s8+$0xC200] =	vst.add.f32.msk $0xffff, v8  }
0x21e: {  	[tilespmem:s8+$0xC210] =	vst.add.f32.msk $0xffff, v9  }
0x21f: {  	[tilespmem:s8+$0xC220] =	vst.add.f32.msk $0xffff, v7  }
0x220: {  	[tilespmem:s8+$0xC230] =	vst.add.f32.msk $0xffff, v6  }
0x221: {  	[tilespmem:s8+$0xC240] =	vst.add.f32.msk $0xffff, v5  }
0x222: {  	[tilespmem:s8+$0xC250] =	vst.add.f32.msk $0xffff, v3  }
0x223: {  	[tilespmem:s8+$0xC260] =	vst.add.f32.msk $0xffff, v4  }
0x224: {  	s7 =	simm.s32 $0x0;
	s5 =	rddreg [dreg:$0x12]  }
0x225: {  	[hbm4b:s5+s7] =	stream.linear.scatter [tilespmem:s17], [sflag:$0xA], $0x4000, $0x38;
	[tilespmem:$0x1C200] =	vst v63  }
0x226: {  	_ =	swait.ge [sflag:s22], $0x4000  }
0x227: {  	[sflag:s22] =	ssyncset.done $0x0  }
0x228: {  	[sflag:s22] =	ssyncadd.s32 $0xFFFFC000  }
0x229: {  	v3 =	vld [tilespmem:$0x120];
	_ =	sdelay $0x4  }
0x22a: {  	v4 =	vshll.u32 v3, $0x3  }
0x22b: {  	v3 =	vand.u32 $0x7, v3;
	v4 =	vand.u32 $0xFFFFFFC0, v4  }
0x22c: {  	v3 =	vor.u32 v3, v4  }
0x22d: {  	v4 =	vperm.xlane v3, v0;
	_ =	sdelay $0x1  }
0x22e: {  	v4 =	vadd.s32 v1, v4;
	_ =	sdelay $0x4  }
0x22f: {  	[tilespmem:s6], [sflag:$0x4] =	stream.indirect_vreg.gather [hbm4b:s2+s7], $0x80, v4, vm0, $0xb8;
	[tilespmem:$0x1C200] =	vst v63  }
0x230: {  	s15 =	simm.s32 $0x8A00;
	v3 =	vperm.xlane v3, v2  }
0x231: {  	[tilespmem:s15], [sflag:$0x4] =	stream.indirect_vreg.gather [hbm4b:s9+s7], $0x80, v4, vm0, $0xb8;
	[tilespmem:$0x1C200] =	vst v63  }
0x232: {  	s8 =	simm.s32 $0x9200;
	v3 =	vadd.s32 v1, v3  }
0x233: {  	[tilespmem:s8], [sflag:$0x4] =	stream.indirect_vreg.gather [hbm4b:s10+s7], $0x80, v4, vm0, $0xb8;
	[tilespmem:$0x1C200] =	vst v63  }
0x234: {  	s13 =	simm.s32 $0x9A00  }
0x235: {  	[tilespmem:s13], [sflag:$0x4] =	stream.indirect_vreg.gather [hbm4b:s12+s7], $0x80, v4, vm0, $0xb8;
	[tilespmem:$0x1C200] =	vst v63  }
0x236: {  	s14 =	simm.s32 $0xA200  }
0x237: {  	[tilespmem:s14], [sflag:$0x4] =	stream.indirect_vreg.gather [hbm4b:s2+s7], $0x80, v3, vm0, $0xb8;
	[tilespmem:$0x1C200] =	vst v63  }
0x238: {  	s15 =	simm.s32 $0xAA00  }
0x239: {  	[tilespmem:s15], [sflag:$0x4] =	stream.indirect_vreg.gather [hbm4b:s9+s7], $0x80, v3, vm0, $0xb8;
	[tilespmem:$0x1C200] =	vst v63  }
0x23a: {  	s8 =	simm.s32 $0xB200;
	s13 =	simm.s32 $0x0  }
0x23b: {  	[tilespmem:s8], [sflag:$0x4] =	stream.indirect_vreg.gather [hbm4b:s10+s7], $0x80, v3, vm0, $0xb8;
	[tilespmem:$0x1C200] =	vst v63  }
0x23c: {  	s5 =	sand.u32 $0x2000, s13  }
0x23d: {  	[tilespmem:s16], [sflag:$0x4] =	stream.indirect_vreg.gather [hbm4b:s12+s7], $0x80, v3, vm0, $0xb8;
	[tilespmem:$0x1C200] =	vst v63  }
0x23e: {  	s13 =	simm.s32 $0x0;
	s14 =	sand.u32 $0x1C00, s7;
	_ =	swait.ge [sflag:s23], $0x4000  }
0x23f: {  	s5 =	sor.u32 s14, s5;
	s15 =	sand.u32 $0x380, s13;
	[sflag:s23] =	ssyncset.done $0x0  }
0x240: {  	s8 =	sor.u32 s15, s5;
	[sflag:s23] =	ssyncadd.s32 $0xFFFFC000  }
0x241: {  	v3 =	vld [tilespmem:s8+$0x4270]  }
0x242: {  	v8 =	vld [tilespmem:s8+$0x4200]  }
0x243: {  	v9 =	vld [tilespmem:s8+$0x4210]  }
0x244: {  	v7 =	vld [tilespmem:s8+$0x4220]  }
0x245: {  	v6 =	vld [tilespmem:s8+$0x4230]  }
0x246: {  	v5 =	vld [tilespmem:s8+$0x4240]  }
0x247: {  	v4 =	vld [tilespmem:s8+$0x4260]  }
0x248: {  	[tilespmem:s8+$0x10270] =	vst.add.f32.msk $0xffff, v3  }
0x249: {  	v3 =	vld [tilespmem:s8+$0x4250]  }
0x24a: {  	[tilespmem:s8+$0x10200] =	vst.add.f32.msk $0xffff, v8  }
0x24b: {  	s5 =	simm.s32 $0x0;
	[tilespmem:s8+$0x10210] =	vst.add.f32.msk $0xffff, v9  }
.LBB2_16:
0x24c: {  	s5 =	sadd.s32 $0x8, s5;
	[tilespmem:s8+$0x10220] =	vst.add.f32.msk $0xffff, v7  }
0x24d: {  	s7 =	sadd.s32 $0x400, s7;
	s13 =	sshll.u32 s5, $0x4;
	p0 =	slt.u32 s5, $0x3F8;
	[tilespmem:s8+$0x10230] =	vst.add.f32.msk $0xffff, v6  }
0x24e: {  	s14 =	sand.u32 $0x1C00, s7;
	s15 =	sshll.u32 s5, $0x1;
	s13 =	sand.u32 $0x2000, s13;
	[tilespmem:s8+$0x10240] =	vst.add.f32.msk $0xffff, v5  }
0x24f: {  	s13 =	sor.u32 s14, s13;
	s14 =	sand.u32 $0x380, s15;
	[tilespmem:s8+$0x10250] =	vst.add.f32.msk $0xffff, v3  }
0x250: {  	[tilespmem:s8+$0x10260] =	vst.add.f32.msk $0xffff, v4;
	s8 =	sor.u32 s14, s13  }
0x251: {  	v3 =	vld [tilespmem:s8+$0x4270]  }
0x252: {  	v8 =	vld [tilespmem:s8+$0x4200]  }
0x253: {  	v9 =	vld [tilespmem:s8+$0x4210]  }
0x254: {  	v7 =	vld [tilespmem:s8+$0x4220]  }
0x255: {  	v6 =	vld [tilespmem:s8+$0x4230]  }
0x256: {  	[tilespmem:s8+$0x10270] =	vst.add.f32.msk $0xffff, v3  }
.Ltmp7:
0x257: {  	v5 =	vld [tilespmem:s8+$0x4240];
	(pc) =	sbr.rel @p0 .LBB2_16-.Ltmp7, $4  }
0x258: {  	v3 =	vld [tilespmem:s8+$0x4250]  }
0x259: {  	v4 =	vld [tilespmem:s8+$0x4260]  }
0x25a: {  	[tilespmem:s8+$0x10200] =	vst.add.f32.msk $0xffff, v8  }
0x25b: {  	[tilespmem:s8+$0x10210] =	vst.add.f32.msk $0xffff, v9  }
0x25c: {  	[tilespmem:s8+$0x10220] =	vst.add.f32.msk $0xffff, v7  }
0x25d: {  	[tilespmem:s8+$0x10230] =	vst.add.f32.msk $0xffff, v6  }
0x25e: {  	[tilespmem:s8+$0x10240] =	vst.add.f32.msk $0xffff, v5  }
0x25f: {  	[tilespmem:s8+$0x10250] =	vst.add.f32.msk $0xffff, v3  }
0x260: {  	[tilespmem:s8+$0x10260] =	vst.add.f32.msk $0xffff, v4  }
0x261: {  	s7 =	simm.s32 $0x0;
	s5 =	rddreg [dreg:$0x16]  }
0x262: {  	[hbm4b:s5+s7] =	stream.linear.scatter [tilespmem:s25], [sflag:$0xB], $0x4000, $0x38;
	[tilespmem:$0x1C200] =	vst v63  }
0x263: {  	_ =	swait.ge [sflag:s24], $0x4000  }
0x264: {  	[sflag:s24] =	ssyncset.done $0x0  }
0x265: {  	[sflag:s24] =	ssyncadd.s32 $0xFFFFC000  }
0x266: {  	v3 =	vld [tilespmem:$0x1A0];
	_ =	sdelay $0x4  }
0x267: {  	v4 =	vshll.u32 v3, $0x3  }
0x268: {  	v3 =	vand.u32 $0x7, v3;
	v4 =	vand.u32 $0xFFFFFFC0, v4  }
0x269: {  	v3 =	vor.u32 v3, v4  }
0x26a: {  	v4 =	vperm.xlane v3, v0;
	_ =	sdelay $0x1  }
0x26b: {  	v4 =	vadd.s32 v1, v4;
	_ =	sdelay $0x4  }
0x26c: {  	[tilespmem:s17], [sflag:$0x5] =	stream.indirect_vreg.gather [hbm4b:s2+s7], $0x80, v4, vm0, $0xb8;
	[tilespmem:$0x1C200] =	vst v63  }
0x26d: {  	s15 =	simm.s32 $0xCA00;
	v3 =	vperm.xlane v3, v2  }
0x26e: {  	[tilespmem:s15], [sflag:$0x5] =	stream.indirect_vreg.gather [hbm4b:s9+s7], $0x80, v4, vm0, $0xb8;
	[tilespmem:$0x1C200] =	vst v63  }
0x26f: {  	s8 =	simm.s32 $0xD200;
	v3 =	vadd.s32 v1, v3  }
0x270: {  	[tilespmem:s8], [sflag:$0x5] =	stream.indirect_vreg.gather [hbm4b:s10+s7], $0x80, v4, vm0, $0xb8;
	[tilespmem:$0x1C200] =	vst v63  }
0x271: {  	s13 =	simm.s32 $0xDA00  }
0x272: {  	[tilespmem:s13], [sflag:$0x5] =	stream.indirect_vreg.gather [hbm4b:s12+s7], $0x80, v4, vm0, $0xb8;
	[tilespmem:$0x1C200] =	vst v63  }
0x273: {  	s14 =	simm.s32 $0xE200  }
0x274: {  	[tilespmem:s14], [sflag:$0x5] =	stream.indirect_vreg.gather [hbm4b:s2+s7], $0x80, v3, vm0, $0xb8;
	[tilespmem:$0x1C200] =	vst v63  }
0x275: {  	s15 =	simm.s32 $0xEA00  }
0x276: {  	[tilespmem:s15], [sflag:$0x5] =	stream.indirect_vreg.gather [hbm4b:s9+s7], $0x80, v3, vm0, $0xb8;
	[tilespmem:$0x1C200] =	vst v63  }
0x277: {  	s8 =	simm.s32 $0xF200  }
0x278: {  	[tilespmem:s8], [sflag:$0x5] =	stream.indirect_vreg.gather [hbm4b:s10+s7], $0x80, v3, vm0, $0xb8;
	[tilespmem:$0x1C200] =	vst v63  }
0x279: {  	s13 =	simm.s32 $0xFA00  }
0x27a: {  	[tilespmem:s13], [sflag:$0x5] =	stream.indirect_vreg.gather [hbm4b:s12+s7], $0x80, v3, vm0, $0xb8;
	[tilespmem:$0x1C200] =	vst v63  }
0x27b: {  	_ =	swait.ge [sflag:s26], $0x4000  }
0x27c: {  	s15 =	simm.s32 $0x4200;
	s13 =	simm.s32 $0x0;
	[sflag:s26] =	ssyncset.done $0x0  }
0x27d: {  	s5 =	sand.u32 $0x2000, s13;
	s14 =	rddreg [dreg:$0x13];
	[sflag:s26] =	ssyncadd.s32 $0xFFFFC000  }
0x27e: {  	[tilespmem:s15], [sflag:$0x3] =	stream.linear.gather [hbm4b:s14+s7], $0x4000, $0x38;
	[tilespmem:$0x1C200] =	vst v63  }
0x27f: {  	s13 =	simm.s32 $0x0;
	s14 =	sand.u32 $0x1C00, s7;
	_ =	swait.ge [sflag:s30], $0x4000  }
0x280: {  	s15 =	sand.u32 $0x380, s13;
	s5 =	sor.u32 s14, s5;
	[sflag:s30] =	ssyncset.done $0x0  }
0x281: {  	s8 =	sor.u32 s15, s5;
	[sflag:s30] =	ssyncadd.s32 $0xFFFFC000  }
0x282: {  	v3 =	vld [tilespmem:s8+$0x270]  }
0x283: {  	v8 =	vld [tilespmem:s8+$0x200]  }
0x284: {  	v9 =	vld [tilespmem:s8+$0x210]  }
0x285: {  	v7 =	vld [tilespmem:s8+$0x220]  }
0x286: {  	v6 =	vld [tilespmem:s8+$0x230]  }
0x287: {  	v5 =	vld [tilespmem:s8+$0x240]  }
0x288: {  	v4 =	vld [tilespmem:s8+$0x260]  }
0x289: {  	[tilespmem:s8+$0x14270] =	vst.add.f32.msk $0xffff, v3  }
0x28a: {  	v3 =	vld [tilespmem:s8+$0x250]  }
0x28b: {  	[tilespmem:s8+$0x14200] =	vst.add.f32.msk $0xffff, v8  }
0x28c: {  	s5 =	simm.s32 $0x0;
	[tilespmem:s8+$0x14210] =	vst.add.f32.msk $0xffff, v9  }
.LBB2_18:
0x28d: {  	s5 =	sadd.s32 $0x8, s5;
	[tilespmem:s8+$0x14220] =	vst.add.f32.msk $0xffff, v7  }
0x28e: {  	s7 =	sadd.s32 $0x400, s7;
	s13 =	sshll.u32 s5, $0x4;
	p0 =	slt.u32 s5, $0x3F8;
	[tilespmem:s8+$0x14230] =	vst.add.f32.msk $0xffff, v6  }
0x28f: {  	s14 =	sand.u32 $0x1C00, s7;
	s15 =	sshll.u32 s5, $0x1;
	s13 =	sand.u32 $0x2000, s13;
	[tilespmem:s8+$0x14240] =	vst.add.f32.msk $0xffff, v5  }
0x290: {  	s13 =	sor.u32 s14, s13;
	s14 =	sand.u32 $0x380, s15;
	[tilespmem:s8+$0x14250] =	vst.add.f32.msk $0xffff, v3  }
0x291: {  	[tilespmem:s8+$0x14260] =	vst.add.f32.msk $0xffff, v4;
	s8 =	sor.u32 s14, s13  }
0x292: {  	v3 =	vld [tilespmem:s8+$0x270]  }
0x293: {  	v8 =	vld [tilespmem:s8+$0x200]  }
0x294: {  	v9 =	vld [tilespmem:s8+$0x210]  }
0x295: {  	v7 =	vld [tilespmem:s8+$0x220]  }
0x296: {  	v6 =	vld [tilespmem:s8+$0x230]  }
0x297: {  	[tilespmem:s8+$0x14270] =	vst.add.f32.msk $0xffff, v3  }
.Ltmp8:
0x298: {  	v5 =	vld [tilespmem:s8+$0x240];
	(pc) =	sbr.rel @p0 .LBB2_18-.Ltmp8, $4  }
0x299: {  	v3 =	vld [tilespmem:s8+$0x250]  }
0x29a: {  	v4 =	vld [tilespmem:s8+$0x260]  }
0x29b: {  	[tilespmem:s8+$0x14200] =	vst.add.f32.msk $0xffff, v8  }
0x29c: {  	[tilespmem:s8+$0x14210] =	vst.add.f32.msk $0xffff, v9  }
0x29d: {  	[tilespmem:s8+$0x14220] =	vst.add.f32.msk $0xffff, v7  }
0x29e: {  	[tilespmem:s8+$0x14230] =	vst.add.f32.msk $0xffff, v6  }
0x29f: {  	[tilespmem:s8+$0x14240] =	vst.add.f32.msk $0xffff, v5  }
0x2a0: {  	[tilespmem:s8+$0x14250] =	vst.add.f32.msk $0xffff, v3  }
0x2a1: {  	[tilespmem:s8+$0x14260] =	vst.add.f32.msk $0xffff, v4  }
0x2a2: {  	s7 =	simm.s32 $0x0;
	s5 =	rddreg [dreg:$0x14]  }
0x2a3: {  	[hbm4b:s5+s7] =	stream.linear.scatter [tilespmem:s11], [sflag:$0xC], $0x4000, $0x38;
	[tilespmem:$0x1C200] =	vst v63  }
0x2a4: {  	_ =	swait.ge [sflag:s31], $0x4000  }
0x2a5: {  	[sflag:s31] =	ssyncset.done $0x0  }
0x2a6: {  	[sflag:s31] =	ssyncadd.s32 $0xFFFFC000  }
0x2a7: {  	v3 =	vld [tilespmem:$0x30];
	_ =	sdelay $0x4  }
0x2a8: {  	v4 =	vshll.u32 v3, $0x3  }
0x2a9: {  	v3 =	vand.u32 $0x7, v3;
	v4 =	vand.u32 $0xFFFFFFC0, v4  }
0x2aa: {  	v3 =	vor.u32 v3, v4  }
0x2ab: {  	v4 =	vperm.xlane v3, v0;
	_ =	sdelay $0x1  }
0x2ac: {  	v4 =	vadd.s32 v1, v4;
	_ =	sdelay $0x4  }
0x2ad: {  	[tilespmem:s25], [sflag:$0x6] =	stream.indirect_vreg.gather [hbm4b:s2+s7], $0x80, v4, vm0, $0xb8;
	[tilespmem:$0x1C200] =	vst v63  }
0x2ae: {  	s14 =	simm.s32 $0x10A00;
	v3 =	vperm.xlane v3, v2  }
0x2af: {  	[tilespmem:s14], [sflag:$0x6] =	stream.indirect_vreg.gather [hbm4b:s9+s7], $0x80, v4, vm0, $0xb8;
	[tilespmem:$0x1C200] =	vst v63  }
0x2b0: {  	s15 =	simm.s32 $0x11200;
	v3 =	vadd.s32 v1, v3  }
0x2b1: {  	[tilespmem:s15], [sflag:$0x6] =	stream.indirect_vreg.gather [hbm4b:s10+s7], $0x80, v4, vm0, $0xb8;
	[tilespmem:$0x1C200] =	vst v63  }
0x2b2: {  	s8 =	simm.s32 $0x11A00  }
0x2b3: {  	[tilespmem:s8], [sflag:$0x6] =	stream.indirect_vreg.gather [hbm4b:s12+s7], $0x80, v4, vm0, $0xb8;
	[tilespmem:$0x1C200] =	vst v63  }
0x2b4: {  	s13 =	simm.s32 $0x12200  }
0x2b5: {  	[tilespmem:s13], [sflag:$0x6] =	stream.indirect_vreg.gather [hbm4b:s2+s7], $0x80, v3, vm0, $0xb8;
	[tilespmem:$0x1C200] =	vst v63  }
0x2b6: {  	s14 =	simm.s32 $0x12A00  }
0x2b7: {  	[tilespmem:s14], [sflag:$0x6] =	stream.indirect_vreg.gather [hbm4b:s9+s7], $0x80, v3, vm0, $0xb8;
	[tilespmem:$0x1C200] =	vst v63  }
0x2b8: {  	s15 =	simm.s32 $0x13200;
	s13 =	simm.s32 $0x0  }
0x2b9: {  	[tilespmem:s15], [sflag:$0x6] =	stream.indirect_vreg.gather [hbm4b:s10+s7], $0x80, v3, vm0, $0xb8;
	[tilespmem:$0x1C200] =	vst v63  }
0x2ba: {  	s8 =	simm.s32 $0x13A00;
	s5 =	sand.u32 $0x2000, s13  }
0x2bb: {  	[tilespmem:s8], [sflag:$0x6] =	stream.indirect_vreg.gather [hbm4b:s12+s7], $0x80, v3, vm0, $0xb8;
	[tilespmem:$0x1C200] =	vst v63  }
0x2bc: {  	s13 =	simm.s32 $0x0;
	s14 =	sand.u32 $0x1C00, s7;
	_ =	swait.ge [sflag:s4], $0x4000  }
0x2bd: {  	s5 =	sor.u32 s14, s5;
	s15 =	sand.u32 $0x380, s13;
	[sflag:s4] =	ssyncset.done $0x0  }
0x2be: {  	s8 =	sor.u32 s15, s5;
	[sflag:s4] =	ssyncadd.s32 $0xFFFFC000  }
0x2bf: {  	v3 =	vld [tilespmem:s8+$0x270]  }
0x2c0: {  	v8 =	vld [tilespmem:s8+$0x200]  }
0x2c1: {  	v9 =	vld [tilespmem:s8+$0x210]  }
0x2c2: {  	v7 =	vld [tilespmem:s8+$0x220]  }
0x2c3: {  	v6 =	vld [tilespmem:s8+$0x230]  }
0x2c4: {  	v5 =	vld [tilespmem:s8+$0x240]  }
0x2c5: {  	v4 =	vld [tilespmem:s8+$0x260]  }
0x2c6: {  	[tilespmem:s8+$0x18270] =	vst.add.f32.msk $0xffff, v3  }
0x2c7: {  	v3 =	vld [tilespmem:s8+$0x250]  }
0x2c8: {  	[tilespmem:s8+$0x18200] =	vst.add.f32.msk $0xffff, v8  }
0x2c9: {  	s5 =	simm.s32 $0x0;
	[tilespmem:s8+$0x18210] =	vst.add.f32.msk $0xffff, v9  }
.LBB2_20:
0x2ca: {  	s5 =	sadd.s32 $0x8, s5;
	[tilespmem:s8+$0x18220] =	vst.add.f32.msk $0xffff, v7  }
0x2cb: {  	s7 =	sadd.s32 $0x400, s7;
	s13 =	sshll.u32 s5, $0x4;
	p0 =	slt.u32 s5, $0x3F8;
	[tilespmem:s8+$0x18230] =	vst.add.f32.msk $0xffff, v6  }
0x2cc: {  	s14 =	sand.u32 $0x1C00, s7;
	s15 =	sshll.u32 s5, $0x1;
	s13 =	sand.u32 $0x2000, s13;
	[tilespmem:s8+$0x18240] =	vst.add.f32.msk $0xffff, v5  }
0x2cd: {  	s13 =	sor.u32 s14, s13;
	s14 =	sand.u32 $0x380, s15;
	[tilespmem:s8+$0x18250] =	vst.add.f32.msk $0xffff, v3  }
0x2ce: {  	[tilespmem:s8+$0x18260] =	vst.add.f32.msk $0xffff, v4;
	s8 =	sor.u32 s14, s13  }
0x2cf: {  	v3 =	vld [tilespmem:s8+$0x270]  }
0x2d0: {  	v8 =	vld [tilespmem:s8+$0x200]  }
0x2d1: {  	v9 =	vld [tilespmem:s8+$0x210]  }
0x2d2: {  	v7 =	vld [tilespmem:s8+$0x220]  }
0x2d3: {  	v6 =	vld [tilespmem:s8+$0x230]  }
0x2d4: {  	[tilespmem:s8+$0x18270] =	vst.add.f32.msk $0xffff, v3  }
.Ltmp9:
0x2d5: {  	v5 =	vld [tilespmem:s8+$0x240];
	(pc) =	sbr.rel @p0 .LBB2_20-.Ltmp9, $4  }
0x2d6: {  	v3 =	vld [tilespmem:s8+$0x250]  }
0x2d7: {  	v4 =	vld [tilespmem:s8+$0x260]  }
0x2d8: {  	[tilespmem:s8+$0x18200] =	vst.add.f32.msk $0xffff, v8  }
0x2d9: {  	[tilespmem:s8+$0x18210] =	vst.add.f32.msk $0xffff, v9  }
0x2da: {  	[tilespmem:s8+$0x18220] =	vst.add.f32.msk $0xffff, v7  }
0x2db: {  	[tilespmem:s8+$0x18230] =	vst.add.f32.msk $0xffff, v6  }
0x2dc: {  	[tilespmem:s8+$0x18240] =	vst.add.f32.msk $0xffff, v5  }
0x2dd: {  	[tilespmem:s8+$0x18250] =	vst.add.f32.msk $0xffff, v3  }
0x2de: {  	[tilespmem:s8+$0x18260] =	vst.add.f32.msk $0xffff, v4  }
0x2df: {  	s7 =	simm.s32 $0x0;
	s5 =	rddreg [dreg:$0x18]  }
0x2e0: {  	[hbm4b:s5+s7] =	stream.linear.scatter [tilespmem:s29], [sflag:$0xD], $0x4000, $0x38;
	[tilespmem:$0x1C200] =	vst v63  }
0x2e1: {  	_ =	swait.ge [sflag:s18], $0x4000  }
0x2e2: {  	[sflag:s18] =	ssyncset.done $0x0  }
0x2e3: {  	[sflag:s18] =	ssyncadd.s32 $0xFFFFC000  }
0x2e4: {  	v3 =	vld [tilespmem:$0xB0];
	_ =	sdelay $0x4  }
0x2e5: {  	v4 =	vshll.u32 v3, $0x3  }
0x2e6: {  	v3 =	vand.u32 $0x7, v3;
	v4 =	vand.u32 $0xFFFFFFC0, v4  }
0x2e7: {  	v3 =	vor.u32 v3, v4  }
0x2e8: {  	v4 =	vperm.xlane v3, v0;
	_ =	sdelay $0x1  }
0x2e9: {  	v4 =	vadd.s32 v1, v4;
	_ =	sdelay $0x4  }
0x2ea: {  	[tilespmem:s11], [sflag:$0x7] =	stream.indirect_vreg.gather [hbm4b:s2+s7], $0x80, v4, vm0, $0xb8;
	[tilespmem:$0x1C200] =	vst v63  }
0x2eb: {  	s14 =	simm.s32 $0x14A00;
	v3 =	vperm.xlane v3, v2  }
0x2ec: {  	[tilespmem:s14], [sflag:$0x7] =	stream.indirect_vreg.gather [hbm4b:s9+s7], $0x80, v4, vm0, $0xb8;
	[tilespmem:$0x1C200] =	vst v63  }
0x2ed: {  	s15 =	simm.s32 $0x15200;
	v3 =	vadd.s32 v1, v3  }
0x2ee: {  	[tilespmem:s15], [sflag:$0x7] =	stream.indirect_vreg.gather [hbm4b:s10+s7], $0x80, v4, vm0, $0xb8;
	[tilespmem:$0x1C200] =	vst v63  }
0x2ef: {  	s8 =	simm.s32 $0x15A00  }
0x2f0: {  	[tilespmem:s8], [sflag:$0x7] =	stream.indirect_vreg.gather [hbm4b:s12+s7], $0x80, v4, vm0, $0xb8;
	[tilespmem:$0x1C200] =	vst v63  }
0x2f1: {  	s13 =	simm.s32 $0x16200  }
0x2f2: {  	[tilespmem:s13], [sflag:$0x7] =	stream.indirect_vreg.gather [hbm4b:s2+s7], $0x80, v3, vm0, $0xb8;
	[tilespmem:$0x1C200] =	vst v63  }
0x2f3: {  	s14 =	simm.s32 $0x16A00  }
0x2f4: {  	[tilespmem:s14], [sflag:$0x7] =	stream.indirect_vreg.gather [hbm4b:s9+s7], $0x80, v3, vm0, $0xb8;
	[tilespmem:$0x1C200] =	vst v63  }
0x2f5: {  	s15 =	simm.s32 $0x17200;
	s13 =	simm.s32 $0x0  }
0x2f6: {  	[tilespmem:s15], [sflag:$0x7] =	stream.indirect_vreg.gather [hbm4b:s10+s7], $0x80, v3, vm0, $0xb8;
	[tilespmem:$0x1C200] =	vst v63  }
0x2f7: {  	s8 =	simm.s32 $0x17A00;
	s5 =	sand.u32 $0x2000, s13  }
0x2f8: {  	[tilespmem:s8], [sflag:$0x7] =	stream.indirect_vreg.gather [hbm4b:s12+s7], $0x80, v3, vm0, $0xb8;
	[tilespmem:$0x1C200] =	vst v63  }
0x2f9: {  	s13 =	simm.s32 $0x0;
	s14 =	sand.u32 $0x1C00, s7;
	_ =	swait.ge [sflag:s28], $0x4000  }
0x2fa: {  	s5 =	sor.u32 s14, s5;
	s15 =	sand.u32 $0x380, s13;
	[sflag:s28] =	ssyncset.done $0x0  }
0x2fb: {  	s8 =	sor.u32 s15, s5;
	[sflag:s28] =	ssyncadd.s32 $0xFFFFC000  }
0x2fc: {  	v3 =	vld [tilespmem:s8+$0x270]  }
0x2fd: {  	v8 =	vld [tilespmem:s8+$0x200]  }
0x2fe: {  	v9 =	vld [tilespmem:s8+$0x210]  }
0x2ff: {  	v7 =	vld [tilespmem:s8+$0x220]  }
0x300: {  	v6 =	vld [tilespmem:s8+$0x230]  }
0x301: {  	v5 =	vld [tilespmem:s8+$0x240]  }
0x302: {  	v4 =	vld [tilespmem:s8+$0x260]  }
0x303: {  	[tilespmem:s8+$0x8270] =	vst.add.f32.msk $0xffff, v3  }
0x304: {  	v3 =	vld [tilespmem:s8+$0x250]  }
0x305: {  	[tilespmem:s8+$0x8200] =	vst.add.f32.msk $0xffff, v8  }
0x306: {  	s5 =	simm.s32 $0x0;
	[tilespmem:s8+$0x8210] =	vst.add.f32.msk $0xffff, v9  }
.LBB2_22:
0x307: {  	s5 =	sadd.s32 $0x8, s5;
	[tilespmem:s8+$0x8220] =	vst.add.f32.msk $0xffff, v7  }
0x308: {  	s7 =	sadd.s32 $0x400, s7;
	s13 =	sshll.u32 s5, $0x4;
	p0 =	slt.u32 s5, $0x3F8;
	[tilespmem:s8+$0x8230] =	vst.add.f32.msk $0xffff, v6  }
0x309: {  	s14 =	sand.u32 $0x1C00, s7;
	s15 =	sshll.u32 s5, $0x1;
	s13 =	sand.u32 $0x2000, s13;
	[tilespmem:s8+$0x8240] =	vst.add.f32.msk $0xffff, v5  }
0x30a: {  	s13 =	sor.u32 s14, s13;
	s14 =	sand.u32 $0x380, s15;
	[tilespmem:s8+$0x8250] =	vst.add.f32.msk $0xffff, v3  }
0x30b: {  	[tilespmem:s8+$0x8260] =	vst.add.f32.msk $0xffff, v4;
	s8 =	sor.u32 s14, s13  }
0x30c: {  	v3 =	vld [tilespmem:s8+$0x270]  }
0x30d: {  	v8 =	vld [tilespmem:s8+$0x200]  }
0x30e: {  	v9 =	vld [tilespmem:s8+$0x210]  }
0x30f: {  	v7 =	vld [tilespmem:s8+$0x220]  }
0x310: {  	v6 =	vld [tilespmem:s8+$0x230]  }
0x311: {  	[tilespmem:s8+$0x8270] =	vst.add.f32.msk $0xffff, v3  }
.Ltmp10:
0x312: {  	v5 =	vld [tilespmem:s8+$0x240];
	(pc) =	sbr.rel @p0 .LBB2_22-.Ltmp10, $4  }
0x313: {  	v3 =	vld [tilespmem:s8+$0x250]  }
0x314: {  	v4 =	vld [tilespmem:s8+$0x260]  }
0x315: {  	[tilespmem:s8+$0x8200] =	vst.add.f32.msk $0xffff, v8  }
0x316: {  	[tilespmem:s8+$0x8210] =	vst.add.f32.msk $0xffff, v9  }
0x317: {  	[tilespmem:s8+$0x8220] =	vst.add.f32.msk $0xffff, v7  }
0x318: {  	[tilespmem:s8+$0x8230] =	vst.add.f32.msk $0xffff, v6  }
0x319: {  	[tilespmem:s8+$0x8240] =	vst.add.f32.msk $0xffff, v5  }
0x31a: {  	[tilespmem:s8+$0x8250] =	vst.add.f32.msk $0xffff, v3  }
0x31b: {  	[tilespmem:s8+$0x8260] =	vst.add.f32.msk $0xffff, v4  }
0x31c: {  	s7 =	simm.s32 $0x0;
	s5 =	rddreg [dreg:$0x19]  }
0x31d: {  	[hbm4b:s5+s7] =	stream.linear.scatter [tilespmem:s6], [sflag:$0x9], $0x4000, $0x38;
	[tilespmem:$0x1C200] =	vst v63  }
0x31e: {  	_ =	swait.ge [sflag:s19], $0x4000  }
0x31f: {  	[sflag:s19] =	ssyncset.done $0x0  }
0x320: {  	[sflag:s19] =	ssyncadd.s32 $0xFFFFC000  }
0x321: {  	v3 =	vld [tilespmem:$0x130];
	_ =	sdelay $0x4  }
0x322: {  	v4 =	vshll.u32 v3, $0x3  }
0x323: {  	v3 =	vand.u32 $0x7, v3;
	v4 =	vand.u32 $0xFFFFFFC0, v4  }
0x324: {  	v3 =	vor.u32 v3, v4  }
0x325: {  	v4 =	vperm.xlane v3, v0;
	_ =	sdelay $0x1  }
0x326: {  	v4 =	vadd.s32 v1, v4;
	_ =	sdelay $0x4  }
0x327: {  	[tilespmem:s29], [sflag:$0x8] =	stream.indirect_vreg.gather [hbm4b:s2+s7], $0x80, v4, vm0, $0xb8;
	[tilespmem:$0x1C200] =	vst v63  }
0x328: {  	s14 =	simm.s32 $0x18A00;
	v3 =	vperm.xlane v3, v2  }
0x329: {  	[tilespmem:s14], [sflag:$0x8] =	stream.indirect_vreg.gather [hbm4b:s9+s7], $0x80, v4, vm0, $0xb8;
	[tilespmem:$0x1C200] =	vst v63  }
0x32a: {  	s15 =	simm.s32 $0x19200;
	v3 =	vadd.s32 v1, v3  }
0x32b: {  	[tilespmem:s15], [sflag:$0x8] =	stream.indirect_vreg.gather [hbm4b:s10+s7], $0x80, v4, vm0, $0xb8;
	[tilespmem:$0x1C200] =	vst v63  }
0x32c: {  	s8 =	simm.s32 $0x19A00  }
0x32d: {  	[tilespmem:s8], [sflag:$0x8] =	stream.indirect_vreg.gather [hbm4b:s12+s7], $0x80, v4, vm0, $0xb8;
	[tilespmem:$0x1C200] =	vst v63  }
0x32e: {  	s13 =	simm.s32 $0x1A200  }
0x32f: {  	[tilespmem:s13], [sflag:$0x8] =	stream.indirect_vreg.gather [hbm4b:s2+s7], $0x80, v3, vm0, $0xb8;
	[tilespmem:$0x1C200] =	vst v63  }
0x330: {  	s14 =	simm.s32 $0x1AA00  }
0x331: {  	[tilespmem:s14], [sflag:$0x8] =	stream.indirect_vreg.gather [hbm4b:s9+s7], $0x80, v3, vm0, $0xb8;
	[tilespmem:$0x1C200] =	vst v63  }
0x332: {  	s15 =	simm.s32 $0x1B200;
	s13 =	simm.s32 $0x0  }
0x333: {  	[tilespmem:s15], [sflag:$0x8] =	stream.indirect_vreg.gather [hbm4b:s10+s7], $0x80, v3, vm0, $0xb8;
	[tilespmem:$0x1C200] =	vst v63  }
0x334: {  	s8 =	simm.s32 $0x1BA00;
	s5 =	sand.u32 $0x2000, s13  }
0x335: {  	[tilespmem:s8], [sflag:$0x8] =	stream.indirect_vreg.gather [hbm4b:s12+s7], $0x80, v3, vm0, $0xb8;
	[tilespmem:$0x1C200] =	vst v63  }
0x336: {  	s13 =	simm.s32 $0x0;
	s14 =	sand.u32 $0x1C00, s7;
	_ =	swait.ge [sflag:s21], $0x4000  }
0x337: {  	s5 =	sor.u32 s14, s5;
	s15 =	sand.u32 $0x380, s13;
	[sflag:s21] =	ssyncset.done $0x0  }
0x338: {  	s8 =	sor.u32 s15, s5;
	[sflag:s21] =	ssyncadd.s32 $0xFFFFC000  }
0x339: {  	v3 =	vld [tilespmem:s8+$0x270]  }
0x33a: {  	v8 =	vld [tilespmem:s8+$0x200]  }
0x33b: {  	v9 =	vld [tilespmem:s8+$0x210]  }
0x33c: {  	v7 =	vld [tilespmem:s8+$0x220]  }
0x33d: {  	v6 =	vld [tilespmem:s8+$0x230]  }
0x33e: {  	v5 =	vld [tilespmem:s8+$0x240]  }
0x33f: {  	v4 =	vld [tilespmem:s8+$0x260]  }
0x340: {  	[tilespmem:s8+$0xC270] =	vst.add.f32.msk $0xffff, v3  }
0x341: {  	v3 =	vld [tilespmem:s8+$0x250]  }
0x342: {  	[tilespmem:s8+$0xC200] =	vst.add.f32.msk $0xffff, v8  }
0x343: {  	s5 =	simm.s32 $0x0;
	[tilespmem:s8+$0xC210] =	vst.add.f32.msk $0xffff, v9  }
.LBB2_24:
0x344: {  	s5 =	sadd.s32 $0x8, s5;
	[tilespmem:s8+$0xC220] =	vst.add.f32.msk $0xffff, v7  }
0x345: {  	s7 =	sadd.s32 $0x400, s7;
	s13 =	sshll.u32 s5, $0x4;
	p0 =	slt.u32 s5, $0x3F8;
	[tilespmem:s8+$0xC230] =	vst.add.f32.msk $0xffff, v6  }
0x346: {  	s14 =	sand.u32 $0x1C00, s7;
	s15 =	sshll.u32 s5, $0x1;
	s13 =	sand.u32 $0x2000, s13;
	[tilespmem:s8+$0xC240] =	vst.add.f32.msk $0xffff, v5  }
0x347: {  	s13 =	sor.u32 s14, s13;
	s14 =	sand.u32 $0x380, s15;
	[tilespmem:s8+$0xC250] =	vst.add.f32.msk $0xffff, v3  }
0x348: {  	[tilespmem:s8+$0xC260] =	vst.add.f32.msk $0xffff, v4;
	s8 =	sor.u32 s14, s13  }
0x349: {  	v3 =	vld [tilespmem:s8+$0x270]  }
0x34a: {  	v8 =	vld [tilespmem:s8+$0x200]  }
0x34b: {  	v9 =	vld [tilespmem:s8+$0x210]  }
0x34c: {  	v7 =	vld [tilespmem:s8+$0x220]  }
0x34d: {  	v6 =	vld [tilespmem:s8+$0x230]  }
0x34e: {  	[tilespmem:s8+$0xC270] =	vst.add.f32.msk $0xffff, v3  }
.Ltmp11:
0x34f: {  	v5 =	vld [tilespmem:s8+$0x240];
	(pc) =	sbr.rel @p0 .LBB2_24-.Ltmp11, $4  }
0x350: {  	v3 =	vld [tilespmem:s8+$0x250]  }
0x351: {  	v4 =	vld [tilespmem:s8+$0x260]  }
0x352: {  	[tilespmem:s8+$0xC200] =	vst.add.f32.msk $0xffff, v8  }
0x353: {  	[tilespmem:s8+$0xC210] =	vst.add.f32.msk $0xffff, v9  }
0x354: {  	[tilespmem:s8+$0xC220] =	vst.add.f32.msk $0xffff, v7  }
0x355: {  	[tilespmem:s8+$0xC230] =	vst.add.f32.msk $0xffff, v6  }
0x356: {  	[tilespmem:s8+$0xC240] =	vst.add.f32.msk $0xffff, v5  }
0x357: {  	[tilespmem:s8+$0xC250] =	vst.add.f32.msk $0xffff, v3  }
0x358: {  	[tilespmem:s8+$0xC260] =	vst.add.f32.msk $0xffff, v4  }
0x359: {  	s7 =	simm.s32 $0x0;
	s5 =	rddreg [dreg:$0x1a]  }
0x35a: {  	[hbm4b:s5+s7] =	stream.linear.scatter [tilespmem:s17], [sflag:$0xA], $0x4000, $0x38;
	[tilespmem:$0x1C200] =	vst v63  }
0x35b: {  	_ =	swait.ge [sflag:s22], $0x4000  }
0x35c: {  	[sflag:s22] =	ssyncset.done $0x0  }
0x35d: {  	[sflag:s22] =	ssyncadd.s32 $0xFFFFC000  }
0x35e: {  	v3 =	vld [tilespmem:$0x1B0];
	_ =	sdelay $0x4  }
0x35f: {  	v4 =	vshll.u32 v3, $0x3  }
0x360: {  	v3 =	vand.u32 $0x7, v3;
	v4 =	vand.u32 $0xFFFFFFC0, v4  }
0x361: {  	v3 =	vor.u32 v3, v4  }
0x362: {  	v4 =	vperm.xlane v3, v0;
	_ =	sdelay $0x1  }
0x363: {  	v4 =	vadd.s32 v1, v4;
	_ =	sdelay $0x4  }
0x364: {  	[tilespmem:s6], [sflag:$0x4] =	stream.indirect_vreg.gather [hbm4b:s2+s7], $0x80, v4, vm0, $0xb8;
	[tilespmem:$0x1C200] =	vst v63  }
0x365: {  	s15 =	simm.s32 $0x8A00;
	v3 =	vperm.xlane v3, v2  }
0x366: {  	[tilespmem:s15], [sflag:$0x4] =	stream.indirect_vreg.gather [hbm4b:s9+s7], $0x80, v4, vm0, $0xb8;
	[tilespmem:$0x1C200] =	vst v63  }
0x367: {  	s8 =	simm.s32 $0x9200;
	v3 =	vadd.s32 v1, v3  }
0x368: {  	[tilespmem:s8], [sflag:$0x4] =	stream.indirect_vreg.gather [hbm4b:s10+s7], $0x80, v4, vm0, $0xb8;
	[tilespmem:$0x1C200] =	vst v63  }
0x369: {  	s13 =	simm.s32 $0x9A00  }
0x36a: {  	[tilespmem:s13], [sflag:$0x4] =	stream.indirect_vreg.gather [hbm4b:s12+s7], $0x80, v4, vm0, $0xb8;
	[tilespmem:$0x1C200] =	vst v63  }
0x36b: {  	s14 =	simm.s32 $0xA200  }
0x36c: {  	[tilespmem:s14], [sflag:$0x4] =	stream.indirect_vreg.gather [hbm4b:s2+s7], $0x80, v3, vm0, $0xb8;
	[tilespmem:$0x1C200] =	vst v63  }
0x36d: {  	s15 =	simm.s32 $0xAA00  }
0x36e: {  	[tilespmem:s15], [sflag:$0x4] =	stream.indirect_vreg.gather [hbm4b:s9+s7], $0x80, v3, vm0, $0xb8;
	[tilespmem:$0x1C200] =	vst v63  }
0x36f: {  	s8 =	simm.s32 $0xB200  }
0x370: {  	[tilespmem:s8], [sflag:$0x4] =	stream.indirect_vreg.gather [hbm4b:s10+s7], $0x80, v3, vm0, $0xb8;
	[tilespmem:$0x1C200] =	vst v63  }
0x371: {  	_ = 	snop  }
0x372: {  	[tilespmem:s16], [sflag:$0x4] =	stream.indirect_vreg.gather [hbm4b:s12+s7], $0x80, v3, vm0, $0xb8;
	[tilespmem:$0x1C200] =	vst v63  }
0x373: {  	_ =	swait.ge [sflag:s1], $0x4000  }
0x374: {  	s13 =	simm.s32 $0x0;
	[sflag:s1] =	ssyncset.done $0x0  }
0x375: {  	s5 =	sand.u32 $0x2000, s13;
	[sflag:s1] =	ssyncadd.s32 $0xFFFFC000  }
0x376: {  	s13 =	simm.s32 $0x0;
	s14 =	sand.u32 $0x1C00, s7;
	_ =	swait.ge [sflag:s23], $0x4000  }
0x377: {  	s5 =	sor.u32 s14, s5;
	s15 =	sand.u32 $0x380, s13;
	[sflag:s23] =	ssyncset.done $0x0  }
0x378: {  	s8 =	sor.u32 s15, s5;
	[sflag:s23] =	ssyncadd.s32 $0xFFFFC000  }
0x379: {  	v3 =	vld [tilespmem:s8+$0x4270]  }
0x37a: {  	v8 =	vld [tilespmem:s8+$0x4200]  }
0x37b: {  	v9 =	vld [tilespmem:s8+$0x4210]  }
0x37c: {  	v7 =	vld [tilespmem:s8+$0x4220]  }
0x37d: {  	v6 =	vld [tilespmem:s8+$0x4230]  }
0x37e: {  	v5 =	vld [tilespmem:s8+$0x4240]  }
0x37f: {  	v4 =	vld [tilespmem:s8+$0x4260]  }
0x380: {  	[tilespmem:s8+$0x10270] =	vst.add.f32.msk $0xffff, v3  }
0x381: {  	v3 =	vld [tilespmem:s8+$0x4250]  }
0x382: {  	[tilespmem:s8+$0x10200] =	vst.add.f32.msk $0xffff, v8  }
0x383: {  	s5 =	simm.s32 $0x0;
	[tilespmem:s8+$0x10210] =	vst.add.f32.msk $0xffff, v9  }
.LBB2_26:
0x384: {  	s5 =	sadd.s32 $0x8, s5;
	[tilespmem:s8+$0x10220] =	vst.add.f32.msk $0xffff, v7  }
0x385: {  	s7 =	sadd.s32 $0x400, s7;
	s13 =	sshll.u32 s5, $0x4;
	p0 =	slt.u32 s5, $0x3F8;
	[tilespmem:s8+$0x10230] =	vst.add.f32.msk $0xffff, v6  }
0x386: {  	s14 =	sand.u32 $0x1C00, s7;
	s15 =	sshll.u32 s5, $0x1;
	s13 =	sand.u32 $0x2000, s13;
	[tilespmem:s8+$0x10240] =	vst.add.f32.msk $0xffff, v5  }
0x387: {  	s13 =	sor.u32 s14, s13;
	s14 =	sand.u32 $0x380, s15;
	[tilespmem:s8+$0x10250] =	vst.add.f32.msk $0xffff, v3  }
0x388: {  	[tilespmem:s8+$0x10260] =	vst.add.f32.msk $0xffff, v4;
	s8 =	sor.u32 s14, s13  }
0x389: {  	v3 =	vld [tilespmem:s8+$0x4270]  }
0x38a: {  	v8 =	vld [tilespmem:s8+$0x4200]  }
0x38b: {  	v9 =	vld [tilespmem:s8+$0x4210]  }
0x38c: {  	v7 =	vld [tilespmem:s8+$0x4220]  }
0x38d: {  	v6 =	vld [tilespmem:s8+$0x4230]  }
0x38e: {  	[tilespmem:s8+$0x10270] =	vst.add.f32.msk $0xffff, v3  }
.Ltmp12:
0x38f: {  	v5 =	vld [tilespmem:s8+$0x4240];
	(pc) =	sbr.rel @p0 .LBB2_26-.Ltmp12, $4  }
0x390: {  	v3 =	vld [tilespmem:s8+$0x4250]  }
0x391: {  	v4 =	vld [tilespmem:s8+$0x4260]  }
0x392: {  	[tilespmem:s8+$0x10200] =	vst.add.f32.msk $0xffff, v8  }
0x393: {  	[tilespmem:s8+$0x10210] =	vst.add.f32.msk $0xffff, v9  }
0x394: {  	[tilespmem:s8+$0x10220] =	vst.add.f32.msk $0xffff, v7  }
0x395: {  	[tilespmem:s8+$0x10230] =	vst.add.f32.msk $0xffff, v6  }
0x396: {  	[tilespmem:s8+$0x10240] =	vst.add.f32.msk $0xffff, v5  }
0x397: {  	[tilespmem:s8+$0x10250] =	vst.add.f32.msk $0xffff, v3  }
0x398: {  	s7 =	simm.s32 $0x0;
	[tilespmem:s8+$0x10260] =	vst.add.f32.msk $0xffff, v4  }
0x399: {  	s13 =	simm.s32 $0x0;
	s14 =	sand.u32 $0x1C00, s7;
	s5 =	rddreg [dreg:$0x15]  }
0x39a: {  	[hbm4b:s5+s7] =	stream.linear.scatter [tilespmem:s25], [sflag:$0xB], $0x4000, $0x38;
	[tilespmem:$0x1C200] =	vst v63  }
0x39b: {  	s5 =	sand.u32 $0x2000, s13;
	s13 =	simm.s32 $0x0;
	_ =	swait.ge [sflag:s30], $0x4000  }
0x39c: {  	s5 =	sor.u32 s14, s5;
	s15 =	sand.u32 $0x380, s13;
	[sflag:s30] =	ssyncset.done $0x0  }
0x39d: {  	s8 =	sor.u32 s15, s5;
	[sflag:s30] =	ssyncadd.s32 $0xFFFFC000  }
0x39e: {  	v3 =	vld [tilespmem:s8+$0x4270]  }
0x39f: {  	v8 =	vld [tilespmem:s8+$0x4200]  }
0x3a0: {  	v9 =	vld [tilespmem:s8+$0x4210]  }
0x3a1: {  	v7 =	vld [tilespmem:s8+$0x4220]  }
0x3a2: {  	v6 =	vld [tilespmem:s8+$0x4230]  }
0x3a3: {  	v5 =	vld [tilespmem:s8+$0x4240]  }
0x3a4: {  	v4 =	vld [tilespmem:s8+$0x4260]  }
0x3a5: {  	[tilespmem:s8+$0x14270] =	vst.add.f32.msk $0xffff, v3  }
0x3a6: {  	v3 =	vld [tilespmem:s8+$0x4250]  }
0x3a7: {  	[tilespmem:s8+$0x14200] =	vst.add.f32.msk $0xffff, v8  }
0x3a8: {  	s5 =	simm.s32 $0x0;
	[tilespmem:s8+$0x14210] =	vst.add.f32.msk $0xffff, v9  }
.LBB2_28:
0x3a9: {  	s5 =	sadd.s32 $0x8, s5;
	[tilespmem:s8+$0x14220] =	vst.add.f32.msk $0xffff, v7  }
0x3aa: {  	s7 =	sadd.s32 $0x400, s7;
	s13 =	sshll.u32 s5, $0x4;
	p0 =	slt.u32 s5, $0x3F8;
	[tilespmem:s8+$0x14230] =	vst.add.f32.msk $0xffff, v6  }
0x3ab: {  	s14 =	sand.u32 $0x1C00, s7;
	s15 =	sshll.u32 s5, $0x1;
	s13 =	sand.u32 $0x2000, s13;
	[tilespmem:s8+$0x14240] =	vst.add.f32.msk $0xffff, v5  }
0x3ac: {  	s13 =	sor.u32 s14, s13;
	s14 =	sand.u32 $0x380, s15;
	[tilespmem:s8+$0x14250] =	vst.add.f32.msk $0xffff, v3  }
0x3ad: {  	[tilespmem:s8+$0x14260] =	vst.add.f32.msk $0xffff, v4;
	s8 =	sor.u32 s14, s13  }
0x3ae: {  	v3 =	vld [tilespmem:s8+$0x4270]  }
0x3af: {  	v8 =	vld [tilespmem:s8+$0x4200]  }
0x3b0: {  	v9 =	vld [tilespmem:s8+$0x4210]  }
0x3b1: {  	v7 =	vld [tilespmem:s8+$0x4220]  }
0x3b2: {  	v6 =	vld [tilespmem:s8+$0x4230]  }
0x3b3: {  	[tilespmem:s8+$0x14270] =	vst.add.f32.msk $0xffff, v3  }
.Ltmp13:
0x3b4: {  	v5 =	vld [tilespmem:s8+$0x4240];
	(pc) =	sbr.rel @p0 .LBB2_28-.Ltmp13, $4  }
0x3b5: {  	v3 =	vld [tilespmem:s8+$0x4250]  }
0x3b6: {  	v4 =	vld [tilespmem:s8+$0x4260]  }
0x3b7: {  	[tilespmem:s8+$0x14200] =	vst.add.f32.msk $0xffff, v8  }
0x3b8: {  	[tilespmem:s8+$0x14210] =	vst.add.f32.msk $0xffff, v9  }
0x3b9: {  	[tilespmem:s8+$0x14220] =	vst.add.f32.msk $0xffff, v7  }
0x3ba: {  	[tilespmem:s8+$0x14230] =	vst.add.f32.msk $0xffff, v6  }
0x3bb: {  	[tilespmem:s8+$0x14240] =	vst.add.f32.msk $0xffff, v5  }
0x3bc: {  	[tilespmem:s8+$0x14250] =	vst.add.f32.msk $0xffff, v3  }
0x3bd: {  	s7 =	simm.s32 $0x0;
	[tilespmem:s8+$0x14260] =	vst.add.f32.msk $0xffff, v4  }
0x3be: {  	s13 =	simm.s32 $0x0;
	s14 =	sand.u32 $0x1C00, s7;
	s5 =	rddreg [dreg:$0x1b]  }
0x3bf: {  	[hbm4b:s5+s7] =	stream.linear.scatter [tilespmem:s11], [sflag:$0xC], $0x4000, $0x38;
	[tilespmem:$0x1C200] =	vst v63  }
0x3c0: {  	s5 =	sand.u32 $0x2000, s13;
	s13 =	simm.s32 $0x0;
	_ =	swait.ge [sflag:s4], $0x4000  }
0x3c1: {  	s5 =	sor.u32 s14, s5;
	s15 =	sand.u32 $0x380, s13;
	[sflag:s4] =	ssyncset.done $0x0  }
0x3c2: {  	s8 =	sor.u32 s15, s5;
	[sflag:s4] =	ssyncadd.s32 $0xFFFFC000  }
0x3c3: {  	v3 =	vld [tilespmem:s8+$0x4270]  }
0x3c4: {  	v8 =	vld [tilespmem:s8+$0x4200]  }
0x3c5: {  	v9 =	vld [tilespmem:s8+$0x4210]  }
0x3c6: {  	v7 =	vld [tilespmem:s8+$0x4220]  }
0x3c7: {  	v6 =	vld [tilespmem:s8+$0x4230]  }
0x3c8: {  	v5 =	vld [tilespmem:s8+$0x4240]  }
0x3c9: {  	v4 =	vld [tilespmem:s8+$0x4260]  }
0x3ca: {  	[tilespmem:s8+$0x18270] =	vst.add.f32.msk $0xffff, v3  }
0x3cb: {  	v3 =	vld [tilespmem:s8+$0x4250]  }
0x3cc: {  	[tilespmem:s8+$0x18200] =	vst.add.f32.msk $0xffff, v8  }
0x3cd: {  	s5 =	simm.s32 $0x0;
	[tilespmem:s8+$0x18210] =	vst.add.f32.msk $0xffff, v9  }
.LBB2_30:
0x3ce: {  	s5 =	sadd.s32 $0x8, s5;
	[tilespmem:s8+$0x18220] =	vst.add.f32.msk $0xffff, v7  }
0x3cf: {  	s7 =	sadd.s32 $0x400, s7;
	s13 =	sshll.u32 s5, $0x4;
	p0 =	slt.u32 s5, $0x3F8;
	[tilespmem:s8+$0x18230] =	vst.add.f32.msk $0xffff, v6  }
0x3d0: {  	s14 =	sand.u32 $0x1C00, s7;
	s15 =	sshll.u32 s5, $0x1;
	s13 =	sand.u32 $0x2000, s13;
	[tilespmem:s8+$0x18240] =	vst.add.f32.msk $0xffff, v5  }
0x3d1: {  	s13 =	sor.u32 s14, s13;
	s14 =	sand.u32 $0x380, s15;
	[tilespmem:s8+$0x18250] =	vst.add.f32.msk $0xffff, v3  }
0x3d2: {  	[tilespmem:s8+$0x18260] =	vst.add.f32.msk $0xffff, v4;
	s8 =	sor.u32 s14, s13  }
0x3d3: {  	v3 =	vld [tilespmem:s8+$0x4270]  }
0x3d4: {  	v8 =	vld [tilespmem:s8+$0x4200]  }
0x3d5: {  	v9 =	vld [tilespmem:s8+$0x4210]  }
0x3d6: {  	v7 =	vld [tilespmem:s8+$0x4220]  }
0x3d7: {  	v6 =	vld [tilespmem:s8+$0x4230]  }
0x3d8: {  	[tilespmem:s8+$0x18270] =	vst.add.f32.msk $0xffff, v3  }
.Ltmp14:
0x3d9: {  	v5 =	vld [tilespmem:s8+$0x4240];
	(pc) =	sbr.rel @p0 .LBB2_30-.Ltmp14, $4  }
0x3da: {  	v3 =	vld [tilespmem:s8+$0x4250]  }
0x3db: {  	v4 =	vld [tilespmem:s8+$0x4260]  }
0x3dc: {  	[tilespmem:s8+$0x18200] =	vst.add.f32.msk $0xffff, v8  }
0x3dd: {  	[tilespmem:s8+$0x18210] =	vst.add.f32.msk $0xffff, v9  }
0x3de: {  	[tilespmem:s8+$0x18220] =	vst.add.f32.msk $0xffff, v7  }
0x3df: {  	[tilespmem:s8+$0x18230] =	vst.add.f32.msk $0xffff, v6  }
0x3e0: {  	[tilespmem:s8+$0x18240] =	vst.add.f32.msk $0xffff, v5  }
0x3e1: {  	[tilespmem:s8+$0x18250] =	vst.add.f32.msk $0xffff, v3  }
0x3e2: {  	s7 =	simm.s32 $0x0;
	[tilespmem:s8+$0x18260] =	vst.add.f32.msk $0xffff, v4  }
0x3e3: {  	s13 =	simm.s32 $0x0;
	s14 =	sand.u32 $0x1C00, s7;
	s5 =	rddreg [dreg:$0x1c]  }
0x3e4: {  	[hbm4b:s5+s7] =	stream.linear.scatter [tilespmem:s29], [sflag:$0xD], $0x4000, $0x38;
	[tilespmem:$0x1C200] =	vst v63  }
0x3e5: {  	s5 =	sand.u32 $0x2000, s13;
	s13 =	simm.s32 $0x0;
	_ =	swait.ge [sflag:s28], $0x4000  }
0x3e6: {  	s5 =	sor.u32 s14, s5;
	s15 =	sand.u32 $0x380, s13;
	[sflag:s28] =	ssyncset.done $0x0  }
0x3e7: {  	s8 =	sor.u32 s15, s5;
	[sflag:s28] =	ssyncadd.s32 $0xFFFFC000  }
0x3e8: {  	v3 =	vld [tilespmem:s8+$0x4270]  }
0x3e9: {  	v8 =	vld [tilespmem:s8+$0x4200]  }
0x3ea: {  	v9 =	vld [tilespmem:s8+$0x4210]  }
0x3eb: {  	v7 =	vld [tilespmem:s8+$0x4220]  }
0x3ec: {  	v6 =	vld [tilespmem:s8+$0x4230]  }
0x3ed: {  	v5 =	vld [tilespmem:s8+$0x4240]  }
0x3ee: {  	v4 =	vld [tilespmem:s8+$0x4260]  }
0x3ef: {  	[tilespmem:s8+$0x8270] =	vst.add.f32.msk $0xffff, v3  }
0x3f0: {  	v3 =	vld [tilespmem:s8+$0x4250]  }
0x3f1: {  	[tilespmem:s8+$0x8200] =	vst.add.f32.msk $0xffff, v8  }
0x3f2: {  	s5 =	simm.s32 $0x0;
	[tilespmem:s8+$0x8210] =	vst.add.f32.msk $0xffff, v9  }
.LBB2_32:
0x3f3: {  	s5 =	sadd.s32 $0x8, s5;
	[tilespmem:s8+$0x8220] =	vst.add.f32.msk $0xffff, v7  }
0x3f4: {  	s7 =	sadd.s32 $0x400, s7;
	s13 =	sshll.u32 s5, $0x4;
	p0 =	slt.u32 s5, $0x3F8;
	[tilespmem:s8+$0x8230] =	vst.add.f32.msk $0xffff, v6  }
0x3f5: {  	s14 =	sand.u32 $0x1C00, s7;
	s15 =	sshll.u32 s5, $0x1;
	s13 =	sand.u32 $0x2000, s13;
	[tilespmem:s8+$0x8240] =	vst.add.f32.msk $0xffff, v5  }
0x3f6: {  	s13 =	sor.u32 s14, s13;
	s14 =	sand.u32 $0x380, s15;
	[tilespmem:s8+$0x8250] =	vst.add.f32.msk $0xffff, v3  }
0x3f7: {  	[tilespmem:s8+$0x8260] =	vst.add.f32.msk $0xffff, v4;
	s8 =	sor.u32 s14, s13  }
0x3f8: {  	v3 =	vld [tilespmem:s8+$0x4270]  }
0x3f9: {  	v8 =	vld [tilespmem:s8+$0x4200]  }
0x3fa: {  	v9 =	vld [tilespmem:s8+$0x4210]  }
0x3fb: {  	v7 =	vld [tilespmem:s8+$0x4220]  }
0x3fc: {  	v6 =	vld [tilespmem:s8+$0x4230]  }
0x3fd: {  	[tilespmem:s8+$0x8270] =	vst.add.f32.msk $0xffff, v3  }
.Ltmp15:
0x3fe: {  	v5 =	vld [tilespmem:s8+$0x4240];
	(pc) =	sbr.rel @p0 .LBB2_32-.Ltmp15, $4  }
0x3ff: {  	v3 =	vld [tilespmem:s8+$0x4250]  }
0x400: {  	v4 =	vld [tilespmem:s8+$0x4260]  }
0x401: {  	[tilespmem:s8+$0x8200] =	vst.add.f32.msk $0xffff, v8  }
0x402: {  	[tilespmem:s8+$0x8210] =	vst.add.f32.msk $0xffff, v9  }
0x403: {  	[tilespmem:s8+$0x8220] =	vst.add.f32.msk $0xffff, v7  }
0x404: {  	[tilespmem:s8+$0x8230] =	vst.add.f32.msk $0xffff, v6  }
0x405: {  	[tilespmem:s8+$0x8240] =	vst.add.f32.msk $0xffff, v5  }
0x406: {  	[tilespmem:s8+$0x8250] =	vst.add.f32.msk $0xffff, v3  }
0x407: {  	[tilespmem:s8+$0x8260] =	vst.add.f32.msk $0xffff, v4  }
0x408: {  	s5 =	rddreg [dreg:$0x1d]  }
0x409: {  	[hbm4b:s5+s3] =	stream.linear.scatter [tilespmem:s6], [sflag:$0x9], $0x4000, $0x38;
	[tilespmem:$0x1C200] =	vst v63  }
0x40a: {  	_ =	swait.ge [sflag:s22], $0x4000  }
0x40b: {  	[sflag:s22] =	ssyncset.done $0x0  }
0x40c: {  	[sflag:s22] =	ssyncadd.s32 $0xFFFFC000  }
0x40d: {  	_ =	swait.ge [sflag:s24], $0x4000  }
0x40e: {  	[sflag:s24] =	ssyncset.done $0x0  }
0x40f: {  	[sflag:s24] =	ssyncadd.s32 $0xFFFFC000  }
0x410: {  	_ =	swait.ge [sflag:s31], $0x4000  }
0x411: {  	[sflag:s31] =	ssyncset.done $0x0  }
0x412: {  	[sflag:s31] =	ssyncadd.s32 $0xFFFFC000  }
0x413: {  	_ =	swait.ge [sflag:s18], $0x4000  }
0x414: {  	[sflag:s18] =	ssyncset.done $0x0  }
0x415: {  	[sflag:s18] =	ssyncadd.s32 $0xFFFFC000  }
0x416: {  	_ =	swait.ge [sflag:s19], $0x4000  }
0x417: {  	s20 =	sadd.s32 $0x1, s20;
	s15 =	rddreg [dreg:$0x17]  }
0x418: {  	p0 =	sne.s32 s20, s15  }
.Ltmp16:
0x419: {  	_ = 	snop;
	(pc) =	sbr.rel @p0 .LBB2_1-.Ltmp16, $3  }
0x41a: {  	_ =	sdelay $0x1  }
0x41b: {  	[sflag:s19] =	ssyncset.done $0x0  }
0x41c: {  	[sflag:s19] =	ssyncadd.s32 $0xFFFFC000  }
0x41d: {  	_ =	sfence.sel $0x180000  }
0x41e: {  	[bflag:$0x0] =	sbarrier.arrive $0xFFFF  }
0x41f: {  	_ =	strace $0x90000047  }
0x420: {  	s0 =	stileid.u32;
	[bflag:$0x2] =	sbarrier.arrive $0xFFFF  }
0x421: {  	p0 =	sne.s32 s0, $0x0;
	s0 =	rddreg [dreg:$0x4]  }
0x422: {  	s0 =	sadd.s32 @!p0 $0x100000, s0  }
0x423: {  	[sflag:s0] =	ssyncadd.tile.s32 @!p0 $0x1;
	_ =	shalt  }
.Lfunc_end2:
_tile_overlayer_lowered:
.L_overlay_start_2:
0x424: {  	(tag) =	ssettag $0x2  }
0x425: {  	s0 =	rddreg [dreg:$0x0];
	s2 =	stileid.u32  }
0x426: {  	s1 =	rddreg [dreg:$0x1];
	p0 =	sne.s32 s2, $0x0  }
0x427: {  	s3 =	rddreg [dreg:$0x2];
	[bflag:$0x3] =	sbarrier.arrive $0xFFFF;
	s2 =	simm.s32 @!p0 $0x1C0E  }
0x428: {  	[timem:s3], [sflag:s2] =	dma.local @!p0 [hbm:s0], s1  }
0x429: {  	s0 =	simm.s32 @!p0 $0xE  }
0x42a: {  	_ =	swait.ge @!p0 [sflag:s0], s1  }
0x42b: {  	s1 =	ssub.s32 @!p0 $0x0, s1;
	[sflag:s0] =	ssyncset.done @!p0 $0x0  }
0x42c: {  	[sflag:s0] =	ssyncadd.s32 @!p0 s1  }
0x42d: {  	[bflag:$0x3] =	sbarrier.arrive $0xFFFF  }
0x42e: {  	_ =	shalt  }

</sc_bundles>
